<compile_context>
chip_gen: v7x
topology: tpu7x:2x2x1
jax: 0.10.2.dev20260603
libtpu: 0.0.44.dev20260713+nightly
codegen_flags: <defaults>
</compile_context>

<pallas_src>
import jax
import jax.numpy as jnp
from jax import lax
from jax.experimental import pallas as pl
from jax.experimental.pallas import tpu as pltpu
from jax.experimental.pallas import tpu_sc as plsc

N = 10000
E = 320000
F_IN = 128
H = 64
C = 2
G = 128

NC = 2
NS = 16
NW = NC * NS

EP = E + N
K = 128
CHUNKS_PER_TILE = 81
CE = CHUNKS_PER_TILE * K
EP_PAD = NW * CE
ROWS2D = EP_PAD // K

N_PAD = 10240
NR = N_PAD // NW
G1 = G + 1

_MESH = plsc.VectorSubcoreMesh(core_axis_name="c", subcore_axis_name="s",
                               num_cores=NC, num_subcores=NS)
_SC_PARAMS = pltpu.CompilerParams(use_tc_tiling_on_sc=False,
                                  needs_layout_passes=False)


def _bcast_lane(vec, j):
  idx = jnp.full((16,), j, dtype=jnp.int32)
  return vec.at[idx].get(mode="promise_in_bounds")


def _sc_edges_body(src_hbm, dst_hbm, av_hbm, xw_hbm,
                   ex_hbm, outp_hbm, denp_hbm,
                   sd_v, av_v, ex_v, rows_v, zden_v, out_sh, den_sh,
                   sem, osem, den_sem):
  c = lax.axis_index("c")
  s = lax.axis_index("s")
  t = c * NS + s
  row0 = t * CHUNKS_PER_TILE

  zeros16 = jnp.zeros((16,), jnp.float32)

  zeros32b = jnp.zeros((32,), jnp.bfloat16)
  def _zrow(r, _):
    for m in range(H // 32):
      rows_v[0, r, pl.ds(32 * m, 32)] = zeros32b
    return 0
  lax.fori_loop(0, K, _zrow, 0)
  for m in range(4):
    zden_v[pl.ds(16 * m, 16)] = zeros16
  for m in range(NR * NW // NS // K):
    pltpu.sync_copy(rows_v.at[0], out_sh.at[pl.ds(s * 640 + m * K, K), :])
  for m in range(10):
    pltpu.sync_copy(zden_v, den_sh.at[pl.ds(s * 640 + m * 64, 64)])

  pltpu.sync_copy(av_hbm, av_v)
  pltpu.sync_copy(src_hbm.at[pl.ds(row0, CHUNKS_PER_TILE), :],
                  sd_v.at[pl.ds(0, CHUNKS_PER_TILE), :])
  pltpu.sync_copy(dst_hbm.at[pl.ds(row0, CHUNKS_PER_TILE), :],
                  sd_v.at[pl.ds(CHUNKS_PER_TILE, CHUNKS_PER_TILE), :])

  plsc.subcore_barrier()

  iota16 = lax.iota(jnp.int32, 16)

  DEN_LAG = 4

  def _den_issue(ch):
    pltpu.async_copy(ex_v.at[ch], den_sh.at[sd_v.at[CHUNKS_PER_TILE + ch]],
                     den_sem, add=True)

  def _den_wait(ch):
    pltpu.make_async_copy(ex_v.at[ch],
                          den_sh.at[sd_v.at[CHUNKS_PER_TILE + ch]],
                          den_sem).wait()

  def _gather(ch, buf):
    pltpu.async_copy(xw_hbm.at[sd_v.at[ch]], rows_v.at[buf], sem.at[buf])

  def _gather_wait(ch, buf):
    pltpu.make_async_copy(xw_hbm.at[sd_v.at[ch]], rows_v.at[buf],
                          sem.at[buf]).wait()

  def _scatter(ch, buf):
    pltpu.async_copy(rows_v.at[buf],
                     out_sh.at[sd_v.at[CHUNKS_PER_TILE + ch]],
                     osem.at[buf], add=True)

  def _scatter_wait(ch, buf):
    pltpu.make_async_copy(rows_v.at[buf],
                          out_sh.at[sd_v.at[CHUNKS_PER_TILE + ch]],
                          osem.at[buf]).wait()

  _gather(0, 0)
  def _chunk(ch, _):
    buf = lax.rem(ch, 2)
    obuf = 1 - buf
    @plsc.parallel_loop(0, K, step=16, unroll=4)
    def _grp(g16):
      i16s = sd_v[ch, pl.ds(g16, 16)]
      i16d = sd_v[CHUNKS_PER_TILE + ch, pl.ds(g16, 16)]
      va = plsc.load_gather(av_v, [2 * i16s])
      vb = plsc.load_gather(av_v, [2 * i16d + 1])
      sab = va + vb
      alpha = jnp.where(sab >= 0.0, sab, 0.2 * sab)
      eid = (row0 + ch) * K + g16 + iota16
      exm = jnp.where(eid < EP, jnp.exp(alpha), 0.0)
      ex_v[ch, pl.ds(g16, 16)] = exm
    _den_issue(ch)
    @pl.when(ch >= DEN_LAG)
    def _():
      _den_wait(ch - DEN_LAG)
    _gather_wait(ch, buf)
    @pl.when(ch >= 1)
    def _():
      _scatter_wait(ch - 1, obuf)
    @pl.when(ch + 1 < CHUNKS_PER_TILE)
    def _():
      _gather(ch + 1, obuf)
    @plsc.parallel_loop(0, K, step=1, unroll=8)
    def _scale(r):
      g16 = r & ~15
      j = r & 15
      e16 = ex_v[ch, pl.ds(g16, 16)]
      bc = _bcast_lane(e16, j)
      bcb = plsc.pack(bc, bc, format=plsc.PackFormat.INTERLEAVED)
      rv = rows_v.at[buf]
      rv[r, pl.ds(0, 32)] = rv[r, pl.ds(0, 32)] * bcb
      rv[r, pl.ds(32, 32)] = rv[r, pl.ds(32, 32)] * bcb
    _scatter(ch, buf)
    return 0
  lax.fori_loop(0, CHUNKS_PER_TILE, _chunk, 0)
  _scatter_wait(CHUNKS_PER_TILE - 1, lax.rem(CHUNKS_PER_TILE - 1, 2))
  def _den_drain(ch, _):
    _den_wait(ch)
    return 0
  lax.fori_loop(CHUNKS_PER_TILE - DEN_LAG, CHUNKS_PER_TILE, _den_drain, 0)

  pltpu.sync_copy(ex_v, ex_hbm.at[pl.ds(row0, CHUNKS_PER_TILE), :])

  plsc.subcore_barrier()
  for m in range(5):
    pltpu.sync_copy(out_sh.at[pl.ds(s * 640 + m * K, K), :],
                    outp_hbm.at[c, pl.ds(s * 640 + m * K, K), :])
  pltpu.sync_copy(den_sh.at[pl.ds(s * 640, 640)],
                  denp_hbm.at[c, pl.ds(s * 640, 640)])


_sc_edges = pl.kernel(
    _sc_edges_body,
    out_type=(
        jax.ShapeDtypeStruct((ROWS2D, K), jnp.float32),
        jax.ShapeDtypeStruct((NC, N_PAD, H), jnp.bfloat16),
        jax.ShapeDtypeStruct((NC, N_PAD), jnp.float32),
    ),
    mesh=_MESH,
    scratch_types=[
        pltpu.VMEM((2 * CHUNKS_PER_TILE, K), jnp.int32),
        pltpu.VMEM((2 * N,), jnp.float32),
        pltpu.VMEM((CHUNKS_PER_TILE, K), jnp.float32),
        pltpu.VMEM((2, K, H), jnp.bfloat16),
        pltpu.VMEM((64,), jnp.float32),
        pltpu.VMEM_SHARED((N_PAD, H), jnp.bfloat16),
        pltpu.VMEM_SHARED((N_PAD,), jnp.float32),
        pltpu.SemaphoreType.DMA((2,)),
        pltpu.SemaphoreType.DMA((2,)),
        pltpu.SemaphoreType.DMA,
    ],
    compiler_params=_SC_PARAMS,
)


def _sc_att_pool_body(dst_hbm, ex_hbm, denp_hbm, outp_hbm, batch_hbm,
                      att_hbm, poolp_hbm,
                      dst_v, ex_v, rec_v, d1_v, o_v, o1_v, batch_v, pool_v,
                      ssem):
  c = lax.axis_index("c")
  s = lax.axis_index("s")
  t = c * NS + s
  row0 = t * CHUNKS_PER_TILE
  n0 = t * NR

  stages = [
      (denp_hbm.at[0, :], rec_v),
      (denp_hbm.at[1, :], d1_v),
      (dst_hbm.at[pl.ds(row0, CHUNKS_PER_TILE), :], dst_v),
      (ex_hbm.at[pl.ds(row0, CHUNKS_PER_TILE), :], ex_v),
      (outp_hbm.at[0, pl.ds(n0, NR), :], o_v),
      (outp_hbm.at[1, pl.ds(n0, NR), :], o1_v),
      (batch_hbm.at[pl.ds(n0, NR)], batch_v),
  ]
  for src, dstr in stages:
    pltpu.async_copy(src, dstr, ssem)
  for src, dstr in stages:
    pltpu.make_async_copy(src, dstr, ssem).wait()

  def _rec(i, _):
    d = rec_v[pl.ds(16 * i, 16)] + d1_v[pl.ds(16 * i, 16)]
    rec_v[pl.ds(16 * i, 16)] = 1.0 / (d + 1e-16)
    return 0
  lax.fori_loop(0, N_PAD // 16, _rec, 0)

  @plsc.parallel_loop(0, CHUNKS_PER_TILE * K, step=16, unroll=4)
  def _att_grp(e16):
    ch = e16 >> 7
    g16 = e16 & 127
    i16d = dst_v[ch, pl.ds(g16, 16)]
    rg = plsc.load_gather(rec_v, [i16d])
    ex_v[ch, pl.ds(g16, 16)] = ex_v[ch, pl.ds(g16, 16)] * rg
  pltpu.sync_copy(ex_v, att_hbm.at[pl.ds(row0, CHUNKS_PER_TILE), :])

  neg = jnp.full((16,), -1e30, jnp.float32)
  def _zpool(r, _):
    for m in range(H // 16):
      pool_v[r, pl.ds(16 * m, 16)] = neg
    return 0
  lax.fori_loop(0, G1, _zpool, 0)

  iota16 = lax.iota(jnp.int32, 16)
  col_ev = [32 * m + 2 * iota16 for m in range(H // 32)]
  col_od = [32 * m + 2 * iota16 + 1 for m in range(H // 32)]

  def _pool_grp(g, _):
    b16 = batch_v[pl.ds(16 * g, 16)]
    r16 = rec_v[pl.ds(n0 + 16 * g, 16)]
    def _pool_row(j, _):
      bb = _bcast_lane(b16, j)
      rr = _bcast_lane(r16, j)
      r = 16 * g + j
      for m in range(H // 32):
        a0, b0 = plsc.unpack(o_v[r, pl.ds(32 * m, 32)],
                             format=plsc.PackFormat.INTERLEAVED)
        a1, b1 = plsc.unpack(o1_v[r, pl.ds(32 * m, 32)],
                             format=plsc.PackFormat.INTERLEAVED)
        ha = (a0 + a1) * rr
        hb = (b0 + b1) * rr
        cura = plsc.load_gather(pool_v, [bb, col_ev[m]])
        plsc.store_scatter(pool_v, [bb, col_ev[m]], jnp.maximum(cura, ha))
        curb = plsc.load_gather(pool_v, [bb, col_od[m]])
        plsc.store_scatter(pool_v, [bb, col_od[m]], jnp.maximum(curb, hb))
      return 0
    lax.fori_loop(0, 16, _pool_row, 0)
    return 0
  lax.fori_loop(0, NR // 16, _pool_grp, 0)

  pltpu.sync_copy(pool_v, poolp_hbm.at[t])


_sc_att_pool = pl.kernel(
    _sc_att_pool_body,
    out_type=(
        jax.ShapeDtypeStruct((ROWS2D, K), jnp.float32),
        jax.ShapeDtypeStruct((NW, G1, H), jnp.float32),
    ),
    mesh=_MESH,
    scratch_types=[
        pltpu.VMEM((CHUNKS_PER_TILE, K), jnp.int32),
        pltpu.VMEM((CHUNKS_PER_TILE, K), jnp.float32),
        pltpu.VMEM((N_PAD,), jnp.float32),
        pltpu.VMEM((N_PAD,), jnp.float32),
        pltpu.VMEM((NR, H), jnp.bfloat16),
        pltpu.VMEM((NR, H), jnp.bfloat16),
        pltpu.VMEM((NR,), jnp.int32),
        pltpu.VMEM((G1, H), jnp.float32),
        pltpu.SemaphoreType.DMA,
    ],
    compiler_params=_SC_PARAMS,
)


def _tc_pre_body(x_ref, w_ref, att2_ref, xw_ref, av_ref):
  xw = jnp.dot(x_ref[...], w_ref[...], preferred_element_type=jnp.float32)
  xw_ref[...] = xw.astype(jnp.bfloat16)
  av_ref[...] = jnp.dot(xw, att2_ref[...], preferred_element_type=jnp.float32)


def _tc_pre(x, w, att2):
  nb = 5
  blk = N // nb
  return pl.pallas_call(
      _tc_pre_body,
      grid=(nb,),
      in_specs=[
          pl.BlockSpec((blk, F_IN), lambda i: (i, 0)),
          pl.BlockSpec((F_IN, H), lambda i: (0, 0)),
          pl.BlockSpec((H, 2), lambda i: (0, 0)),
      ],
      out_specs=[
          pl.BlockSpec((blk, H), lambda i: (i, 0)),
          pl.BlockSpec((blk, 2), lambda i: (i, 0)),
      ],
      out_shape=[
          jax.ShapeDtypeStruct((N, H), jnp.bfloat16),
          jax.ShapeDtypeStruct((N, 2), jnp.float32),
      ],
  )(x, w, att2)


def _tc_head_body(poolp_ref, bgat_ref, xf_ref, w0_ref, b0_ref,
                  w1_ref, b1_ref, w2_ref, b2_ref, out_ref):
  pooled = jnp.max(poolp_ref[...], axis=0)[:G, :]
  pooled = jax.nn.relu(pooled + bgat_ref[...])
  news = jax.nn.relu(
      jnp.dot(xf_ref[...], w0_ref[...], preferred_element_type=jnp.float32)
      + b0_ref[...])
  z = jnp.concatenate([pooled, news], axis=1)
  p = jax.nn.relu(
      jnp.dot(z, w1_ref[...], preferred_element_type=jnp.float32)
      + b1_ref[...])
  logits = jnp.dot(p, w2_ref[...], preferred_element_type=jnp.float32) \
      + b2_ref[...]
  m = jnp.max(logits, axis=1, keepdims=True)
  lse = m + jnp.log(jnp.sum(jnp.exp(logits - m), axis=1, keepdims=True))
  out_ref[...] = logits - lse


def _tc_head(poolp, bgat, xf, w0, b0, w1, b1, w2, b2):
  return pl.pallas_call(
      _tc_head_body,
      out_shape=jax.ShapeDtypeStruct((G, C), jnp.float32),
  )(poolp, bgat, xf, w0, b0, w1, b1, w2, b2)


@jax.jit
def kernel(x, edge_index, batch, W, att_src, att_dst, b_gat,
           W0, b0, W1, b1, W2, b2):
  loops = jnp.arange(N, dtype=edge_index.dtype)
  src = jnp.concatenate([edge_index[0], loops,
                         jnp.zeros((EP_PAD - EP,), jnp.int32)])
  dst = jnp.concatenate([edge_index[1], loops,
                         jnp.zeros((EP_PAD - EP,), jnp.int32)])
  src2d = src.reshape(ROWS2D, K)
  dst2d = dst.reshape(ROWS2D, K)
  batch_pad = jnp.concatenate(
      [batch, jnp.full((N_PAD - N,), G, jnp.int32)])

  att2 = jnp.stack([att_src, att_dst], axis=1)
  xw, av = _tc_pre(x, W, att2)
  av1d = av.reshape(2 * N)

  ex2d, outp, denp = _sc_edges(src2d, dst2d, av1d, xw)
  att2d, poolp = _sc_att_pool(dst2d, ex2d, denp, outp, batch_pad)
  att = att2d.reshape(EP_PAD)[:EP]

  first_idx = jnp.searchsorted(batch, jnp.arange(G))
  xf = x[first_idx]
  log_probs = _tc_head(poolp, b_gat.reshape(1, H), xf,
                       W0, b0.reshape(1, H), W1, b1.reshape(1, H), W2,
                       b2.reshape(1, C))
  return (log_probs, att)

# --- scband reference (transcript-rebuilt; emitter-appended) ---
"""Pipeline reference for scband-gatfor-visualization-80633716015612 (READ-ONLY COPY).

The authoritative reference and input builder live on the scoring server;
editing this copy changes nothing except your own understanding.
"""

import jax, jax.numpy as jnp
import numpy as np

N = 10000      # nodes
E = 320000     # edges (before self-loops)
F_IN = 128     # num_features
H = 64         # nhid (heads=1)
C = 2          # num_classes
G = 128        # num_graphs in batch


def setup_inputs(seed: int = 0) -> dict:
    key = jax.random.key(seed)
    ks = jax.random.split(key, 14)
    x = jax.random.normal(ks[0], (N, F_IN), dtype=jnp.float32)
    edge_index = jax.random.randint(ks[1], (2, E), 0, N, dtype=jnp.int32)
    # sorted graph-assignment vector; guarantee every graph id 0..G-1 appears
    tail = jax.random.randint(ks[2], (N - G,), 0, G, dtype=jnp.int32)
    batch = jnp.sort(jnp.concatenate([jnp.arange(G, dtype=jnp.int32), tail]))
    s = 0.05
    W = jax.random.normal(ks[3], (F_IN, H), dtype=jnp.float32) * s        # GATConv lin weight
    att_src = jax.random.normal(ks[4], (H,), dtype=jnp.float32) * s      # a_src
    att_dst = jax.random.normal(ks[5], (H,), dtype=jnp.float32) * s      # a_dst
    b_gat = jnp.zeros((H,), dtype=jnp.float32)
    W0 = jax.random.normal(ks[6], (F_IN, H), dtype=jnp.float32) * s      # lin0
    b0 = jnp.zeros((H,), dtype=jnp.float32)
    W1 = jax.random.normal(ks[7], (2 * H, H), dtype=jnp.float32) * s     # lin1
    b1 = jnp.zeros((H,), dtype=jnp.float32)
    W2 = jax.random.normal(ks[8], (H, C), dtype=jnp.float32) * s         # lin2
    b2 = jnp.zeros((C,), dtype=jnp.float32)
    return {"x": x, "edge_index": edge_index, "batch": batch, "W": W,
            "att_src": att_src, "att_dst": att_dst, "b_gat": b_gat,
            "W0": W0, "b0": b0, "W1": W1, "b1": b1, "W2": W2, "b2": b2}


def reference(x, edge_index, batch, W, att_src, att_dst, b_gat, W0, b0, W1, b1, W2, b2):
    # --- GATConv (heads=1, add_self_loops=True, negative_slope=0.2), eval mode (no dropout) ---
    loops = jnp.arange(N, dtype=edge_index.dtype)
    ei = jnp.concatenate([edge_index, jnp.stack([loops, loops])], axis=1)
    src, dst = ei[0], ei[1]
    xw = x @ W                                  # [N, H]
    a_s = xw @ att_src                          # [N]
    a_d = xw @ att_dst                          # [N]
    alpha = jax.nn.leaky_relu(a_s[src] + a_d[dst], negative_slope=0.2)  # [E+N]
    amax = jax.ops.segment_max(alpha, dst, num_segments=N)             # self-loops => all segments nonempty
    ex = jnp.exp(alpha - amax[dst])
    denom = jax.ops.segment_sum(ex, dst, num_segments=N)
    att = ex / (denom[dst] + 1e-16)             # per-dst softmax attention weights
    out = jax.ops.segment_sum(xw[src] * att[:, None], dst, num_segments=N) + b_gat
    # --- head ---
    h = jax.nn.relu(out)
    pooled = jax.ops.segment_max(h, batch, num_segments=G)              # global max pool per graph
    first_idx = jnp.searchsorted(batch, jnp.arange(G))                  # first node of each graph
    news = jax.nn.relu(x[first_idx] @ W0 + b0)
    pooled = jnp.concatenate([pooled, news], axis=1)
    pooled = jax.nn.relu(pooled @ W1 + b1)
    logits = pooled @ W2 + b2
    log_probs = jax.nn.log_softmax(logits, axis=-1)
    return (log_probs, att)

if __name__ == "__main__":
    import jax
    _d = setup_inputs()
    print(jax.jit(kernel)(*tuple(_d.values())))

</pallas_src>

<mosaic_0001>
#map = affine_map<(d0, d1) -> (0, 0)>
#map1 = affine_map<(d0, d1) -> (0, 0, 0)>
#map2 = affine_map<(d0, d1) -> (0)>
module attributes {stable_mosaic.version = 14 : i64} {
  func.func @_sc_att_pool_body(%arg0: i32, %arg1: i32, %arg2: memref<2592x128xi32, #tpu.memory_space<hbm>>, %arg3: memref<2592x128xf32, #tpu.memory_space<hbm>>, %arg4: memref<2x10240xf32, #tpu.memory_space<hbm>>, %arg5: memref<2x10240x64xbf16, #tpu.memory_space<hbm>>, %arg6: memref<10240xi32, #tpu.memory_space<hbm>>, %arg7: memref<2592x128xf32, #tpu.memory_space<hbm>>, %arg8: memref<32x129x64xf32, #tpu.memory_space<hbm>>, %arg9: memref<81x128xi32, #tpu.memory_space<vmem>>, %arg10: memref<81x128xf32, #tpu.memory_space<vmem>>, %arg11: memref<10240xf32, #tpu.memory_space<vmem>>, %arg12: memref<10240xf32, #tpu.memory_space<vmem>>, %arg13: memref<320x64xbf16, #tpu.memory_space<vmem>>, %arg14: memref<320x64xbf16, #tpu.memory_space<vmem>>, %arg15: memref<320xi32, #tpu.memory_space<vmem>>, %arg16: memref<129x64xf32, #tpu.memory_space<vmem>>, %arg17: memref<!tpu.dma_semaphore, #tpu.memory_space<semaphore_mem>>) attributes {dimension_semantics = [#tpu.dimension_semantics<core_parallel>, #tpu.dimension_semantics<subcore_parallel>], iteration_bounds = array<i64: 2, 16>, scalar_prefetch = 0 : i64, scratch_operands = 9 : i64, tpu.core_type = #tpu.core_type<sc_vector_subcore>, window_params = [{transform_indices = #map}, {transform_indices = #map}, {transform_indices = #map}, {transform_indices = #map1}, {transform_indices = #map2}, {transform_indices = #map}, {transform_indices = #map1}]} {
    %mul3A = arith.constant 16 : i32
    %mul3A_0 = arith.muli %arg0, %mul3A : i32
    %add3A = arith.addi %mul3A_0, %arg1 : i32
    %mul3A_1 = arith.constant 81 : i32
    %mul3A_2 = arith.muli %add3A, %mul3A_1 : i32
    %mul3A_3 = arith.constant 320 : i32
    %mul3A_4 = arith.muli %add3A, %mul3A_3 : i32
    %dma_start3A = arith.constant 0 : i32
    %dma_start3A_5 = arith.constant 0 : i32
    %dma_start3A_6 = tpu.memref_slice %arg4[%dma_start3A, %dma_start3A_5] : memref<2x10240xf32, #tpu.memory_space<hbm>> -> memref<1x10240xf32, #tpu.memory_space<hbm>>
    %dma_start3A_7 = tpu.memref_squeeze %dma_start3A_6 : memref<1x10240xf32, #tpu.memory_space<hbm>> -> memref<10240xf32, #tpu.memory_space<hbm>>
    %dma_start3A_8 = arith.constant 0 : i32
    %dma_start3A_9 = tpu.memref_slice %arg4[%dma_start3A, %dma_start3A_8] : memref<2x10240xf32, #tpu.memory_space<hbm>> -> memref<1x10240xf32, #tpu.memory_space<hbm>>
    %dma_start3A_10 = tpu.memref_squeeze %dma_start3A_9 : memref<1x10240xf32, #tpu.memory_space<hbm>> -> memref<10240xf32, #tpu.memory_space<hbm>>
    tpu.enqueue_dma source(%dma_start3A_10 : memref<10240xf32, #tpu.memory_space<hbm>>) target(%arg11 : memref<10240xf32, #tpu.memory_space<vmem>>) target_semaphore(%arg17 : memref<!tpu.dma_semaphore, #tpu.memory_space<semaphore_mem>>)
    %dma_start3A_11 = arith.constant 1 : i32
    %dma_start3A_12 = arith.constant 0 : i32
    %dma_start3A_13 = tpu.memref_slice %arg4[%dma_start3A_11, %dma_start3A_12] : memref<2x10240xf32, #tpu.memory_space<hbm>> -> memref<1x10240xf32, #tpu.memory_space<hbm>>
    %dma_start3A_14 = tpu.memref_squeeze %dma_start3A_13 : memref<1x10240xf32, #tpu.memory_space<hbm>> -> memref<10240xf32, #tpu.memory_space<hbm>>
    %dma_start3A_15 = arith.constant 0 : i32
    %dma_start3A_16 = tpu.memref_slice %arg4[%dma_start3A_11, %dma_start3A_15] : memref<2x10240xf32, #tpu.memory_space<hbm>> -> memref<1x10240xf32, #tpu.memory_space<hbm>>
    %dma_start3A_17 = tpu.memref_squeeze %dma_start3A_16 : memref<1x10240xf32, #tpu.memory_space<hbm>> -> memref<10240xf32, #tpu.memory_space<hbm>>
    tpu.enqueue_dma source(%dma_start3A_17 : memref<10240xf32, #tpu.memory_space<hbm>>) target(%arg12 : memref<10240xf32, #tpu.memory_space<vmem>>) target_semaphore(%arg17 : memref<!tpu.dma_semaphore, #tpu.memory_space<semaphore_mem>>)
    %dma_start3A_18 = arith.constant 0 : i32
    %dma_start3A_19 = tpu.memref_slice %arg2[%mul3A_2, %dma_start3A_18] : memref<2592x128xi32, #tpu.memory_space<hbm>> -> memref<81x128xi32, #tpu.memory_space<hbm>>
    %dma_start3A_20 = arith.constant 0 : i32
    %dma_start3A_21 = tpu.memref_slice %arg2[%mul3A_2, %dma_start3A_20] : memref<2592x128xi32, #tpu.memory_space<hbm>> -> memref<81x128xi32, #tpu.memory_space<hbm>>
    tpu.enqueue_dma source(%dma_start3A_21 : memref<81x128xi32, #tpu.memory_space<hbm>>) target(%arg9 : memref<81x128xi32, #tpu.memory_space<vmem>>) target_semaphore(%arg17 : memref<!tpu.dma_semaphore, #tpu.memory_space<semaphore_mem>>)
    %dma_start3A_22 = arith.constant 0 : i32
    %dma_start3A_23 = tpu.memref_slice %arg3[%mul3A_2, %dma_start3A_22] : memref<2592x128xf32, #tpu.memory_space<hbm>> -> memref<81x128xf32, #tpu.memory_space<hbm>>
    %dma_start3A_24 = arith.constant 0 : i32
    %dma_start3A_25 = tpu.memref_slice %arg3[%mul3A_2, %dma_start3A_24] : memref<2592x128xf32, #tpu.memory_space<hbm>> -> memref<81x128xf32, #tpu.memory_space<hbm>>
    tpu.enqueue_dma source(%dma_start3A_25 : memref<81x128xf32, #tpu.memory_space<hbm>>) target(%arg10 : memref<81x128xf32, #tpu.memory_space<vmem>>) target_semaphore(%arg17 : memref<!tpu.dma_semaphore, #tpu.memory_space<semaphore_mem>>)
    %dma_start3A_26 = arith.constant 0 : i32
    %dma_start3A_27 = arith.constant 0 : i32
    %dma_start3A_28 = tpu.memref_slice %arg5[%dma_start3A_26, %mul3A_4, %dma_start3A_27] : memref<2x10240x64xbf16, #tpu.memory_space<hbm>> -> memref<1x320x64xbf16, #tpu.memory_space<hbm>>
    %dma_start3A_29 = tpu.memref_squeeze %dma_start3A_28 : memref<1x320x64xbf16, #tpu.memory_space<hbm>> -> memref<320x64xbf16, #tpu.memory_space<hbm>>
    %dma_start3A_30 = arith.constant 0 : i32
    %dma_start3A_31 = tpu.memref_slice %arg5[%dma_start3A_26, %mul3A_4, %dma_start3A_30] : memref<2x10240x64xbf16, #tpu.memory_space<hbm>> -> memref<1x320x64xbf16, #tpu.memory_space<hbm>>
    %dma_start3A_32 = tpu.memref_squeeze %dma_start3A_31 : memref<1x320x64xbf16, #tpu.memory_space<hbm>> -> memref<320x64xbf16, #tpu.memory_space<hbm>>
    tpu.enqueue_dma source(%dma_start3A_32 : memref<320x64xbf16, #tpu.memory_space<hbm>>) target(%arg13 : memref<320x64xbf16, #tpu.memory_space<vmem>>) target_semaphore(%arg17 : memref<!tpu.dma_semaphore, #tpu.memory_space<semaphore_mem>>)
    %dma_start3A_33 = arith.constant 1 : i32
    %dma_start3A_34 = arith.constant 0 : i32
    %dma_start3A_35 = tpu.memref_slice %arg5[%dma_start3A_33, %mul3A_4, %dma_start3A_34] : memref<2x10240x64xbf16, #tpu.memory_space<hbm>> -> memref<1x320x64xbf16, #tpu.memory_space<hbm>>
    %dma_start3A_36 = tpu.memref_squeeze %dma_start3A_35 : memref<1x320x64xbf16, #tpu.memory_space<hbm>> -> memref<320x64xbf16, #tpu.memory_space<hbm>>
    %dma_start3A_37 = arith.constant 0 : i32
    %dma_start3A_38 = tpu.memref_slice %arg5[%dma_start3A_33, %mul3A_4, %dma_start3A_37] : memref<2x10240x64xbf16, #tpu.memory_space<hbm>> -> memref<1x320x64xbf16, #tpu.memory_space<hbm>>
    %dma_start3A_39 = tpu.memref_squeeze %dma_start3A_38 : memref<1x320x64xbf16, #tpu.memory_space<hbm>> -> memref<320x64xbf16, #tpu.memory_space<hbm>>
    tpu.enqueue_dma source(%dma_start3A_39 : memref<320x64xbf16, #tpu.memory_space<hbm>>) target(%arg14 : memref<320x64xbf16, #tpu.memory_space<vmem>>) target_semaphore(%arg17 : memref<!tpu.dma_semaphore, #tpu.memory_space<semaphore_mem>>)
    %dma_start3A_40 = tpu.memref_slice %arg6[%mul3A_4] : memref<10240xi32, #tpu.memory_space<hbm>> -> memref<320xi32, #tpu.memory_space<hbm>>
    %dma_start3A_41 = tpu.memref_slice %arg6[%mul3A_4] : memref<10240xi32, #tpu.memory_space<hbm>> -> memref<320xi32, #tpu.memory_space<hbm>>
    tpu.enqueue_dma source(%dma_start3A_41 : memref<320xi32, #tpu.memory_space<hbm>>) target(%arg15 : memref<320xi32, #tpu.memory_space<vmem>>) target_semaphore(%arg17 : memref<!tpu.dma_semaphore, #tpu.memory_space<semaphore_mem>>)
    %dma_wait3A = arith.constant 0 : i32
    %dma_wait3A_42 = arith.constant 0 : i32
    %dma_wait3A_43 = tpu.memref_slice %arg4[%dma_wait3A, %dma_wait3A_42] : memref<2x10240xf32, #tpu.memory_space<hbm>> -> memref<1x10240xf32, #tpu.memory_space<hbm>>
    %dma_wait3A_44 = tpu.memref_squeeze %dma_wait3A_43 : memref<1x10240xf32, #tpu.memory_space<hbm>> -> memref<10240xf32, #tpu.memory_space<hbm>>
    %dma_wait3A_45 = arith.constant 0 : i32
    %dma_wait3A_46 = tpu.memref_slice %arg4[%dma_wait3A, %dma_wait3A_45] : memref<2x10240xf32, #tpu.memory_space<hbm>> -> memref<1x10240xf32, #tpu.memory_space<hbm>>
    %dma_wait3A_47 = tpu.memref_squeeze %dma_wait3A_46 : memref<1x10240xf32, #tpu.memory_space<hbm>> -> memref<10240xf32, #tpu.memory_space<hbm>>
    tpu.wait_dma2 semaphore(%arg17 : memref<!tpu.dma_semaphore, #tpu.memory_space<semaphore_mem>>) src(%dma_wait3A_47 : memref<10240xf32, #tpu.memory_space<hbm>>) dst(%arg11 : memref<10240xf32, #tpu.memory_space<vmem>>)
    %dma_wait3A_48 = arith.constant 1 : i32
    %dma_wait3A_49 = arith.constant 0 : i32
    %dma_wait3A_50 = tpu.memref_slice %arg4[%dma_wait3A_48, %dma_wait3A_49] : memref<2x10240xf32, #tpu.memory_space<hbm>> -> memref<1x10240xf32, #tpu.memory_space<hbm>>
    %dma_wait3A_51 = tpu.memref_squeeze %dma_wait3A_50 : memref<1x10240xf32, #tpu.memory_space<hbm>> -> memref<10240xf32, #tpu.memory_space<hbm>>
    %dma_wait3A_52 = arith.constant 0 : i32
    %dma_wait3A_53 = tpu.memref_slice %arg4[%dma_wait3A_48, %dma_wait3A_52] : memref<2x10240xf32, #tpu.memory_space<hbm>> -> memref<1x10240xf32, #tpu.memory_space<hbm>>
    %dma_wait3A_54 = tpu.memref_squeeze %dma_wait3A_53 : memref<1x10240xf32, #tpu.memory_space<hbm>> -> memref<10240xf32, #tpu.memory_space<hbm>>
    tpu.wait_dma2 semaphore(%arg17 : memref<!tpu.dma_semaphore, #tpu.memory_space<semaphore_mem>>) src(%dma_wait3A_54 : memref<10240xf32, #tpu.memory_space<hbm>>) dst(%arg12 : memref<10240xf32, #tpu.memory_space<vmem>>)
    %dma_wait3A_55 = arith.constant 0 : i32
    %dma_wait3A_56 = tpu.memref_slice %arg2[%mul3A_2, %dma_wait3A_55] : memref<2592x128xi32, #tpu.memory_space<hbm>> -> memref<81x128xi32, #tpu.memory_space<hbm>>
    %dma_wait3A_57 = arith.constant 0 : i32
    %dma_wait3A_58 = tpu.memref_slice %arg2[%mul3A_2, %dma_wait3A_57] : memref<2592x128xi32, #tpu.memory_space<hbm>> -> memref<81x128xi32, #tpu.memory_space<hbm>>
    tpu.wait_dma2 semaphore(%arg17 : memref<!tpu.dma_semaphore, #tpu.memory_space<semaphore_mem>>) src(%dma_wait3A_58 : memref<81x128xi32, #tpu.memory_space<hbm>>) dst(%arg9 : memref<81x128xi32, #tpu.memory_space<vmem>>)
    %dma_wait3A_59 = arith.constant 0 : i32
    %dma_wait3A_60 = tpu.memref_slice %arg3[%mul3A_2, %dma_wait3A_59] : memref<2592x128xf32, #tpu.memory_space<hbm>> -> memref<81x128xf32, #tpu.memory_space<hbm>>
    %dma_wait3A_61 = arith.constant 0 : i32
    %dma_wait3A_62 = tpu.memref_slice %arg3[%mul3A_2, %dma_wait3A_61] : memref<2592x128xf32, #tpu.memory_space<hbm>> -> memref<81x128xf32, #tpu.memory_space<hbm>>
    tpu.wait_dma2 semaphore(%arg17 : memref<!tpu.dma_semaphore, #tpu.memory_space<semaphore_mem>>) src(%dma_wait3A_62 : memref<81x128xf32, #tpu.memory_space<hbm>>) dst(%arg10 : memref<81x128xf32, #tpu.memory_space<vmem>>)
    %dma_wait3A_63 = arith.constant 0 : i32
    %dma_wait3A_64 = arith.constant 0 : i32
    %dma_wait3A_65 = tpu.memref_slice %arg5[%dma_wait3A_63, %mul3A_4, %dma_wait3A_64] : memref<2x10240x64xbf16, #tpu.memory_space<hbm>> -> memref<1x320x64xbf16, #tpu.memory_space<hbm>>
    %dma_wait3A_66 = tpu.memref_squeeze %dma_wait3A_65 : memref<1x320x64xbf16, #tpu.memory_space<hbm>> -> memref<320x64xbf16, #tpu.memory_space<hbm>>
    %dma_wait3A_67 = arith.constant 0 : i32
    %dma_wait3A_68 = tpu.memref_slice %arg5[%dma_wait3A_63, %mul3A_4, %dma_wait3A_67] : memref<2x10240x64xbf16, #tpu.memory_space<hbm>> -> memref<1x320x64xbf16, #tpu.memory_space<hbm>>
    %dma_wait3A_69 = tpu.memref_squeeze %dma_wait3A_68 : memref<1x320x64xbf16, #tpu.memory_space<hbm>> -> memref<320x64xbf16, #tpu.memory_space<hbm>>
    tpu.wait_dma2 semaphore(%arg17 : memref<!tpu.dma_semaphore, #tpu.memory_space<semaphore_mem>>) src(%dma_wait3A_69 : memref<320x64xbf16, #tpu.memory_space<hbm>>) dst(%arg13 : memref<320x64xbf16, #tpu.memory_space<vmem>>)
    %dma_wait3A_70 = arith.constant 1 : i32
    %dma_wait3A_71 = arith.constant 0 : i32
    %dma_wait3A_72 = tpu.memref_slice %arg5[%dma_wait3A_70, %mul3A_4, %dma_wait3A_71] : memref<2x10240x64xbf16, #tpu.memory_space<hbm>> -> memref<1x320x64xbf16, #tpu.memory_space<hbm>>
    %dma_wait3A_73 = tpu.memref_squeeze %dma_wait3A_72 : memref<1x320x64xbf16, #tpu.memory_space<hbm>> -> memref<320x64xbf16, #tpu.memory_space<hbm>>
    %dma_wait3A_74 = arith.constant 0 : i32
    %dma_wait3A_75 = tpu.memref_slice %arg5[%dma_wait3A_70, %mul3A_4, %dma_wait3A_74] : memref<2x10240x64xbf16, #tpu.memory_space<hbm>> -> memref<1x320x64xbf16, #tpu.memory_space<hbm>>
    %dma_wait3A_76 = tpu.memref_squeeze %dma_wait3A_75 : memref<1x320x64xbf16, #tpu.memory_space<hbm>> -> memref<320x64xbf16, #tpu.memory_space<hbm>>
    tpu.wait_dma2 semaphore(%arg17 : memref<!tpu.dma_semaphore, #tpu.memory_space<semaphore_mem>>) src(%dma_wait3A_76 : memref<320x64xbf16, #tpu.memory_space<hbm>>) dst(%arg14 : memref<320x64xbf16, #tpu.memory_space<vmem>>)
    %dma_wait3A_77 = tpu.memref_slice %arg6[%mul3A_4] : memref<10240xi32, #tpu.memory_space<hbm>> -> memref<320xi32, #tpu.memory_space<hbm>>
    %dma_wait3A_78 = tpu.memref_slice %arg6[%mul3A_4] : memref<10240xi32, #tpu.memory_space<hbm>> -> memref<320xi32, #tpu.memory_space<hbm>>
    tpu.wait_dma2 semaphore(%arg17 : memref<!tpu.dma_semaphore, #tpu.memory_space<semaphore_mem>>) src(%dma_wait3A_78 : memref<320xi32, #tpu.memory_space<hbm>>) dst(%arg15 : memref<320xi32, #tpu.memory_space<vmem>>)
    %scan3A = arith.constant 0 : i32
    %scan3A_79 = arith.constant 0 : i32
    %scan3A_80 = arith.constant 640 : i32
    %scan3A_81 = arith.addi %scan3A_79, %scan3A_80 : i32
    %scan3A_82 = arith.constant 1 : i32
    %scan3A_83 = scf.for %scan3A_132 = %scan3A_79 to %scan3A_81 step %scan3A_82 iter_args(%scan3A_133 = %scan3A) -> (i32)  : i32 {
      %mul3A_134 = arith.constant 16 : i32
      %mul3A_135 = arith.muli %mul3A_134, %scan3A_132 : i32
      %get3A = arith.index_cast %mul3A_135 : i32 to index
      %get3A_136 = tpu.vector_load %arg11[%get3A] {strides = array<i32>} : memref<10240xf32, #tpu.memory_space<vmem>>, vector<16xf32>,
      %mul3A_137 = arith.constant 16 : i32
      %mul3A_138 = arith.muli %mul3A_137, %scan3A_132 : i32
      %get3A_139 = arith.index_cast %mul3A_138 : i32 to index
      %get3A_140 = tpu.vector_load %arg12[%get3A_139] {strides = array<i32>} : memref<10240xf32, #tpu.memory_space<vmem>>, vector<16xf32>,
      %add3A_141 = arith.addf %get3A_136, %get3A_140 : vector<16xf32>
      %add3A_142 = arith.constant 1.000000e-16 : f32
      %add3A_143 = vector.broadcast %add3A_142 : f32 to vector<16xf32>
      %add3A_144 = arith.addf %add3A_141, %add3A_143 : vector<16xf32>
      %div3A = arith.constant 1.000000e+00 : f32
      %div3A_145 = vector.broadcast %div3A : f32 to vector<16xf32>
      %div3A_146 = arith.divf %div3A_145, %add3A_144 : vector<16xf32>
      %mul3A_147 = arith.constant 16 : i32
      %mul3A_148 = arith.muli %mul3A_147, %scan3A_132 : i32
      %swap3A = arith.index_cast %mul3A_148 : i32 to index
      %swap3A_149 = tpu.vector_load %arg11[%swap3A] {strides = array<i32>} : memref<10240xf32, #tpu.memory_space<vmem>>, vector<16xf32>,
      tpu.vector_store %arg11[%swap3A], %div3A_146 {strides = array<i32>} : memref<10240xf32, #tpu.memory_space<vmem>>, vector<16xf32>,
      %scan3A_150 = arith.constant 0 : i32
      scf.yield %scan3A_150 : i32
    }
    %scan3A_84 = arith.constant 640 : i32
    %parallel_loop3A = arith.constant 0 : i32
    %parallel_loop3A_85 = arith.constant 10368 : i32
    %parallel_loop3A_86 = arith.constant 16 : i32
    scf.for %parallel_loop3A_132 = %parallel_loop3A to %parallel_loop3A_85 step %parallel_loop3A_86  : i32 {
      %parallel_loop3A_133 = arith.constant 7 : i32
      %parallel_loop3A_134 = arith.shrsi %parallel_loop3A_132, %parallel_loop3A_133 : i32
      %parallel_loop3A_135 = arith.constant 127 : i32
      %parallel_loop3A_136 = arith.andi %parallel_loop3A_132, %parallel_loop3A_135 : i32
      %parallel_loop3A_137 = arith.index_cast %parallel_loop3A_134 : i32 to index
      %parallel_loop3A_138 = arith.index_cast %parallel_loop3A_136 : i32 to index
      %parallel_loop3A_139 = tpu.vector_load %arg9[%parallel_loop3A_137, %parallel_loop3A_138] {strides = array<i32>} : memref<81x128xi32, #tpu.memory_space<vmem>>, vector<16xi32>,
      %parallel_loop3A_140 = tpu.vector_load_idx %arg11[%parallel_loop3A_139] : memref<10240xf32, #tpu.memory_space<vmem>>[vector<16xi32>], vector<16xf32>,
      %parallel_loop3A_141 = arith.index_cast %parallel_loop3A_134 : i32 to index
      %parallel_loop3A_142 = arith.index_cast %parallel_loop3A_136 : i32 to index
      %parallel_loop3A_143 = tpu.vector_load %arg10[%parallel_loop3A_141, %parallel_loop3A_142] {strides = array<i32>} : memref<81x128xf32, #tpu.memory_space<vmem>>, vector<16xf32>,
      %parallel_loop3A_144 = arith.mulf %parallel_loop3A_143, %parallel_loop3A_140 : vector<16xf32>
      %parallel_loop3A_145 = arith.index_cast %parallel_loop3A_134 : i32 to index
      %parallel_loop3A_146 = arith.index_cast %parallel_loop3A_136 : i32 to index
      %parallel_loop3A_147 = tpu.vector_load %arg10[%parallel_loop3A_145, %parallel_loop3A_146] {strides = array<i32>} : memref<81x128xf32, #tpu.memory_space<vmem>>, vector<16xf32>,
      tpu.vector_store %arg10[%parallel_loop3A_145, %parallel_loop3A_146], %parallel_loop3A_144 {strides = array<i32>} : memref<81x128xf32, #tpu.memory_space<vmem>>, vector<16xf32>,
    } {sc.loop_unroll_factor = 4 : i64, sc.parallel_access}
    "tpu.region"() ({
      %run_scoped3A = tpu.sem_alloc : memref<!tpu.dma_semaphore, #tpu.memory_space<semaphore_mem>>
      %dma_start3A_132 = arith.constant 0 : i32
      %dma_start3A_133 = tpu.memref_slice %arg7[%mul3A_2, %dma_start3A_132] : memref<2592x128xf32, #tpu.memory_space<hbm>> -> memref<81x128xf32, #tpu.memory_space<hbm>>
      %dma_start3A_134 = arith.constant 0 : i32
      %dma_start3A_135 = tpu.memref_slice %arg7[%mul3A_2, %dma_start3A_134] : memref<2592x128xf32, #tpu.memory_space<hbm>> -> memref<81x128xf32, #tpu.memory_space<hbm>>
      tpu.enqueue_dma source(%arg10 : memref<81x128xf32, #tpu.memory_space<vmem>>) target(%dma_start3A_135 : memref<81x128xf32, #tpu.memory_space<hbm>>) target_semaphore(%run_scoped3A : memref<!tpu.dma_semaphore, #tpu.memory_space<semaphore_mem>>)
      %dma_wait3A_136 = arith.constant 0 : i32
      %dma_wait3A_137 = tpu.memref_slice %arg7[%mul3A_2, %dma_wait3A_136] : memref<2592x128xf32, #tpu.memory_space<hbm>> -> memref<81x128xf32, #tpu.memory_space<hbm>>
      %dma_wait3A_138 = arith.constant 0 : i32
      %dma_wait3A_139 = tpu.memref_slice %arg7[%mul3A_2, %dma_wait3A_138] : memref<2592x128xf32, #tpu.memory_space<hbm>> -> memref<81x128xf32, #tpu.memory_space<hbm>>
      tpu.wait_dma2 semaphore(%run_scoped3A : memref<!tpu.dma_semaphore, #tpu.memory_space<semaphore_mem>>) src(%arg10 : memref<81x128xf32, #tpu.memory_space<vmem>>) dst(%dma_wait3A_139 : memref<81x128xf32, #tpu.memory_space<hbm>>)
      tpu.yield
    }) : () -> ()
    %broadcast_in_dim3A = arith.constant -1.000000e+30 : f32
    %broadcast_in_dim3A_87 = vector.broadcast %broadcast_in_dim3A : f32 to vector<16xf32>
    %scan3A_88 = arith.constant 0 : i32
    %scan3A_89 = arith.constant 0 : i32
    %scan3A_90 = arith.constant 129 : i32
    %scan3A_91 = arith.addi %scan3A_89, %scan3A_90 : i32
    %scan3A_92 = arith.constant 1 : i32
    %scan3A_93 = scf.for %scan3A_132 = %scan3A_89 to %scan3A_91 step %scan3A_92 iter_args(%scan3A_133 = %scan3A_88) -> (i32)  : i32 {
      %swap3A = arith.index_cast %scan3A_132 : i32 to index
      %swap3A_134 = arith.constant 0 : index
      %swap3A_135 = tpu.vector_load %arg16[%swap3A, %swap3A_134] {strides = array<i32>} : memref<129x64xf32, #tpu.memory_space<vmem>>, vector<16xf32>,
      tpu.vector_store %arg16[%swap3A, %swap3A_134], %broadcast_in_dim3A_87 {strides = array<i32>} : memref<129x64xf32, #tpu.memory_space<vmem>>, vector<16xf32>,
      %swap3A_136 = arith.index_cast %scan3A_132 : i32 to index
      %swap3A_137 = arith.constant 16 : index
      %swap3A_138 = tpu.vector_load %arg16[%swap3A_136, %swap3A_137] {strides = array<i32>} : memref<129x64xf32, #tpu.memory_space<vmem>>, vector<16xf32>,
      tpu.vector_store %arg16[%swap3A_136, %swap3A_137], %broadcast_in_dim3A_87 {strides = array<i32>} : memref<129x64xf32, #tpu.memory_space<vmem>>, vector<16xf32>,
      %swap3A_139 = arith.index_cast %scan3A_132 : i32 to index
      %swap3A_140 = arith.constant 32 : index
      %swap3A_141 = tpu.vector_load %arg16[%swap3A_139, %swap3A_140] {strides = array<i32>} : memref<129x64xf32, #tpu.memory_space<vmem>>, vector<16xf32>,
      tpu.vector_store %arg16[%swap3A_139, %swap3A_140], %broadcast_in_dim3A_87 {strides = array<i32>} : memref<129x64xf32, #tpu.memory_space<vmem>>, vector<16xf32>,
      %swap3A_142 = arith.index_cast %scan3A_132 : i32 to index
      %swap3A_143 = arith.constant 48 : index
      %swap3A_144 = tpu.vector_load %arg16[%swap3A_142, %swap3A_143] {strides = array<i32>} : memref<129x64xf32, #tpu.memory_space<vmem>>, vector<16xf32>,
      tpu.vector_store %arg16[%swap3A_142, %swap3A_143], %broadcast_in_dim3A_87 {strides = array<i32>} : memref<129x64xf32, #tpu.memory_space<vmem>>, vector<16xf32>,
      %scan3A_145 = arith.constant 0 : i32
      scf.yield %scan3A_145 : i32
    }
    %scan3A_94 = arith.constant 129 : i32
    %iota3A = tpu.iota {dimensions = array<i32: 0>} : vector<16xi32>
    %mul3A_95 = arith.constant 2 : i32
    %mul3A_96 = vector.broadcast %mul3A_95 : i32 to vector<16xi32>
    %mul3A_97 = arith.muli %mul3A_96, %iota3A : vector<16xi32>
    %add3A_98 = arith.constant 0 : i32
    %add3A_99 = vector.broadcast %add3A_98 : i32 to vector<16xi32>
    %add3A_100 = arith.addi %add3A_99, %mul3A_97 : vector<16xi32>
    %mul3A_101 = arith.constant 2 : i32
    %mul3A_102 = vector.broadcast %mul3A_101 : i32 to vector<16xi32>
    %mul3A_103 = arith.muli %mul3A_102, %iota3A : vector<16xi32>
    %add3A_104 = arith.constant 32 : i32
    %add3A_105 = vector.broadcast %add3A_104 : i32 to vector<16xi32>
    %add3A_106 = arith.addi %add3A_105, %mul3A_103 : vector<16xi32>
    %mul3A_107 = arith.constant 2 : i32
    %mul3A_108 = vector.broadcast %mul3A_107 : i32 to vector<16xi32>
    %mul3A_109 = arith.muli %mul3A_108, %iota3A : vector<16xi32>
    %add3A_110 = arith.constant 0 : i32
    %add3A_111 = vector.broadcast %add3A_110 : i32 to vector<16xi32>
    %add3A_112 = arith.addi %add3A_111, %mul3A_109 : vector<16xi32>
    %add3A_113 = arith.constant 1 : i32
    %add3A_114 = vector.broadcast %add3A_113 : i32 to vector<16xi32>
    %add3A_115 = arith.addi %add3A_112, %add3A_114 : vector<16xi32>
    %mul3A_116 = arith.constant 2 : i32
    %mul3A_117 = vector.broadcast %mul3A_116 : i32 to vector<16xi32>
    %mul3A_118 = arith.muli %mul3A_117, %iota3A : vector<16xi32>
    %add3A_119 = arith.constant 32 : i32
    %add3A_120 = vector.broadcast %add3A_119 : i32 to vector<16xi32>
    %add3A_121 = arith.addi %add3A_120, %mul3A_118 : vector<16xi32>
    %add3A_122 = arith.constant 1 : i32
    %add3A_123 = vector.broadcast %add3A_122 : i32 to vector<16xi32>
    %add3A_124 = arith.addi %add3A_121, %add3A_123 : vector<16xi32>
    %scan3A_125 = arith.constant 0 : i32
    %scan3A_126 = arith.constant 0 : i32
    %scan3A_127 = arith.constant 20 : i32
    %scan3A_128 = arith.addi %scan3A_126, %scan3A_127 : i32
    %scan3A_129 = arith.constant 1 : i32
    %scan3A_130 = scf.for %scan3A_132 = %scan3A_126 to %scan3A_128 step %scan3A_129 iter_args(%scan3A_133 = %scan3A_125) -> (i32)  : i32 {
      %mul3A_134 = arith.constant 16 : i32
      %mul3A_135 = arith.muli %mul3A_134, %scan3A_132 : i32
      %get3A = arith.index_cast %mul3A_135 : i32 to index
      %get3A_136 = tpu.vector_load %arg15[%get3A] {strides = array<i32>} : memref<320xi32, #tpu.memory_space<vmem>>, vector<16xi32>,
      %mul3A_137 = arith.constant 16 : i32
      %mul3A_138 = arith.muli %mul3A_137, %scan3A_132 : i32
      %add3A_139 = arith.addi %mul3A_4, %mul3A_138 : i32
      %get3A_140 = arith.index_cast %add3A_139 : i32 to index
      %get3A_141 = tpu.vector_load %arg11[%get3A_140] {strides = array<i32>} : memref<10240xf32, #tpu.memory_space<vmem>>, vector<16xf32>,
      %scan3A_142 = arith.constant 0 : i32
      %scan3A_143 = arith.constant 0 : i32
      %scan3A_144 = arith.constant 16 : i32
      %scan3A_145 = arith.addi %scan3A_143, %scan3A_144 : i32
      %scan3A_146 = arith.constant 1 : i32
      %scan3A_147 = scf.for %scan3A_150 = %scan3A_143 to %scan3A_145 step %scan3A_146 iter_args(%scan3A_151 = %scan3A_142) -> (i32)  : i32 {
        %broadcast_in_dim3A_152 = vector.broadcast %scan3A_150 : i32 to vector<16xi32>
        %lt3A = arith.constant 0 : i32
        %lt3A_153 = vector.broadcast %lt3A : i32 to vector<16xi32>
        %lt3A_154 = arith.cmpi slt, %broadcast_in_dim3A_152, %lt3A_153 : vector<16xi32>
        %add3A_155 = arith.constant 16 : i32
        %add3A_156 = vector.broadcast %add3A_155 : i32 to vector<16xi32>
        %add3A_157 = arith.addi %broadcast_in_dim3A_152, %add3A_156 : vector<16xi32>
        %select_n3A = arith.select %lt3A_154, %add3A_157, %broadcast_in_dim3A_152 : vector<16xi1>, vector<16xi32>
        %broadcast_in_dim3A_158 = vector.shape_cast %select_n3A : vector<16xi32> to vector<16x1xi32>
        %gather3A = vector.shape_cast %broadcast_in_dim3A_158 : vector<16x1xi32> to vector<16xi32>
        %gather3A_159 = tpu.dynamic_gather %get3A_136[%gather3A] in [0] : vector<16xi32>, vector<16xi32> -> vector<16xi32>
        %broadcast_in_dim3A_160 = vector.broadcast %scan3A_150 : i32 to vector<16xi32>
        %lt3A_161 = arith.constant 0 : i32
        %lt3A_162 = vector.broadcast %lt3A_161 : i32 to vector<16xi32>
        %lt3A_163 = arith.cmpi slt, %broadcast_in_dim3A_160, %lt3A_162 : vector<16xi32>
        %add3A_164 = arith.constant 16 : i32
        %add3A_165 = vector.broadcast %add3A_164 : i32 to vector<16xi32>
        %add3A_166 = arith.addi %broadcast_in_dim3A_160, %add3A_165 : vector<16xi32>
        %select_n3A_167 = arith.select %lt3A_163, %add3A_166, %broadcast_in_dim3A_160 : vector<16xi1>, vector<16xi32>
        %broadcast_in_dim3A_168 = vector.shape_cast %select_n3A_167 : vector<16xi32> to vector<16x1xi32>
        %gather3A_169 = vector.shape_cast %broadcast_in_dim3A_168 : vector<16x1xi32> to vector<16xi32>
        %gather3A_170 = tpu.dynamic_gather %get3A_141[%gather3A_169] in [0] : vector<16xf32>, vector<16xi32> -> vector<16xf32>
        %mul3A_171 = arith.constant 16 : i32
        %mul3A_172 = arith.muli %mul3A_171, %scan3A_132 : i32
        %add3A_173 = arith.addi %mul3A_172, %scan3A_150 : i32
        %get3A_174 = arith.index_cast %add3A_173 : i32 to index
        %get3A_175 = arith.constant 0 : index
        %get3A_176 = tpu.vector_load %arg13[%get3A_174, %get3A_175] {strides = array<i32>} : memref<320x64xbf16, #tpu.memory_space<vmem>>, vector<32xbf16>,
        %unpack3A = tpu.unpack_subelements %get3A_176, 0 {pack_format = #tpu.pack_format<interleaved>} : vector<32xbf16> -> vector<16xf32>
        %unpack3A_177 = tpu.unpack_subelements %get3A_176, 1 {pack_format = #tpu.pack_format<interleaved>} : vector<32xbf16> -> vector<16xf32>
        %get3A_178 = arith.index_cast %add3A_173 : i32 to index
        %get3A_179 = arith.constant 0 : index
        %get3A_180 = tpu.vector_load %arg14[%get3A_178, %get3A_179] {strides = array<i32>} : memref<320x64xbf16, #tpu.memory_space<vmem>>, vector<32xbf16>,
        %unpack3A_181 = tpu.unpack_subelements %get3A_180, 0 {pack_format = #tpu.pack_format<interleaved>} : vector<32xbf16> -> vector<16xf32>
        %unpack3A_182 = tpu.unpack_subelements %get3A_180, 1 {pack_format = #tpu.pack_format<interleaved>} : vector<32xbf16> -> vector<16xf32>
        %add3A_183 = arith.addf %unpack3A, %unpack3A_181 : vector<16xf32>
        %mul3A_184 = arith.mulf %add3A_183, %gather3A_170 : vector<16xf32>
        %add3A_185 = arith.addf %unpack3A_177, %unpack3A_182 : vector<16xf32>
        %mul3A_186 = arith.mulf %add3A_185, %gather3A_170 : vector<16xf32>
        %gather3A_187 = tpu.vector_load_idx %arg16[%gather3A_159, %add3A_100] : memref<129x64xf32, #tpu.memory_space<vmem>>[vector<16xi32>, vector<16xi32>], vector<16xf32>,
        %max3A = arith.maximumf %gather3A_187, %mul3A_184 : vector<16xf32>
        tpu.vector_store_idx %arg16[%gather3A_159, %add3A_100], %max3A : memref<129x64xf32, #tpu.memory_space<vmem>>[vector<16xi32>, vector<16xi32>], vector<16xf32>,
        %gather3A_188 = tpu.vector_load_idx %arg16[%gather3A_159, %add3A_115] : memref<129x64xf32, #tpu.memory_space<vmem>>[vector<16xi32>, vector<16xi32>], vector<16xf32>,
        %max3A_189 = arith.maximumf %gather3A_188, %mul3A_186 : vector<16xf32>
        tpu.vector_store_idx %arg16[%gather3A_159, %add3A_115], %max3A_189 : memref<129x64xf32, #tpu.memory_space<vmem>>[vector<16xi32>, vector<16xi32>], vector<16xf32>,
        %get3A_190 = arith.index_cast %add3A_173 : i32 to index
        %get3A_191 = arith.constant 32 : index
        %get3A_192 = tpu.vector_load %arg13[%get3A_190, %get3A_191] {strides = array<i32>} : memref<320x64xbf16, #tpu.memory_space<vmem>>, vector<32xbf16>,
        %unpack3A_193 = tpu.unpack_subelements %get3A_192, 0 {pack_format = #tpu.pack_format<interleaved>} : vector<32xbf16> -> vector<16xf32>
        %unpack3A_194 = tpu.unpack_subelements %get3A_192, 1 {pack_format = #tpu.pack_format<interleaved>} : vector<32xbf16> -> vector<16xf32>
        %get3A_195 = arith.index_cast %add3A_173 : i32 to index
        %get3A_196 = arith.constant 32 : index
        %get3A_197 = tpu.vector_load %arg14[%get3A_195, %get3A_196] {strides = array<i32>} : memref<320x64xbf16, #tpu.memory_space<vmem>>, vector<32xbf16>,
        %unpack3A_198 = tpu.unpack_subelements %get3A_197, 0 {pack_format = #tpu.pack_format<interleaved>} : vector<32xbf16> -> vector<16xf32>
        %unpack3A_199 = tpu.unpack_subelements %get3A_197, 1 {pack_format = #tpu.pack_format<interleaved>} : vector<32xbf16> -> vector<16xf32>
        %add3A_200 = arith.addf %unpack3A_193, %unpack3A_198 : vector<16xf32>
        %mul3A_201 = arith.mulf %add3A_200, %gather3A_170 : vector<16xf32>
        %add3A_202 = arith.addf %unpack3A_194, %unpack3A_199 : vector<16xf32>
        %mul3A_203 = arith.mulf %add3A_202, %gather3A_170 : vector<16xf32>
        %gather3A_204 = tpu.vector_load_idx %arg16[%gather3A_159, %add3A_106] : memref<129x64xf32, #tpu.memory_space<vmem>>[vector<16xi32>, vector<16xi32>], vector<16xf32>,
        %max3A_205 = arith.maximumf %gather3A_204, %mul3A_201 : vector<16xf32>
        tpu.vector_store_idx %arg16[%gather3A_159, %add3A_106], %max3A_205 : memref<129x64xf32, #tpu.memory_space<vmem>>[vector<16xi32>, vector<16xi32>], vector<16xf32>,
        %gather3A_206 = tpu.vector_load_idx %arg16[%gather3A_159, %add3A_124] : memref<129x64xf32, #tpu.memory_space<vmem>>[vector<16xi32>, vector<16xi32>], vector<16xf32>,
        %max3A_207 = arith.maximumf %gather3A_206, %mul3A_203 : vector<16xf32>
        tpu.vector_store_idx %arg16[%gather3A_159, %add3A_124], %max3A_207 : memref<129x64xf32, #tpu.memory_space<vmem>>[vector<16xi32>, vector<16xi32>], vector<16xf32>,
        %scan3A_208 = arith.constant 0 : i32
        scf.yield %scan3A_208 : i32
      }
      %scan3A_148 = arith.constant 16 : i32
      %scan3A_149 = arith.constant 0 : i32
      scf.yield %scan3A_149 : i32
    }
    %scan3A_131 = arith.constant 20 : i32
    "tpu.region"() ({
      %run_scoped3A = tpu.sem_alloc : memref<!tpu.dma_semaphore, #tpu.memory_space<semaphore_mem>>
      %dma_start3A_132 = arith.constant 0 : i32
      %dma_start3A_133 = arith.constant 0 : i32
      %dma_start3A_134 = tpu.memref_slice %arg8[%add3A, %dma_start3A_132, %dma_start3A_133] : memref<32x129x64xf32, #tpu.memory_space<hbm>> -> memref<1x129x64xf32, #tpu.memory_space<hbm>>
      %dma_start3A_135 = tpu.memref_squeeze %dma_start3A_134 : memref<1x129x64xf32, #tpu.memory_space<hbm>> -> memref<129x64xf32, #tpu.memory_space<hbm>>
      %dma_start3A_136 = arith.constant 0 : i32
      %dma_start3A_137 = arith.constant 0 : i32
      %dma_start3A_138 = tpu.memref_slice %arg8[%add3A, %dma_start3A_136, %dma_start3A_137] : memref<32x129x64xf32, #tpu.memory_space<hbm>> -> memref<1x129x64xf32, #tpu.memory_space<hbm>>
      %dma_start3A_139 = tpu.memref_squeeze %dma_start3A_138 : memref<1x129x64xf32, #tpu.memory_space<hbm>> -> memref<129x64xf32, #tpu.memory_space<hbm>>
      tpu.enqueue_dma source(%arg16 : memref<129x64xf32, #tpu.memory_space<vmem>>) target(%dma_start3A_139 : memref<129x64xf32, #tpu.memory_space<hbm>>) target_semaphore(%run_scoped3A : memref<!tpu.dma_semaphore, #tpu.memory_space<semaphore_mem>>)
      %dma_wait3A_140 = arith.constant 0 : i32
      %dma_wait3A_141 = arith.constant 0 : i32
      %dma_wait3A_142 = tpu.memref_slice %arg8[%add3A, %dma_wait3A_140, %dma_wait3A_141] : memref<32x129x64xf32, #tpu.memory_space<hbm>> -> memref<1x129x64xf32, #tpu.memory_space<hbm>>
      %dma_wait3A_143 = tpu.memref_squeeze %dma_wait3A_142 : memref<1x129x64xf32, #tpu.memory_space<hbm>> -> memref<129x64xf32, #tpu.memory_space<hbm>>
      %dma_wait3A_144 = arith.constant 0 : i32
      %dma_wait3A_145 = arith.constant 0 : i32
      %dma_wait3A_146 = tpu.memref_slice %arg8[%add3A, %dma_wait3A_144, %dma_wait3A_145] : memref<32x129x64xf32, #tpu.memory_space<hbm>> -> memref<1x129x64xf32, #tpu.memory_space<hbm>>
      %dma_wait3A_147 = tpu.memref_squeeze %dma_wait3A_146 : memref<1x129x64xf32, #tpu.memory_space<hbm>> -> memref<129x64xf32, #tpu.memory_space<hbm>>
      tpu.wait_dma2 semaphore(%run_scoped3A : memref<!tpu.dma_semaphore, #tpu.memory_space<semaphore_mem>>) src(%arg16 : memref<129x64xf32, #tpu.memory_space<vmem>>) dst(%dma_wait3A_147 : memref<129x64xf32, #tpu.memory_space<hbm>>)
      tpu.yield
    }) : () -> ()
    return
  }
}

#map = affine_map<(d0, d1) -> (0, 0)>
#map1 = affine_map<(d0, d1) -> (0)>
#map2 = affine_map<(d0, d1) -> (0, 0, 0)>
module attributes {stable_mosaic.version = 14 : i64} {
  func.func @_sc_edges_body(%arg0: i32, %arg1: i32, %arg2: memref<2592x128xi32, #tpu.memory_space<hbm>>, %arg3: memref<2592x128xi32, #tpu.memory_space<hbm>>, %arg4: memref<20000xf32, #tpu.memory_space<hbm>>, %arg5: memref<10000x64xbf16, #tpu.memory_space<hbm>>, %arg6: memref<2592x128xf32, #tpu.memory_space<hbm>>, %arg7: memref<2x10240x64xbf16, #tpu.memory_space<hbm>>, %arg8: memref<2x10240xf32, #tpu.memory_space<hbm>>, %arg9: memref<162x128xi32, #tpu.memory_space<vmem>>, %arg10: memref<20000xf32, #tpu.memory_space<vmem>>, %arg11: memref<81x128xf32, #tpu.memory_space<vmem>>, %arg12: memref<2x128x64xbf16, #tpu.memory_space<vmem>>, %arg13: memref<64xf32, #tpu.memory_space<vmem>>, %arg14: memref<10240x64xbf16, #tpu.memory_space<vmem_shared>>, %arg15: memref<10240xf32, #tpu.memory_space<vmem_shared>>, %arg16: memref<2x!tpu.dma_semaphore, #tpu.memory_space<semaphore_mem>>, %arg17: memref<2x!tpu.dma_semaphore, #tpu.memory_space<semaphore_mem>>, %arg18: memref<!tpu.dma_semaphore, #tpu.memory_space<semaphore_mem>>) attributes {dimension_semantics = [#tpu.dimension_semantics<core_parallel>, #tpu.dimension_semantics<subcore_parallel>], iteration_bounds = array<i64: 2, 16>, scalar_prefetch = 0 : i64, scratch_operands = 10 : i64, tpu.core_type = #tpu.core_type<sc_vector_subcore>, window_params = [{transform_indices = #map}, {transform_indices = #map}, {transform_indices = #map1}, {transform_indices = #map}, {transform_indices = #map}, {transform_indices = #map2}, {transform_indices = #map}]} {
    %mul3A = arith.constant 16 : i32
    %mul3A_0 = arith.muli %arg0, %mul3A : i32
    %add3A = arith.addi %mul3A_0, %arg1 : i32
    %mul3A_1 = arith.constant 81 : i32
    %mul3A_2 = arith.muli %add3A, %mul3A_1 : i32
    %broadcast_in_dim3A = arith.constant 0.000000e+00 : f32
    %broadcast_in_dim3A_3 = vector.broadcast %broadcast_in_dim3A : f32 to vector<16xf32>
    %broadcast_in_dim3A_4 = arith.constant 0.000000e+00 : bf16
    %broadcast_in_dim3A_5 = vector.broadcast %broadcast_in_dim3A_4 : bf16 to vector<32xbf16>
    %scan3A = arith.constant 0 : i32
    %scan3A_6 = arith.constant 0 : i32
    %scan3A_7 = arith.constant 128 : i32
    %scan3A_8 = arith.addi %scan3A_6, %scan3A_7 : i32
    %scan3A_9 = arith.constant 1 : i32
    %scan3A_10 = scf.for %scan3A_170 = %scan3A_6 to %scan3A_8 step %scan3A_9 iter_args(%scan3A_171 = %scan3A) -> (i32)  : i32 {
      %swap3A_172 = arith.constant 0 : i32
      %swap3A_173 = arith.index_cast %swap3A_172 : i32 to index
      %swap3A_174 = arith.index_cast %scan3A_170 : i32 to index
      %swap3A_175 = arith.constant 0 : index
      %swap3A_176 = tpu.vector_load %arg12[%swap3A_173, %swap3A_174, %swap3A_175] {strides = array<i32>} : memref<2x128x64xbf16, #tpu.memory_space<vmem>>, vector<32xbf16>,
      tpu.vector_store %arg12[%swap3A_173, %swap3A_174, %swap3A_175], %broadcast_in_dim3A_5 {strides = array<i32>} : memref<2x128x64xbf16, #tpu.memory_space<vmem>>, vector<32xbf16>,
      %swap3A_177 = arith.constant 0 : i32
      %swap3A_178 = arith.index_cast %swap3A_177 : i32 to index
      %swap3A_179 = arith.index_cast %scan3A_170 : i32 to index
      %swap3A_180 = arith.constant 32 : index
      %swap3A_181 = tpu.vector_load %arg12[%swap3A_178, %swap3A_179, %swap3A_180] {strides = array<i32>} : memref<2x128x64xbf16, #tpu.memory_space<vmem>>, vector<32xbf16>,
      tpu.vector_store %arg12[%swap3A_178, %swap3A_179, %swap3A_180], %broadcast_in_dim3A_5 {strides = array<i32>} : memref<2x128x64xbf16, #tpu.memory_space<vmem>>, vector<32xbf16>,
      %scan3A_182 = arith.constant 0 : i32
      scf.yield %scan3A_182 : i32
    }
    %scan3A_11 = arith.constant 128 : i32
    %swap3A = arith.constant 0 : index
    %swap3A_12 = tpu.vector_load %arg13[%swap3A] {strides = array<i32>} : memref<64xf32, #tpu.memory_space<vmem>>, vector<16xf32>,
    tpu.vector_store %arg13[%swap3A], %broadcast_in_dim3A_3 {strides = array<i32>} : memref<64xf32, #tpu.memory_space<vmem>>, vector<16xf32>,
    %swap3A_13 = arith.constant 16 : index
    %swap3A_14 = tpu.vector_load %arg13[%swap3A_13] {strides = array<i32>} : memref<64xf32, #tpu.memory_space<vmem>>, vector<16xf32>,
    tpu.vector_store %arg13[%swap3A_13], %broadcast_in_dim3A_3 {strides = array<i32>} : memref<64xf32, #tpu.memory_space<vmem>>, vector<16xf32>,
    %swap3A_15 = arith.constant 32 : index
    %swap3A_16 = tpu.vector_load %arg13[%swap3A_15] {strides = array<i32>} : memref<64xf32, #tpu.memory_space<vmem>>, vector<16xf32>,
    tpu.vector_store %arg13[%swap3A_15], %broadcast_in_dim3A_3 {strides = array<i32>} : memref<64xf32, #tpu.memory_space<vmem>>, vector<16xf32>,
    %swap3A_17 = arith.constant 48 : index
    %swap3A_18 = tpu.vector_load %arg13[%swap3A_17] {strides = array<i32>} : memref<64xf32, #tpu.memory_space<vmem>>, vector<16xf32>,
    tpu.vector_store %arg13[%swap3A_17], %broadcast_in_dim3A_3 {strides = array<i32>} : memref<64xf32, #tpu.memory_space<vmem>>, vector<16xf32>,
    %mul3A_19 = arith.constant 640 : i32
    %mul3A_20 = arith.muli %arg1, %mul3A_19 : i32
    %add3A_21 = arith.constant 0 : i32
    %add3A_22 = arith.addi %mul3A_20, %add3A_21 : i32
    %run_scoped3A = arith.constant 0 : i32
    "tpu.region"() ({
      %run_scoped3A_170 = tpu.sem_alloc : memref<!tpu.dma_semaphore, #tpu.memory_space<semaphore_mem>>
      %dma_start3A_171 = arith.constant 0 : i32
      %dma_start3A_172 = arith.constant 0 : i32
      %dma_start3A_173 = tpu.memref_slice %arg12[%run_scoped3A, %dma_start3A_171, %dma_start3A_172] : memref<2x128x64xbf16, #tpu.memory_space<vmem>> -> memref<1x128x64xbf16, #tpu.memory_space<vmem>>
      %dma_start3A_174 = tpu.memref_squeeze %dma_start3A_173 : memref<1x128x64xbf16, #tpu.memory_space<vmem>> -> memref<128x64xbf16, #tpu.memory_space<vmem>>
      %dma_start3A_175 = arith.constant 0 : i32
      %dma_start3A_176 = tpu.memref_slice %arg14[%add3A_22, %dma_start3A_175] : memref<10240x64xbf16, #tpu.memory_space<vmem_shared>> -> memref<128x64xbf16, #tpu.memory_space<vmem_shared>>
      %dma_start3A_177 = arith.constant 0 : i32
      %dma_start3A_178 = tpu.memref_slice %arg14[%add3A_22, %dma_start3A_177] : memref<10240x64xbf16, #tpu.memory_space<vmem_shared>> -> memref<128x64xbf16, #tpu.memory_space<vmem_shared>>
      %dma_start3A_179 = arith.constant 0 : i32
      %dma_start3A_180 = arith.constant 0 : i32
      %dma_start3A_181 = tpu.memref_slice %arg12[%run_scoped3A, %dma_start3A_179, %dma_start3A_180] : memref<2x128x64xbf16, #tpu.memory_space<vmem>> -> memref<1x128x64xbf16, #tpu.memory_space<vmem>>
      %dma_start3A_182 = tpu.memref_squeeze %dma_start3A_181 : memref<1x128x64xbf16, #tpu.memory_space<vmem>> -> memref<128x64xbf16, #tpu.memory_space<vmem>>
      tpu.enqueue_dma source(%dma_start3A_182 : memref<128x64xbf16, #tpu.memory_space<vmem>>) target(%dma_start3A_178 : memref<128x64xbf16, #tpu.memory_space<vmem_shared>>) target_semaphore(%run_scoped3A_170 : memref<!tpu.dma_semaphore, #tpu.memory_space<semaphore_mem>>)
      %dma_wait3A_183 = arith.constant 0 : i32
      %dma_wait3A_184 = arith.constant 0 : i32
      %dma_wait3A_185 = tpu.memref_slice %arg12[%run_scoped3A, %dma_wait3A_183, %dma_wait3A_184] : memref<2x128x64xbf16, #tpu.memory_space<vmem>> -> memref<1x128x64xbf16, #tpu.memory_space<vmem>>
      %dma_wait3A_186 = tpu.memref_squeeze %dma_wait3A_185 : memref<1x128x64xbf16, #tpu.memory_space<vmem>> -> memref<128x64xbf16, #tpu.memory_space<vmem>>
      %dma_wait3A_187 = arith.constant 0 : i32
      %dma_wait3A_188 = tpu.memref_slice %arg14[%add3A_22, %dma_wait3A_187] : memref<10240x64xbf16, #tpu.memory_space<vmem_shared>> -> memref<128x64xbf16, #tpu.memory_space<vmem_shared>>
      %dma_wait3A_189 = arith.constant 0 : i32
      %dma_wait3A_190 = tpu.memref_slice %arg14[%add3A_22, %dma_wait3A_189] : memref<10240x64xbf16, #tpu.memory_space<vmem_shared>> -> memref<128x64xbf16, #tpu.memory_space<vmem_shared>>
      %dma_wait3A_191 = arith.constant 0 : i32
      %dma_wait3A_192 = arith.constant 0 : i32
      %dma_wait3A_193 = tpu.memref_slice %arg12[%run_scoped3A, %dma_wait3A_191, %dma_wait3A_192] : memref<2x128x64xbf16, #tpu.memory_space<vmem>> -> memref<1x128x64xbf16, #tpu.memory_space<vmem>>
      %dma_wait3A_194 = tpu.memref_squeeze %dma_wait3A_193 : memref<1x128x64xbf16, #tpu.memory_space<vmem>> -> memref<128x64xbf16, #tpu.memory_space<vmem>>
      tpu.wait_dma2 semaphore(%run_scoped3A_170 : memref<!tpu.dma_semaphore, #tpu.memory_space<semaphore_mem>>) src(%dma_wait3A_194 : memref<128x64xbf16, #tpu.memory_space<vmem>>) dst(%dma_wait3A_190 : memref<128x64xbf16, #tpu.memory_space<vmem_shared>>)
      tpu.yield
    }) : () -> ()
    %mul3A_23 = arith.constant 640 : i32
    %mul3A_24 = arith.muli %arg1, %mul3A_23 : i32
    %add3A_25 = arith.constant 128 : i32
    %add3A_26 = arith.addi %mul3A_24, %add3A_25 : i32
    %run_scoped3A_27 = arith.constant 0 : i32
    "tpu.region"() ({
      %run_scoped3A_170 = tpu.sem_alloc : memref<!tpu.dma_semaphore, #tpu.memory_space<semaphore_mem>>
      %dma_start3A_171 = arith.constant 0 : i32
      %dma_start3A_172 = arith.constant 0 : i32
      %dma_start3A_173 = tpu.memref_slice %arg12[%run_scoped3A_27, %dma_start3A_171, %dma_start3A_172] : memref<2x128x64xbf16, #tpu.memory_space<vmem>> -> memref<1x128x64xbf16, #tpu.memory_space<vmem>>
      %dma_start3A_174 = tpu.memref_squeeze %dma_start3A_173 : memref<1x128x64xbf16, #tpu.memory_space<vmem>> -> memref<128x64xbf16, #tpu.memory_space<vmem>>
      %dma_start3A_175 = arith.constant 0 : i32
      %dma_start3A_176 = tpu.memref_slice %arg14[%add3A_26, %dma_start3A_175] : memref<10240x64xbf16, #tpu.memory_space<vmem_shared>> -> memref<128x64xbf16, #tpu.memory_space<vmem_shared>>
      %dma_start3A_177 = arith.constant 0 : i32
      %dma_start3A_178 = tpu.memref_slice %arg14[%add3A_26, %dma_start3A_177] : memref<10240x64xbf16, #tpu.memory_space<vmem_shared>> -> memref<128x64xbf16, #tpu.memory_space<vmem_shared>>
      %dma_start3A_179 = arith.constant 0 : i32
      %dma_start3A_180 = arith.constant 0 : i32
      %dma_start3A_181 = tpu.memref_slice %arg12[%run_scoped3A_27, %dma_start3A_179, %dma_start3A_180] : memref<2x128x64xbf16, #tpu.memory_space<vmem>> -> memref<1x128x64xbf16, #tpu.memory_space<vmem>>
      %dma_start3A_182 = tpu.memref_squeeze %dma_start3A_181 : memref<1x128x64xbf16, #tpu.memory_space<vmem>> -> memref<128x64xbf16, #tpu.memory_space<vmem>>
      tpu.enqueue_dma source(%dma_start3A_182 : memref<128x64xbf16, #tpu.memory_space<vmem>>) target(%dma_start3A_178 : memref<128x64xbf16, #tpu.memory_space<vmem_shared>>) target_semaphore(%run_scoped3A_170 : memref<!tpu.dma_semaphore, #tpu.memory_space<semaphore_mem>>)
      %dma_wait3A_183 = arith.constant 0 : i32
      %dma_wait3A_184 = arith.constant 0 : i32
      %dma_wait3A_185 = tpu.memref_slice %arg12[%run_scoped3A_27, %dma_wait3A_183, %dma_wait3A_184] : memref<2x128x64xbf16, #tpu.memory_space<vmem>> -> memref<1x128x64xbf16, #tpu.memory_space<vmem>>
      %dma_wait3A_186 = tpu.memref_squeeze %dma_wait3A_185 : memref<1x128x64xbf16, #tpu.memory_space<vmem>> -> memref<128x64xbf16, #tpu.memory_space<vmem>>
      %dma_wait3A_187 = arith.constant 0 : i32
      %dma_wait3A_188 = tpu.memref_slice %arg14[%add3A_26, %dma_wait3A_187] : memref<10240x64xbf16, #tpu.memory_space<vmem_shared>> -> memref<128x64xbf16, #tpu.memory_space<vmem_shared>>
      %dma_wait3A_189 = arith.constant 0 : i32
      %dma_wait3A_190 = tpu.memref_slice %arg14[%add3A_26, %dma_wait3A_189] : memref<10240x64xbf16, #tpu.memory_space<vmem_shared>> -> memref<128x64xbf16, #tpu.memory_space<vmem_shared>>
      %dma_wait3A_191 = arith.constant 0 : i32
      %dma_wait3A_192 = arith.constant 0 : i32
      %dma_wait3A_193 = tpu.memref_slice %arg12[%run_scoped3A_27, %dma_wait3A_191, %dma_wait3A_192] : memref<2x128x64xbf16, #tpu.memory_space<vmem>> -> memref<1x128x64xbf16, #tpu.memory_space<vmem>>
      %dma_wait3A_194 = tpu.memref_squeeze %dma_wait3A_193 : memref<1x128x64xbf16, #tpu.memory_space<vmem>> -> memref<128x64xbf16, #tpu.memory_space<vmem>>
      tpu.wait_dma2 semaphore(%run_scoped3A_170 : memref<!tpu.dma_semaphore, #tpu.memory_space<semaphore_mem>>) src(%dma_wait3A_194 : memref<128x64xbf16, #tpu.memory_space<vmem>>) dst(%dma_wait3A_190 : memref<128x64xbf16, #tpu.memory_space<vmem_shared>>)
      tpu.yield
    }) : () -> ()
    %mul3A_28 = arith.constant 640 : i32
    %mul3A_29 = arith.muli %arg1, %mul3A_28 : i32
    %add3A_30 = arith.constant 256 : i32
    %add3A_31 = arith.addi %mul3A_29, %add3A_30 : i32
    %run_scoped3A_32 = arith.constant 0 : i32
    "tpu.region"() ({
      %run_scoped3A_170 = tpu.sem_alloc : memref<!tpu.dma_semaphore, #tpu.memory_space<semaphore_mem>>
      %dma_start3A_171 = arith.constant 0 : i32
      %dma_start3A_172 = arith.constant 0 : i32
      %dma_start3A_173 = tpu.memref_slice %arg12[%run_scoped3A_32, %dma_start3A_171, %dma_start3A_172] : memref<2x128x64xbf16, #tpu.memory_space<vmem>> -> memref<1x128x64xbf16, #tpu.memory_space<vmem>>
      %dma_start3A_174 = tpu.memref_squeeze %dma_start3A_173 : memref<1x128x64xbf16, #tpu.memory_space<vmem>> -> memref<128x64xbf16, #tpu.memory_space<vmem>>
      %dma_start3A_175 = arith.constant 0 : i32
      %dma_start3A_176 = tpu.memref_slice %arg14[%add3A_31, %dma_start3A_175] : memref<10240x64xbf16, #tpu.memory_space<vmem_shared>> -> memref<128x64xbf16, #tpu.memory_space<vmem_shared>>
      %dma_start3A_177 = arith.constant 0 : i32
      %dma_start3A_178 = tpu.memref_slice %arg14[%add3A_31, %dma_start3A_177] : memref<10240x64xbf16, #tpu.memory_space<vmem_shared>> -> memref<128x64xbf16, #tpu.memory_space<vmem_shared>>
      %dma_start3A_179 = arith.constant 0 : i32
      %dma_start3A_180 = arith.constant 0 : i32
      %dma_start3A_181 = tpu.memref_slice %arg12[%run_scoped3A_32, %dma_start3A_179, %dma_start3A_180] : memref<2x128x64xbf16, #tpu.memory_space<vmem>> -> memref<1x128x64xbf16, #tpu.memory_space<vmem>>
      %dma_start3A_182 = tpu.memref_squeeze %dma_start3A_181 : memref<1x128x64xbf16, #tpu.memory_space<vmem>> -> memref<128x64xbf16, #tpu.memory_space<vmem>>
      tpu.enqueue_dma source(%dma_start3A_182 : memref<128x64xbf16, #tpu.memory_space<vmem>>) target(%dma_start3A_178 : memref<128x64xbf16, #tpu.memory_space<vmem_shared>>) target_semaphore(%run_scoped3A_170 : memref<!tpu.dma_semaphore, #tpu.memory_space<semaphore_mem>>)
      %dma_wait3A_183 = arith.constant 0 : i32
      %dma_wait3A_184 = arith.constant 0 : i32
      %dma_wait3A_185 = tpu.memref_slice %arg12[%run_scoped3A_32, %dma_wait3A_183, %dma_wait3A_184] : memref<2x128x64xbf16, #tpu.memory_space<vmem>> -> memref<1x128x64xbf16, #tpu.memory_space<vmem>>
      %dma_wait3A_186 = tpu.memref_squeeze %dma_wait3A_185 : memref<1x128x64xbf16, #tpu.memory_space<vmem>> -> memref<128x64xbf16, #tpu.memory_space<vmem>>
      %dma_wait3A_187 = arith.constant 0 : i32
      %dma_wait3A_188 = tpu.memref_slice %arg14[%add3A_31, %dma_wait3A_187] : memref<10240x64xbf16, #tpu.memory_space<vmem_shared>> -> memref<128x64xbf16, #tpu.memory_space<vmem_shared>>
      %dma_wait3A_189 = arith.constant 0 : i32
      %dma_wait3A_190 = tpu.memref_slice %arg14[%add3A_31, %dma_wait3A_189] : memref<10240x64xbf16, #tpu.memory_space<vmem_shared>> -> memref<128x64xbf16, #tpu.memory_space<vmem_shared>>
      %dma_wait3A_191 = arith.constant 0 : i32
      %dma_wait3A_192 = arith.constant 0 : i32
      %dma_wait3A_193 = tpu.memref_slice %arg12[%run_scoped3A_32, %dma_wait3A_191, %dma_wait3A_192] : memref<2x128x64xbf16, #tpu.memory_space<vmem>> -> memref<1x128x64xbf16, #tpu.memory_space<vmem>>
      %dma_wait3A_194 = tpu.memref_squeeze %dma_wait3A_193 : memref<1x128x64xbf16, #tpu.memory_space<vmem>> -> memref<128x64xbf16, #tpu.memory_space<vmem>>
      tpu.wait_dma2 semaphore(%run_scoped3A_170 : memref<!tpu.dma_semaphore, #tpu.memory_space<semaphore_mem>>) src(%dma_wait3A_194 : memref<128x64xbf16, #tpu.memory_space<vmem>>) dst(%dma_wait3A_190 : memref<128x64xbf16, #tpu.memory_space<vmem_shared>>)
      tpu.yield
    }) : () -> ()
    %mul3A_33 = arith.constant 640 : i32
    %mul3A_34 = arith.muli %arg1, %mul3A_33 : i32
    %add3A_35 = arith.constant 384 : i32
    %add3A_36 = arith.addi %mul3A_34, %add3A_35 : i32
    %run_scoped3A_37 = arith.constant 0 : i32
    "tpu.region"() ({
      %run_scoped3A_170 = tpu.sem_alloc : memref<!tpu.dma_semaphore, #tpu.memory_space<semaphore_mem>>
      %dma_start3A_171 = arith.constant 0 : i32
      %dma_start3A_172 = arith.constant 0 : i32
      %dma_start3A_173 = tpu.memref_slice %arg12[%run_scoped3A_37, %dma_start3A_171, %dma_start3A_172] : memref<2x128x64xbf16, #tpu.memory_space<vmem>> -> memref<1x128x64xbf16, #tpu.memory_space<vmem>>
      %dma_start3A_174 = tpu.memref_squeeze %dma_start3A_173 : memref<1x128x64xbf16, #tpu.memory_space<vmem>> -> memref<128x64xbf16, #tpu.memory_space<vmem>>
      %dma_start3A_175 = arith.constant 0 : i32
      %dma_start3A_176 = tpu.memref_slice %arg14[%add3A_36, %dma_start3A_175] : memref<10240x64xbf16, #tpu.memory_space<vmem_shared>> -> memref<128x64xbf16, #tpu.memory_space<vmem_shared>>
      %dma_start3A_177 = arith.constant 0 : i32
      %dma_start3A_178 = tpu.memref_slice %arg14[%add3A_36, %dma_start3A_177] : memref<10240x64xbf16, #tpu.memory_space<vmem_shared>> -> memref<128x64xbf16, #tpu.memory_space<vmem_shared>>
      %dma_start3A_179 = arith.constant 0 : i32
      %dma_start3A_180 = arith.constant 0 : i32
      %dma_start3A_181 = tpu.memref_slice %arg12[%run_scoped3A_37, %dma_start3A_179, %dma_start3A_180] : memref<2x128x64xbf16, #tpu.memory_space<vmem>> -> memref<1x128x64xbf16, #tpu.memory_space<vmem>>
      %dma_start3A_182 = tpu.memref_squeeze %dma_start3A_181 : memref<1x128x64xbf16, #tpu.memory_space<vmem>> -> memref<128x64xbf16, #tpu.memory_space<vmem>>
      tpu.enqueue_dma source(%dma_start3A_182 : memref<128x64xbf16, #tpu.memory_space<vmem>>) target(%dma_start3A_178 : memref<128x64xbf16, #tpu.memory_space<vmem_shared>>) target_semaphore(%run_scoped3A_170 : memref<!tpu.dma_semaphore, #tpu.memory_space<semaphore_mem>>)
      %dma_wait3A_183 = arith.constant 0 : i32
      %dma_wait3A_184 = arith.constant 0 : i32
      %dma_wait3A_185 = tpu.memref_slice %arg12[%run_scoped3A_37, %dma_wait3A_183, %dma_wait3A_184] : memref<2x128x64xbf16, #tpu.memory_space<vmem>> -> memref<1x128x64xbf16, #tpu.memory_space<vmem>>
      %dma_wait3A_186 = tpu.memref_squeeze %dma_wait3A_185 : memref<1x128x64xbf16, #tpu.memory_space<vmem>> -> memref<128x64xbf16, #tpu.memory_space<vmem>>
      %dma_wait3A_187 = arith.constant 0 : i32
      %dma_wait3A_188 = tpu.memref_slice %arg14[%add3A_36, %dma_wait3A_187] : memref<10240x64xbf16, #tpu.memory_space<vmem_shared>> -> memref<128x64xbf16, #tpu.memory_space<vmem_shared>>
      %dma_wait3A_189 = arith.constant 0 : i32
      %dma_wait3A_190 = tpu.memref_slice %arg14[%add3A_36, %dma_wait3A_189] : memref<10240x64xbf16, #tpu.memory_space<vmem_shared>> -> memref<128x64xbf16, #tpu.memory_space<vmem_shared>>
      %dma_wait3A_191 = arith.constant 0 : i32
      %dma_wait3A_192 = arith.constant 0 : i32
      %dma_wait3A_193 = tpu.memref_slice %arg12[%run_scoped3A_37, %dma_wait3A_191, %dma_wait3A_192] : memref<2x128x64xbf16, #tpu.memory_space<vmem>> -> memref<1x128x64xbf16, #tpu.memory_space<vmem>>
      %dma_wait3A_194 = tpu.memref_squeeze %dma_wait3A_193 : memref<1x128x64xbf16, #tpu.memory_space<vmem>> -> memref<128x64xbf16, #tpu.memory_space<vmem>>
      tpu.wait_dma2 semaphore(%run_scoped3A_170 : memref<!tpu.dma_semaphore, #tpu.memory_space<semaphore_mem>>) src(%dma_wait3A_194 : memref<128x64xbf16, #tpu.memory_space<vmem>>) dst(%dma_wait3A_190 : memref<128x64xbf16, #tpu.memory_space<vmem_shared>>)
      tpu.yield
    }) : () -> ()
    %mul3A_38 = arith.constant 640 : i32
    %mul3A_39 = arith.muli %arg1, %mul3A_38 : i32
    %add3A_40 = arith.constant 512 : i32
    %add3A_41 = arith.addi %mul3A_39, %add3A_40 : i32
    %run_scoped3A_42 = arith.constant 0 : i32
    "tpu.region"() ({
      %run_scoped3A_170 = tpu.sem_alloc : memref<!tpu.dma_semaphore, #tpu.memory_space<semaphore_mem>>
      %dma_start3A_171 = arith.constant 0 : i32
      %dma_start3A_172 = arith.constant 0 : i32
      %dma_start3A_173 = tpu.memref_slice %arg12[%run_scoped3A_42, %dma_start3A_171, %dma_start3A_172] : memref<2x128x64xbf16, #tpu.memory_space<vmem>> -> memref<1x128x64xbf16, #tpu.memory_space<vmem>>
      %dma_start3A_174 = tpu.memref_squeeze %dma_start3A_173 : memref<1x128x64xbf16, #tpu.memory_space<vmem>> -> memref<128x64xbf16, #tpu.memory_space<vmem>>
      %dma_start3A_175 = arith.constant 0 : i32
      %dma_start3A_176 = tpu.memref_slice %arg14[%add3A_41, %dma_start3A_175] : memref<10240x64xbf16, #tpu.memory_space<vmem_shared>> -> memref<128x64xbf16, #tpu.memory_space<vmem_shared>>
      %dma_start3A_177 = arith.constant 0 : i32
      %dma_start3A_178 = tpu.memref_slice %arg14[%add3A_41, %dma_start3A_177] : memref<10240x64xbf16, #tpu.memory_space<vmem_shared>> -> memref<128x64xbf16, #tpu.memory_space<vmem_shared>>
      %dma_start3A_179 = arith.constant 0 : i32
      %dma_start3A_180 = arith.constant 0 : i32
      %dma_start3A_181 = tpu.memref_slice %arg12[%run_scoped3A_42, %dma_start3A_179, %dma_start3A_180] : memref<2x128x64xbf16, #tpu.memory_space<vmem>> -> memref<1x128x64xbf16, #tpu.memory_space<vmem>>
      %dma_start3A_182 = tpu.memref_squeeze %dma_start3A_181 : memref<1x128x64xbf16, #tpu.memory_space<vmem>> -> memref<128x64xbf16, #tpu.memory_space<vmem>>
      tpu.enqueue_dma source(%dma_start3A_182 : memref<128x64xbf16, #tpu.memory_space<vmem>>) target(%dma_start3A_178 : memref<128x64xbf16, #tpu.memory_space<vmem_shared>>) target_semaphore(%run_scoped3A_170 : memref<!tpu.dma_semaphore, #tpu.memory_space<semaphore_mem>>)
      %dma_wait3A_183 = arith.constant 0 : i32
      %dma_wait3A_184 = arith.constant 0 : i32
      %dma_wait3A_185 = tpu.memref_slice %arg12[%run_scoped3A_42, %dma_wait3A_183, %dma_wait3A_184] : memref<2x128x64xbf16, #tpu.memory_space<vmem>> -> memref<1x128x64xbf16, #tpu.memory_space<vmem>>
      %dma_wait3A_186 = tpu.memref_squeeze %dma_wait3A_185 : memref<1x128x64xbf16, #tpu.memory_space<vmem>> -> memref<128x64xbf16, #tpu.memory_space<vmem>>
      %dma_wait3A_187 = arith.constant 0 : i32
      %dma_wait3A_188 = tpu.memref_slice %arg14[%add3A_41, %dma_wait3A_187] : memref<10240x64xbf16, #tpu.memory_space<vmem_shared>> -> memref<128x64xbf16, #tpu.memory_space<vmem_shared>>
      %dma_wait3A_189 = arith.constant 0 : i32
      %dma_wait3A_190 = tpu.memref_slice %arg14[%add3A_41, %dma_wait3A_189] : memref<10240x64xbf16, #tpu.memory_space<vmem_shared>> -> memref<128x64xbf16, #tpu.memory_space<vmem_shared>>
      %dma_wait3A_191 = arith.constant 0 : i32
      %dma_wait3A_192 = arith.constant 0 : i32
      %dma_wait3A_193 = tpu.memref_slice %arg12[%run_scoped3A_42, %dma_wait3A_191, %dma_wait3A_192] : memref<2x128x64xbf16, #tpu.memory_space<vmem>> -> memref<1x128x64xbf16, #tpu.memory_space<vmem>>
      %dma_wait3A_194 = tpu.memref_squeeze %dma_wait3A_193 : memref<1x128x64xbf16, #tpu.memory_space<vmem>> -> memref<128x64xbf16, #tpu.memory_space<vmem>>
      tpu.wait_dma2 semaphore(%run_scoped3A_170 : memref<!tpu.dma_semaphore, #tpu.memory_space<semaphore_mem>>) src(%dma_wait3A_194 : memref<128x64xbf16, #tpu.memory_space<vmem>>) dst(%dma_wait3A_190 : memref<128x64xbf16, #tpu.memory_space<vmem_shared>>)
      tpu.yield
    }) : () -> ()
    %mul3A_43 = arith.constant 640 : i32
    %mul3A_44 = arith.muli %arg1, %mul3A_43 : i32
    %add3A_45 = arith.constant 0 : i32
    %add3A_46 = arith.addi %mul3A_44, %add3A_45 : i32
    "tpu.region"() ({
      %run_scoped3A_170 = tpu.sem_alloc : memref<!tpu.dma_semaphore, #tpu.memory_space<semaphore_mem>>
      %dma_start3A_171 = tpu.memref_slice %arg15[%add3A_46] : memref<10240xf32, #tpu.memory_space<vmem_shared>> -> memref<64xf32, #tpu.memory_space<vmem_shared>>
      %dma_start3A_172 = tpu.memref_slice %arg15[%add3A_46] : memref<10240xf32, #tpu.memory_space<vmem_shared>> -> memref<64xf32, #tpu.memory_space<vmem_shared>>
      tpu.enqueue_dma source(%arg13 : memref<64xf32, #tpu.memory_space<vmem>>) target(%dma_start3A_172 : memref<64xf32, #tpu.memory_space<vmem_shared>>) target_semaphore(%run_scoped3A_170 : memref<!tpu.dma_semaphore, #tpu.memory_space<semaphore_mem>>)
      %dma_wait3A_173 = tpu.memref_slice %arg15[%add3A_46] : memref<10240xf32, #tpu.memory_space<vmem_shared>> -> memref<64xf32, #tpu.memory_space<vmem_shared>>
      %dma_wait3A_174 = tpu.memref_slice %arg15[%add3A_46] : memref<10240xf32, #tpu.memory_space<vmem_shared>> -> memref<64xf32, #tpu.memory_space<vmem_shared>>
      tpu.wait_dma2 semaphore(%run_scoped3A_170 : memref<!tpu.dma_semaphore, #tpu.memory_space<semaphore_mem>>) src(%arg13 : memref<64xf32, #tpu.memory_space<vmem>>) dst(%dma_wait3A_174 : memref<64xf32, #tpu.memory_space<vmem_shared>>)
      tpu.yield
    }) : () -> ()
    %mul3A_47 = arith.constant 640 : i32
    %mul3A_48 = arith.muli %arg1, %mul3A_47 : i32
    %add3A_49 = arith.constant 64 : i32
    %add3A_50 = arith.addi %mul3A_48, %add3A_49 : i32
    "tpu.region"() ({
      %run_scoped3A_170 = tpu.sem_alloc : memref<!tpu.dma_semaphore, #tpu.memory_space<semaphore_mem>>
      %dma_start3A_171 = tpu.memref_slice %arg15[%add3A_50] : memref<10240xf32, #tpu.memory_space<vmem_shared>> -> memref<64xf32, #tpu.memory_space<vmem_shared>>
      %dma_start3A_172 = tpu.memref_slice %arg15[%add3A_50] : memref<10240xf32, #tpu.memory_space<vmem_shared>> -> memref<64xf32, #tpu.memory_space<vmem_shared>>
      tpu.enqueue_dma source(%arg13 : memref<64xf32, #tpu.memory_space<vmem>>) target(%dma_start3A_172 : memref<64xf32, #tpu.memory_space<vmem_shared>>) target_semaphore(%run_scoped3A_170 : memref<!tpu.dma_semaphore, #tpu.memory_space<semaphore_mem>>)
      %dma_wait3A_173 = tpu.memref_slice %arg15[%add3A_50] : memref<10240xf32, #tpu.memory_space<vmem_shared>> -> memref<64xf32, #tpu.memory_space<vmem_shared>>
      %dma_wait3A_174 = tpu.memref_slice %arg15[%add3A_50] : memref<10240xf32, #tpu.memory_space<vmem_shared>> -> memref<64xf32, #tpu.memory_space<vmem_shared>>
      tpu.wait_dma2 semaphore(%run_scoped3A_170 : memref<!tpu.dma_semaphore, #tpu.memory_space<semaphore_mem>>) src(%arg13 : memref<64xf32, #tpu.memory_space<vmem>>) dst(%dma_wait3A_174 : memref<64xf32, #tpu.memory_space<vmem_shared>>)
      tpu.yield
    }) : () -> ()
    %mul3A_51 = arith.constant 640 : i32
    %mul3A_52 = arith.muli %arg1, %mul3A_51 : i32
    %add3A_53 = arith.constant 128 : i32
    %add3A_54 = arith.addi %mul3A_52, %add3A_53 : i32
    "tpu.region"() ({
      %run_scoped3A_170 = tpu.sem_alloc : memref<!tpu.dma_semaphore, #tpu.memory_space<semaphore_mem>>
      %dma_start3A_171 = tpu.memref_slice %arg15[%add3A_54] : memref<10240xf32, #tpu.memory_space<vmem_shared>> -> memref<64xf32, #tpu.memory_space<vmem_shared>>
      %dma_start3A_172 = tpu.memref_slice %arg15[%add3A_54] : memref<10240xf32, #tpu.memory_space<vmem_shared>> -> memref<64xf32, #tpu.memory_space<vmem_shared>>
      tpu.enqueue_dma source(%arg13 : memref<64xf32, #tpu.memory_space<vmem>>) target(%dma_start3A_172 : memref<64xf32, #tpu.memory_space<vmem_shared>>) target_semaphore(%run_scoped3A_170 : memref<!tpu.dma_semaphore, #tpu.memory_space<semaphore_mem>>)
      %dma_wait3A_173 = tpu.memref_slice %arg15[%add3A_54] : memref<10240xf32, #tpu.memory_space<vmem_shared>> -> memref<64xf32, #tpu.memory_space<vmem_shared>>
      %dma_wait3A_174 = tpu.memref_slice %arg15[%add3A_54] : memref<10240xf32, #tpu.memory_space<vmem_shared>> -> memref<64xf32, #tpu.memory_space<vmem_shared>>
      tpu.wait_dma2 semaphore(%run_scoped3A_170 : memref<!tpu.dma_semaphore, #tpu.memory_space<semaphore_mem>>) src(%arg13 : memref<64xf32, #tpu.memory_space<vmem>>) dst(%dma_wait3A_174 : memref<64xf32, #tpu.memory_space<vmem_shared>>)
      tpu.yield
    }) : () -> ()
    %mul3A_55 = arith.constant 640 : i32
    %mul3A_56 = arith.muli %arg1, %mul3A_55 : i32
    %add3A_57 = arith.constant 192 : i32
    %add3A_58 = arith.addi %mul3A_56, %add3A_57 : i32
    "tpu.region"() ({
      %run_scoped3A_170 = tpu.sem_alloc : memref<!tpu.dma_semaphore, #tpu.memory_space<semaphore_mem>>
      %dma_start3A_171 = tpu.memref_slice %arg15[%add3A_58] : memref<10240xf32, #tpu.memory_space<vmem_shared>> -> memref<64xf32, #tpu.memory_space<vmem_shared>>
      %dma_start3A_172 = tpu.memref_slice %arg15[%add3A_58] : memref<10240xf32, #tpu.memory_space<vmem_shared>> -> memref<64xf32, #tpu.memory_space<vmem_shared>>
      tpu.enqueue_dma source(%arg13 : memref<64xf32, #tpu.memory_space<vmem>>) target(%dma_start3A_172 : memref<64xf32, #tpu.memory_space<vmem_shared>>) target_semaphore(%run_scoped3A_170 : memref<!tpu.dma_semaphore, #tpu.memory_space<semaphore_mem>>)
      %dma_wait3A_173 = tpu.memref_slice %arg15[%add3A_58] : memref<10240xf32, #tpu.memory_space<vmem_shared>> -> memref<64xf32, #tpu.memory_space<vmem_shared>>
      %dma_wait3A_174 = tpu.memref_slice %arg15[%add3A_58] : memref<10240xf32, #tpu.memory_space<vmem_shared>> -> memref<64xf32, #tpu.memory_space<vmem_shared>>
      tpu.wait_dma2 semaphore(%run_scoped3A_170 : memref<!tpu.dma_semaphore, #tpu.memory_space<semaphore_mem>>) src(%arg13 : memref<64xf32, #tpu.memory_space<vmem>>) dst(%dma_wait3A_174 : memref<64xf32, #tpu.memory_space<vmem_shared>>)
      tpu.yield
    }) : () -> ()
    %mul3A_59 = arith.constant 640 : i32
    %mul3A_60 = arith.muli %arg1, %mul3A_59 : i32
    %add3A_61 = arith.constant 256 : i32
    %add3A_62 = arith.addi %mul3A_60, %add3A_61 : i32
    "tpu.region"() ({
      %run_scoped3A_170 = tpu.sem_alloc : memref<!tpu.dma_semaphore, #tpu.memory_space<semaphore_mem>>
      %dma_start3A_171 = tpu.memref_slice %arg15[%add3A_62] : memref<10240xf32, #tpu.memory_space<vmem_shared>> -> memref<64xf32, #tpu.memory_space<vmem_shared>>
      %dma_start3A_172 = tpu.memref_slice %arg15[%add3A_62] : memref<10240xf32, #tpu.memory_space<vmem_shared>> -> memref<64xf32, #tpu.memory_space<vmem_shared>>
      tpu.enqueue_dma source(%arg13 : memref<64xf32, #tpu.memory_space<vmem>>) target(%dma_start3A_172 : memref<64xf32, #tpu.memory_space<vmem_shared>>) target_semaphore(%run_scoped3A_170 : memref<!tpu.dma_semaphore, #tpu.memory_space<semaphore_mem>>)
      %dma_wait3A_173 = tpu.memref_slice %arg15[%add3A_62] : memref<10240xf32, #tpu.memory_space<vmem_shared>> -> memref<64xf32, #tpu.memory_space<vmem_shared>>
      %dma_wait3A_174 = tpu.memref_slice %arg15[%add3A_62] : memref<10240xf32, #tpu.memory_space<vmem_shared>> -> memref<64xf32, #tpu.memory_space<vmem_shared>>
      tpu.wait_dma2 semaphore(%run_scoped3A_170 : memref<!tpu.dma_semaphore, #tpu.memory_space<semaphore_mem>>) src(%arg13 : memref<64xf32, #tpu.memory_space<vmem>>) dst(%dma_wait3A_174 : memref<64xf32, #tpu.memory_space<vmem_shared>>)
      tpu.yield
    }) : () -> ()
    %mul3A_63 = arith.constant 640 : i32
    %mul3A_64 = arith.muli %arg1, %mul3A_63 : i32
    %add3A_65 = arith.constant 320 : i32
    %add3A_66 = arith.addi %mul3A_64, %add3A_65 : i32
    "tpu.region"() ({
      %run_scoped3A_170 = tpu.sem_alloc : memref<!tpu.dma_semaphore, #tpu.memory_space<semaphore_mem>>
      %dma_start3A_171 = tpu.memref_slice %arg15[%add3A_66] : memref<10240xf32, #tpu.memory_space<vmem_shared>> -> memref<64xf32, #tpu.memory_space<vmem_shared>>
      %dma_start3A_172 = tpu.memref_slice %arg15[%add3A_66] : memref<10240xf32, #tpu.memory_space<vmem_shared>> -> memref<64xf32, #tpu.memory_space<vmem_shared>>
      tpu.enqueue_dma source(%arg13 : memref<64xf32, #tpu.memory_space<vmem>>) target(%dma_start3A_172 : memref<64xf32, #tpu.memory_space<vmem_shared>>) target_semaphore(%run_scoped3A_170 : memref<!tpu.dma_semaphore, #tpu.memory_space<semaphore_mem>>)
      %dma_wait3A_173 = tpu.memref_slice %arg15[%add3A_66] : memref<10240xf32, #tpu.memory_space<vmem_shared>> -> memref<64xf32, #tpu.memory_space<vmem_shared>>
      %dma_wait3A_174 = tpu.memref_slice %arg15[%add3A_66] : memref<10240xf32, #tpu.memory_space<vmem_shared>> -> memref<64xf32, #tpu.memory_space<vmem_shared>>
      tpu.wait_dma2 semaphore(%run_scoped3A_170 : memref<!tpu.dma_semaphore, #tpu.memory_space<semaphore_mem>>) src(%arg13 : memref<64xf32, #tpu.memory_space<vmem>>) dst(%dma_wait3A_174 : memref<64xf32, #tpu.memory_space<vmem_shared>>)
      tpu.yield
    }) : () -> ()
    %mul3A_67 = arith.constant 640 : i32
    %mul3A_68 = arith.muli %arg1, %mul3A_67 : i32
    %add3A_69 = arith.constant 384 : i32
    %add3A_70 = arith.addi %mul3A_68, %add3A_69 : i32
    "tpu.region"() ({
      %run_scoped3A_170 = tpu.sem_alloc : memref<!tpu.dma_semaphore, #tpu.memory_space<semaphore_mem>>
      %dma_start3A_171 = tpu.memref_slice %arg15[%add3A_70] : memref<10240xf32, #tpu.memory_space<vmem_shared>> -> memref<64xf32, #tpu.memory_space<vmem_shared>>
      %dma_start3A_172 = tpu.memref_slice %arg15[%add3A_70] : memref<10240xf32, #tpu.memory_space<vmem_shared>> -> memref<64xf32, #tpu.memory_space<vmem_shared>>
      tpu.enqueue_dma source(%arg13 : memref<64xf32, #tpu.memory_space<vmem>>) target(%dma_start3A_172 : memref<64xf32, #tpu.memory_space<vmem_shared>>) target_semaphore(%run_scoped3A_170 : memref<!tpu.dma_semaphore, #tpu.memory_space<semaphore_mem>>)
      %dma_wait3A_173 = tpu.memref_slice %arg15[%add3A_70] : memref<10240xf32, #tpu.memory_space<vmem_shared>> -> memref<64xf32, #tpu.memory_space<vmem_shared>>
      %dma_wait3A_174 = tpu.memref_slice %arg15[%add3A_70] : memref<10240xf32, #tpu.memory_space<vmem_shared>> -> memref<64xf32, #tpu.memory_space<vmem_shared>>
      tpu.wait_dma2 semaphore(%run_scoped3A_170 : memref<!tpu.dma_semaphore, #tpu.memory_space<semaphore_mem>>) src(%arg13 : memref<64xf32, #tpu.memory_space<vmem>>) dst(%dma_wait3A_174 : memref<64xf32, #tpu.memory_space<vmem_shared>>)
      tpu.yield
    }) : () -> ()
    %mul3A_71 = arith.constant 640 : i32
    %mul3A_72 = arith.muli %arg1, %mul3A_71 : i32
    %add3A_73 = arith.constant 448 : i32
    %add3A_74 = arith.addi %mul3A_72, %add3A_73 : i32
    "tpu.region"() ({
      %run_scoped3A_170 = tpu.sem_alloc : memref<!tpu.dma_semaphore, #tpu.memory_space<semaphore_mem>>
      %dma_start3A_171 = tpu.memref_slice %arg15[%add3A_74] : memref<10240xf32, #tpu.memory_space<vmem_shared>> -> memref<64xf32, #tpu.memory_space<vmem_shared>>
      %dma_start3A_172 = tpu.memref_slice %arg15[%add3A_74] : memref<10240xf32, #tpu.memory_space<vmem_shared>> -> memref<64xf32, #tpu.memory_space<vmem_shared>>
      tpu.enqueue_dma source(%arg13 : memref<64xf32, #tpu.memory_space<vmem>>) target(%dma_start3A_172 : memref<64xf32, #tpu.memory_space<vmem_shared>>) target_semaphore(%run_scoped3A_170 : memref<!tpu.dma_semaphore, #tpu.memory_space<semaphore_mem>>)
      %dma_wait3A_173 = tpu.memref_slice %arg15[%add3A_74] : memref<10240xf32, #tpu.memory_space<vmem_shared>> -> memref<64xf32, #tpu.memory_space<vmem_shared>>
      %dma_wait3A_174 = tpu.memref_slice %arg15[%add3A_74] : memref<10240xf32, #tpu.memory_space<vmem_shared>> -> memref<64xf32, #tpu.memory_space<vmem_shared>>
      tpu.wait_dma2 semaphore(%run_scoped3A_170 : memref<!tpu.dma_semaphore, #tpu.memory_space<semaphore_mem>>) src(%arg13 : memref<64xf32, #tpu.memory_space<vmem>>) dst(%dma_wait3A_174 : memref<64xf32, #tpu.memory_space<vmem_shared>>)
      tpu.yield
    }) : () -> ()
    %mul3A_75 = arith.constant 640 : i32
    %mul3A_76 = arith.muli %arg1, %mul3A_75 : i32
    %add3A_77 = arith.constant 512 : i32
    %add3A_78 = arith.addi %mul3A_76, %add3A_77 : i32
    "tpu.region"() ({
      %run_scoped3A_170 = tpu.sem_alloc : memref<!tpu.dma_semaphore, #tpu.memory_space<semaphore_mem>>
      %dma_start3A_171 = tpu.memref_slice %arg15[%add3A_78] : memref<10240xf32, #tpu.memory_space<vmem_shared>> -> memref<64xf32, #tpu.memory_space<vmem_shared>>
      %dma_start3A_172 = tpu.memref_slice %arg15[%add3A_78] : memref<10240xf32, #tpu.memory_space<vmem_shared>> -> memref<64xf32, #tpu.memory_space<vmem_shared>>
      tpu.enqueue_dma source(%arg13 : memref<64xf32, #tpu.memory_space<vmem>>) target(%dma_start3A_172 : memref<64xf32, #tpu.memory_space<vmem_shared>>) target_semaphore(%run_scoped3A_170 : memref<!tpu.dma_semaphore, #tpu.memory_space<semaphore_mem>>)
      %dma_wait3A_173 = tpu.memref_slice %arg15[%add3A_78] : memref<10240xf32, #tpu.memory_space<vmem_shared>> -> memref<64xf32, #tpu.memory_space<vmem_shared>>
      %dma_wait3A_174 = tpu.memref_slice %arg15[%add3A_78] : memref<10240xf32, #tpu.memory_space<vmem_shared>> -> memref<64xf32, #tpu.memory_space<vmem_shared>>
      tpu.wait_dma2 semaphore(%run_scoped3A_170 : memref<!tpu.dma_semaphore, #tpu.memory_space<semaphore_mem>>) src(%arg13 : memref<64xf32, #tpu.memory_space<vmem>>) dst(%dma_wait3A_174 : memref<64xf32, #tpu.memory_space<vmem_shared>>)
      tpu.yield
    }) : () -> ()
    %mul3A_79 = arith.constant 640 : i32
    %mul3A_80 = arith.muli %arg1, %mul3A_79 : i32
    %add3A_81 = arith.constant 576 : i32
    %add3A_82 = arith.addi %mul3A_80, %add3A_81 : i32
    "tpu.region"() ({
      %run_scoped3A_170 = tpu.sem_alloc : memref<!tpu.dma_semaphore, #tpu.memory_space<semaphore_mem>>
      %dma_start3A_171 = tpu.memref_slice %arg15[%add3A_82] : memref<10240xf32, #tpu.memory_space<vmem_shared>> -> memref<64xf32, #tpu.memory_space<vmem_shared>>
      %dma_start3A_172 = tpu.memref_slice %arg15[%add3A_82] : memref<10240xf32, #tpu.memory_space<vmem_shared>> -> memref<64xf32, #tpu.memory_space<vmem_shared>>
      tpu.enqueue_dma source(%arg13 : memref<64xf32, #tpu.memory_space<vmem>>) target(%dma_start3A_172 : memref<64xf32, #tpu.memory_space<vmem_shared>>) target_semaphore(%run_scoped3A_170 : memref<!tpu.dma_semaphore, #tpu.memory_space<semaphore_mem>>)
      %dma_wait3A_173 = tpu.memref_slice %arg15[%add3A_82] : memref<10240xf32, #tpu.memory_space<vmem_shared>> -> memref<64xf32, #tpu.memory_space<vmem_shared>>
      %dma_wait3A_174 = tpu.memref_slice %arg15[%add3A_82] : memref<10240xf32, #tpu.memory_space<vmem_shared>> -> memref<64xf32, #tpu.memory_space<vmem_shared>>
      tpu.wait_dma2 semaphore(%run_scoped3A_170 : memref<!tpu.dma_semaphore, #tpu.memory_space<semaphore_mem>>) src(%arg13 : memref<64xf32, #tpu.memory_space<vmem>>) dst(%dma_wait3A_174 : memref<64xf32, #tpu.memory_space<vmem_shared>>)
      tpu.yield
    }) : () -> ()
    "tpu.region"() ({
      %run_scoped3A_170 = tpu.sem_alloc : memref<!tpu.dma_semaphore, #tpu.memory_space<semaphore_mem>>
      tpu.enqueue_dma source(%arg4 : memref<20000xf32, #tpu.memory_space<hbm>>) target(%arg10 : memref<20000xf32, #tpu.memory_space<vmem>>) target_semaphore(%run_scoped3A_170 : memref<!tpu.dma_semaphore, #tpu.memory_space<semaphore_mem>>)
      tpu.wait_dma2 semaphore(%run_scoped3A_170 : memref<!tpu.dma_semaphore, #tpu.memory_space<semaphore_mem>>) src(%arg4 : memref<20000xf32, #tpu.memory_space<hbm>>) dst(%arg10 : memref<20000xf32, #tpu.memory_space<vmem>>)
      tpu.yield
    }) : () -> ()
    "tpu.region"() ({
      %run_scoped3A_170 = tpu.sem_alloc : memref<!tpu.dma_semaphore, #tpu.memory_space<semaphore_mem>>
      %dma_start3A_171 = arith.constant 0 : i32
      %dma_start3A_172 = arith.constant 0 : i32
      %dma_start3A_173 = tpu.memref_slice %arg9[%dma_start3A_171, %dma_start3A_172] : memref<162x128xi32, #tpu.memory_space<vmem>> -> memref<81x128xi32, #tpu.memory_space<vmem>>
      %dma_start3A_174 = arith.constant 0 : i32
      %dma_start3A_175 = tpu.memref_slice %arg2[%mul3A_2, %dma_start3A_174] : memref<2592x128xi32, #tpu.memory_space<hbm>> -> memref<81x128xi32, #tpu.memory_space<hbm>>
      %dma_start3A_176 = arith.constant 0 : i32
      %dma_start3A_177 = arith.constant 0 : i32
      %dma_start3A_178 = tpu.memref_slice %arg9[%dma_start3A_176, %dma_start3A_177] : memref<162x128xi32, #tpu.memory_space<vmem>> -> memref<81x128xi32, #tpu.memory_space<vmem>>
      %dma_start3A_179 = arith.constant 0 : i32
      %dma_start3A_180 = tpu.memref_slice %arg2[%mul3A_2, %dma_start3A_179] : memref<2592x128xi32, #tpu.memory_space<hbm>> -> memref<81x128xi32, #tpu.memory_space<hbm>>
      tpu.enqueue_dma source(%dma_start3A_180 : memref<81x128xi32, #tpu.memory_space<hbm>>) target(%dma_start3A_178 : memref<81x128xi32, #tpu.memory_space<vmem>>) target_semaphore(%run_scoped3A_170 : memref<!tpu.dma_semaphore, #tpu.memory_space<semaphore_mem>>)
      %dma_wait3A_181 = arith.constant 0 : i32
      %dma_wait3A_182 = arith.constant 0 : i32
      %dma_wait3A_183 = tpu.memref_slice %arg9[%dma_wait3A_181, %dma_wait3A_182] : memref<162x128xi32, #tpu.memory_space<vmem>> -> memref<81x128xi32, #tpu.memory_space<vmem>>
      %dma_wait3A_184 = arith.constant 0 : i32
      %dma_wait3A_185 = tpu.memref_slice %arg2[%mul3A_2, %dma_wait3A_184] : memref<2592x128xi32, #tpu.memory_space<hbm>> -> memref<81x128xi32, #tpu.memory_space<hbm>>
      %dma_wait3A_186 = arith.constant 0 : i32
      %dma_wait3A_187 = arith.constant 0 : i32
      %dma_wait3A_188 = tpu.memref_slice %arg9[%dma_wait3A_186, %dma_wait3A_187] : memref<162x128xi32, #tpu.memory_space<vmem>> -> memref<81x128xi32, #tpu.memory_space<vmem>>
      %dma_wait3A_189 = arith.constant 0 : i32
      %dma_wait3A_190 = tpu.memref_slice %arg2[%mul3A_2, %dma_wait3A_189] : memref<2592x128xi32, #tpu.memory_space<hbm>> -> memref<81x128xi32, #tpu.memory_space<hbm>>
      tpu.wait_dma2 semaphore(%run_scoped3A_170 : memref<!tpu.dma_semaphore, #tpu.memory_space<semaphore_mem>>) src(%dma_wait3A_190 : memref<81x128xi32, #tpu.memory_space<hbm>>) dst(%dma_wait3A_188 : memref<81x128xi32, #tpu.memory_space<vmem>>)
      tpu.yield
    }) : () -> ()
    "tpu.region"() ({
      %run_scoped3A_170 = tpu.sem_alloc : memref<!tpu.dma_semaphore, #tpu.memory_space<semaphore_mem>>
      %dma_start3A_171 = arith.constant 81 : i32
      %dma_start3A_172 = arith.constant 0 : i32
      %dma_start3A_173 = tpu.memref_slice %arg9[%dma_start3A_171, %dma_start3A_172] : memref<162x128xi32, #tpu.memory_space<vmem>> -> memref<81x128xi32, #tpu.memory_space<vmem>>
      %dma_start3A_174 = arith.constant 0 : i32
      %dma_start3A_175 = tpu.memref_slice %arg3[%mul3A_2, %dma_start3A_174] : memref<2592x128xi32, #tpu.memory_space<hbm>> -> memref<81x128xi32, #tpu.memory_space<hbm>>
      %dma_start3A_176 = arith.constant 81 : i32
      %dma_start3A_177 = arith.constant 0 : i32
      %dma_start3A_178 = tpu.memref_slice %arg9[%dma_start3A_176, %dma_start3A_177] : memref<162x128xi32, #tpu.memory_space<vmem>> -> memref<81x128xi32, #tpu.memory_space<vmem>>
      %dma_start3A_179 = arith.constant 0 : i32
      %dma_start3A_180 = tpu.memref_slice %arg3[%mul3A_2, %dma_start3A_179] : memref<2592x128xi32, #tpu.memory_space<hbm>> -> memref<81x128xi32, #tpu.memory_space<hbm>>
      tpu.enqueue_dma source(%dma_start3A_180 : memref<81x128xi32, #tpu.memory_space<hbm>>) target(%dma_start3A_178 : memref<81x128xi32, #tpu.memory_space<vmem>>) target_semaphore(%run_scoped3A_170 : memref<!tpu.dma_semaphore, #tpu.memory_space<semaphore_mem>>)
      %dma_wait3A_181 = arith.constant 81 : i32
      %dma_wait3A_182 = arith.constant 0 : i32
      %dma_wait3A_183 = tpu.memref_slice %arg9[%dma_wait3A_181, %dma_wait3A_182] : memref<162x128xi32, #tpu.memory_space<vmem>> -> memref<81x128xi32, #tpu.memory_space<vmem>>
      %dma_wait3A_184 = arith.constant 0 : i32
      %dma_wait3A_185 = tpu.memref_slice %arg3[%mul3A_2, %dma_wait3A_184] : memref<2592x128xi32, #tpu.memory_space<hbm>> -> memref<81x128xi32, #tpu.memory_space<hbm>>
      %dma_wait3A_186 = arith.constant 81 : i32
      %dma_wait3A_187 = arith.constant 0 : i32
      %dma_wait3A_188 = tpu.memref_slice %arg9[%dma_wait3A_186, %dma_wait3A_187] : memref<162x128xi32, #tpu.memory_space<vmem>> -> memref<81x128xi32, #tpu.memory_space<vmem>>
      %dma_wait3A_189 = arith.constant 0 : i32
      %dma_wait3A_190 = tpu.memref_slice %arg3[%mul3A_2, %dma_wait3A_189] : memref<2592x128xi32, #tpu.memory_space<hbm>> -> memref<81x128xi32, #tpu.memory_space<hbm>>
      tpu.wait_dma2 semaphore(%run_scoped3A_170 : memref<!tpu.dma_semaphore, #tpu.memory_space<semaphore_mem>>) src(%dma_wait3A_190 : memref<81x128xi32, #tpu.memory_space<hbm>>) dst(%dma_wait3A_188 : memref<81x128xi32, #tpu.memory_space<vmem>>)
      tpu.yield
    }) : () -> ()
    %barrier3A = arith.constant 0 : index
    tpu.barrier barrier_id(%barrier3A)
    %iota3A = tpu.iota {dimensions = array<i32: 0>} : vector<16xi32>
    %dma_start3A = arith.constant 0 : i32
    %dma_start3A_83 = arith.constant 0 : i32
    %dma_start3A_84 = arith.constant 0 : i32
    %dma_start3A_85 = arith.constant 0 : i32
    %dma_start3A_86 = arith.constant 0 : i32
    %dma_start3A_87 = tpu.memref_slice %arg12[%dma_start3A_83, %dma_start3A_85, %dma_start3A_86] : memref<2x128x64xbf16, #tpu.memory_space<vmem>> -> memref<1x128x64xbf16, #tpu.memory_space<vmem>>
    %dma_start3A_88 = tpu.memref_squeeze %dma_start3A_87 : memref<1x128x64xbf16, #tpu.memory_space<vmem>> -> memref<128x64xbf16, #tpu.memory_space<vmem>>
    %dma_start3A_89 = arith.constant 0 : i32
    %dma_start3A_90 = tpu.memref_slice %arg9[%dma_start3A, %dma_start3A_89] : memref<162x128xi32, #tpu.memory_space<vmem>> -> memref<1x128xi32, #tpu.memory_space<vmem>>
    %dma_start3A_91 = tpu.memref_squeeze %dma_start3A_90 : memref<1x128xi32, #tpu.memory_space<vmem>> -> memref<128xi32, #tpu.memory_space<vmem>>
    %dma_start3A_92 = arith.constant 0 : i32
    %dma_start3A_93 = arith.constant 0 : i32
    %dma_start3A_94 = tpu.memref_slice %arg5[%dma_start3A_92, %dma_start3A_93] : memref<10000x64xbf16, #tpu.memory_space<hbm>> -> memref<10000x64xbf16, #tpu.memory_space<hbm>>
    %dma_start3A_95 = tpu.memref_slice %arg16[%dma_start3A_84] : memref<2x!tpu.dma_semaphore, #tpu.memory_space<semaphore_mem>> -> memref<1x!tpu.dma_semaphore, #tpu.memory_space<semaphore_mem>>
    %dma_start3A_96 = tpu.memref_squeeze %dma_start3A_95 : memref<1x!tpu.dma_semaphore, #tpu.memory_space<semaphore_mem>> -> memref<!tpu.dma_semaphore, #tpu.memory_space<semaphore_mem>>
    tpu.enqueue_indirect_dma source(%dma_start3A_94 : memref<10000x64xbf16, #tpu.memory_space<hbm>>) target(%dma_start3A_88 : memref<128x64xbf16, #tpu.memory_space<vmem>>) offsets(%dma_start3A_91 : memref<128xi32, #tpu.memory_space<vmem>>) semaphore(%dma_start3A_96 : memref<!tpu.dma_semaphore, #tpu.memory_space<semaphore_mem>>)
    %scan3A_97 = arith.constant 0 : i32
    %scan3A_98 = arith.constant 0 : i32
    %scan3A_99 = arith.constant 81 : i32
    %scan3A_100 = arith.addi %scan3A_98, %scan3A_99 : i32
    %scan3A_101 = arith.constant 1 : i32
    %scan3A_102 = scf.for %scan3A_170 = %scan3A_98 to %scan3A_100 step %scan3A_101 iter_args(%scan3A_171 = %scan3A_97) -> (i32)  : i32 {
      %rem3A_172 = arith.constant 2 : i32
      %rem3A_173 = arith.remsi %scan3A_170, %rem3A_172 : i32
      %sub3A = arith.constant 1 : i32
      %sub3A_174 = arith.subi %sub3A, %rem3A_173 : i32
      %parallel_loop3A = arith.constant 0 : i32
      %parallel_loop3A_175 = arith.constant 128 : i32
      %parallel_loop3A_176 = arith.constant 16 : i32
      scf.for %parallel_loop3A_230 = %parallel_loop3A to %parallel_loop3A_175 step %parallel_loop3A_176  : i32 {
        %parallel_loop3A_231 = arith.index_cast %scan3A_170 : i32 to index
        %parallel_loop3A_232 = arith.index_cast %parallel_loop3A_230 : i32 to index
        %parallel_loop3A_233 = tpu.vector_load %arg9[%parallel_loop3A_231, %parallel_loop3A_232] {strides = array<i32>} : memref<162x128xi32, #tpu.memory_space<vmem>>, vector<16xi32>,
        %parallel_loop3A_234 = arith.constant 81 : i32
        %parallel_loop3A_235 = arith.addi %parallel_loop3A_234, %scan3A_170 : i32
        %parallel_loop3A_236 = arith.index_cast %parallel_loop3A_235 : i32 to index
        %parallel_loop3A_237 = arith.index_cast %parallel_loop3A_230 : i32 to index
        %parallel_loop3A_238 = tpu.vector_load %arg9[%parallel_loop3A_236, %parallel_loop3A_237] {strides = array<i32>} : memref<162x128xi32, #tpu.memory_space<vmem>>, vector<16xi32>,
        %parallel_loop3A_239 = arith.constant 2 : i32
        %parallel_loop3A_240 = vector.broadcast %parallel_loop3A_239 : i32 to vector<16xi32>
        %parallel_loop3A_241 = arith.muli %parallel_loop3A_240, %parallel_loop3A_233 : vector<16xi32>
        %parallel_loop3A_242 = tpu.vector_load_idx %arg10[%parallel_loop3A_241] : memref<20000xf32, #tpu.memory_space<vmem>>[vector<16xi32>], vector<16xf32>,
        %parallel_loop3A_243 = arith.constant 2 : i32
        %parallel_loop3A_244 = vector.broadcast %parallel_loop3A_243 : i32 to vector<16xi32>
        %parallel_loop3A_245 = arith.muli %parallel_loop3A_244, %parallel_loop3A_238 : vector<16xi32>
        %parallel_loop3A_246 = arith.constant 1 : i32
        %parallel_loop3A_247 = vector.broadcast %parallel_loop3A_246 : i32 to vector<16xi32>
        %parallel_loop3A_248 = arith.addi %parallel_loop3A_245, %parallel_loop3A_247 : vector<16xi32>
        %parallel_loop3A_249 = tpu.vector_load_idx %arg10[%parallel_loop3A_248] : memref<20000xf32, #tpu.memory_space<vmem>>[vector<16xi32>], vector<16xf32>,
        %parallel_loop3A_250 = arith.addf %parallel_loop3A_242, %parallel_loop3A_249 : vector<16xf32>
        %parallel_loop3A_251 = arith.constant 0.000000e+00 : f32
        %parallel_loop3A_252 = vector.broadcast %parallel_loop3A_251 : f32 to vector<16xf32>
        %parallel_loop3A_253 = arith.cmpf oge, %parallel_loop3A_250, %parallel_loop3A_252 : vector<16xf32>
        %parallel_loop3A_254 = arith.constant 2.000000e-01 : f32
        %parallel_loop3A_255 = vector.broadcast %parallel_loop3A_254 : f32 to vector<16xf32>
        %parallel_loop3A_256 = arith.mulf %parallel_loop3A_255, %parallel_loop3A_250 : vector<16xf32>
        %parallel_loop3A_257 = arith.select %parallel_loop3A_253, %parallel_loop3A_250, %parallel_loop3A_256 : vector<16xi1>, vector<16xf32>
        %parallel_loop3A_258 = arith.addi %mul3A_2, %scan3A_170 : i32
        %parallel_loop3A_259 = arith.constant 128 : i32
        %parallel_loop3A_260 = arith.muli %parallel_loop3A_258, %parallel_loop3A_259 : i32
        %parallel_loop3A_261 = arith.addi %parallel_loop3A_260, %parallel_loop3A_230 : i32
        %parallel_loop3A_262 = vector.broadcast %parallel_loop3A_261 : i32 to vector<16xi32>
        %parallel_loop3A_263 = arith.addi %parallel_loop3A_262, %iota3A : vector<16xi32>
        %parallel_loop3A_264 = arith.constant 330000 : i32
        %parallel_loop3A_265 = vector.broadcast %parallel_loop3A_264 : i32 to vector<16xi32>
        %parallel_loop3A_266 = arith.cmpi slt, %parallel_loop3A_263, %parallel_loop3A_265 : vector<16xi32>
        %parallel_loop3A_267 = math.exp %parallel_loop3A_257 : vector<16xf32>
        %parallel_loop3A_268 = arith.constant 0.000000e+00 : f32
        %parallel_loop3A_269 = vector.broadcast %parallel_loop3A_268 : f32 to vector<16xf32>
        %parallel_loop3A_270 = arith.select %parallel_loop3A_266, %parallel_loop3A_267, %parallel_loop3A_269 : vector<16xi1>, vector<16xf32>
        %parallel_loop3A_271 = arith.index_cast %scan3A_170 : i32 to index
        %parallel_loop3A_272 = arith.index_cast %parallel_loop3A_230 : i32 to index
        %parallel_loop3A_273 = tpu.vector_load %arg11[%parallel_loop3A_271, %parallel_loop3A_272] {strides = array<i32>} : memref<81x128xf32, #tpu.memory_space<vmem>>, vector<16xf32>,
        tpu.vector_store %arg11[%parallel_loop3A_271, %parallel_loop3A_272], %parallel_loop3A_270 {strides = array<i32>} : memref<81x128xf32, #tpu.memory_space<vmem>>, vector<16xf32>,
      } {sc.loop_unroll_factor = 4 : i64, sc.parallel_access}
      %add3A_177 = arith.constant 81 : i32
      %add3A_178 = arith.addi %add3A_177, %scan3A_170 : i32
      %dma_start3A_179 = arith.constant 0 : i32
      %dma_start3A_180 = tpu.memref_slice %arg11[%scan3A_170, %dma_start3A_179] : memref<81x128xf32, #tpu.memory_space<vmem>> -> memref<1x128xf32, #tpu.memory_space<vmem>>
      %dma_start3A_181 = tpu.memref_squeeze %dma_start3A_180 : memref<1x128xf32, #tpu.memory_space<vmem>> -> memref<128xf32, #tpu.memory_space<vmem>>
      %dma_start3A_182 = arith.constant 0 : i32
      %dma_start3A_183 = tpu.memref_slice %arg9[%add3A_178, %dma_start3A_182] : memref<162x128xi32, #tpu.memory_space<vmem>> -> memref<1x128xi32, #tpu.memory_space<vmem>>
      %dma_start3A_184 = tpu.memref_squeeze %dma_start3A_183 : memref<1x128xi32, #tpu.memory_space<vmem>> -> memref<128xi32, #tpu.memory_space<vmem>>
      %dma_start3A_185 = arith.constant 0 : i32
      %dma_start3A_186 = tpu.memref_slice %arg15[%dma_start3A_185] : memref<10240xf32, #tpu.memory_space<vmem_shared>> -> memref<10240xf32, #tpu.memory_space<vmem_shared>>
      tpu.enqueue_indirect_dma source(%dma_start3A_181 : memref<128xf32, #tpu.memory_space<vmem>>) target(%dma_start3A_186 : memref<10240xf32, #tpu.memory_space<vmem_shared>>) offsets(%dma_start3A_184 : memref<128xi32, #tpu.memory_space<vmem>>) semaphore(%arg18 : memref<!tpu.dma_semaphore, #tpu.memory_space<semaphore_mem>>) {add = true}
      %ge3A = arith.constant 4 : i32
      %ge3A_187 = arith.cmpi sge, %scan3A_170, %ge3A : i32
      %convert_element_type3A = arith.extui %ge3A_187 : i1 to i32
      %cond3A = arith.constant 0 : i32
      %cond3A_188 = arith.cmpi ne, %convert_element_type3A, %cond3A : i32
      scf.if %cond3A_188 {
        %sub3A_230 = arith.constant 4 : i32
        %sub3A_231 = arith.subi %scan3A_170, %sub3A_230 : i32
        %add3A_232 = arith.constant 81 : i32
        %add3A_233 = arith.addi %add3A_232, %sub3A_231 : i32
        %dma_wait3A_234 = arith.constant 0 : i32
        %dma_wait3A_235 = tpu.memref_slice %arg11[%sub3A_231, %dma_wait3A_234] : memref<81x128xf32, #tpu.memory_space<vmem>> -> memref<1x128xf32, #tpu.memory_space<vmem>>
        %dma_wait3A_236 = tpu.memref_squeeze %dma_wait3A_235 : memref<1x128xf32, #tpu.memory_space<vmem>> -> memref<128xf32, #tpu.memory_space<vmem>>
        %dma_wait3A_237 = arith.constant 0 : i32
        %dma_wait3A_238 = tpu.memref_slice %arg9[%add3A_233, %dma_wait3A_237] : memref<162x128xi32, #tpu.memory_space<vmem>> -> memref<1x128xi32, #tpu.memory_space<vmem>>
        %dma_wait3A_239 = tpu.memref_squeeze %dma_wait3A_238 : memref<1x128xi32, #tpu.memory_space<vmem>> -> memref<128xi32, #tpu.memory_space<vmem>>
        %dma_wait3A_240 = arith.constant 0 : i32
        %dma_wait3A_241 = tpu.memref_slice %arg15[%dma_wait3A_240] : memref<10240xf32, #tpu.memory_space<vmem_shared>> -> memref<10240xf32, #tpu.memory_space<vmem_shared>>
        tpu.wait_indirect_dma semaphore(%arg18 : memref<!tpu.dma_semaphore, #tpu.memory_space<semaphore_mem>>) src(%dma_wait3A_236 : memref<128xf32, #tpu.memory_space<vmem>>) dst(%dma_wait3A_241 : memref<10240xf32, #tpu.memory_space<vmem_shared>>)
      } else {
      }
      %dma_wait3A_189 = arith.constant 0 : i32
      %dma_wait3A_190 = arith.constant 0 : i32
      %dma_wait3A_191 = tpu.memref_slice %arg12[%rem3A_173, %dma_wait3A_189, %dma_wait3A_190] : memref<2x128x64xbf16, #tpu.memory_space<vmem>> -> memref<1x128x64xbf16, #tpu.memory_space<vmem>>
      %dma_wait3A_192 = tpu.memref_squeeze %dma_wait3A_191 : memref<1x128x64xbf16, #tpu.memory_space<vmem>> -> memref<128x64xbf16, #tpu.memory_space<vmem>>
      %dma_wait3A_193 = arith.constant 0 : i32
      %dma_wait3A_194 = tpu.memref_slice %arg9[%scan3A_170, %dma_wait3A_193] : memref<162x128xi32, #tpu.memory_space<vmem>> -> memref<1x128xi32, #tpu.memory_space<vmem>>
      %dma_wait3A_195 = tpu.memref_squeeze %dma_wait3A_194 : memref<1x128xi32, #tpu.memory_space<vmem>> -> memref<128xi32, #tpu.memory_space<vmem>>
      %dma_wait3A_196 = arith.constant 0 : i32
      %dma_wait3A_197 = arith.constant 0 : i32
      %dma_wait3A_198 = tpu.memref_slice %arg5[%dma_wait3A_196, %dma_wait3A_197] : memref<10000x64xbf16, #tpu.memory_space<hbm>> -> memref<10000x64xbf16, #tpu.memory_space<hbm>>
      %dma_wait3A_199 = tpu.memref_slice %arg16[%rem3A_173] : memref<2x!tpu.dma_semaphore, #tpu.memory_space<semaphore_mem>> -> memref<1x!tpu.dma_semaphore, #tpu.memory_space<semaphore_mem>>
      %dma_wait3A_200 = tpu.memref_squeeze %dma_wait3A_199 : memref<1x!tpu.dma_semaphore, #tpu.memory_space<semaphore_mem>> -> memref<!tpu.dma_semaphore, #tpu.memory_space<semaphore_mem>>
      tpu.wait_indirect_dma semaphore(%dma_wait3A_200 : memref<!tpu.dma_semaphore, #tpu.memory_space<semaphore_mem>>) src(%dma_wait3A_198 : memref<10000x64xbf16, #tpu.memory_space<hbm>>) dst(%dma_wait3A_192 : memref<128x64xbf16, #tpu.memory_space<vmem>>)
      %ge3A_201 = arith.constant 1 : i32
      %ge3A_202 = arith.cmpi sge, %scan3A_170, %ge3A_201 : i32
      %convert_element_type3A_203 = arith.extui %ge3A_202 : i1 to i32
      %cond3A_204 = arith.constant 0 : i32
      %cond3A_205 = arith.cmpi ne, %convert_element_type3A_203, %cond3A_204 : i32
      scf.if %cond3A_205 {
        %sub3A_230 = arith.constant 1 : i32
        %sub3A_231 = arith.subi %scan3A_170, %sub3A_230 : i32
        %add3A_232 = arith.constant 81 : i32
        %add3A_233 = arith.addi %add3A_232, %sub3A_231 : i32
        %dma_wait3A_234 = arith.constant 0 : i32
        %dma_wait3A_235 = arith.constant 0 : i32
        %dma_wait3A_236 = tpu.memref_slice %arg12[%sub3A_174, %dma_wait3A_234, %dma_wait3A_235] : memref<2x128x64xbf16, #tpu.memory_space<vmem>> -> memref<1x128x64xbf16, #tpu.memory_space<vmem>>
        %dma_wait3A_237 = tpu.memref_squeeze %dma_wait3A_236 : memref<1x128x64xbf16, #tpu.memory_space<vmem>> -> memref<128x64xbf16, #tpu.memory_space<vmem>>
        %dma_wait3A_238 = arith.constant 0 : i32
        %dma_wait3A_239 = tpu.memref_slice %arg9[%add3A_233, %dma_wait3A_238] : memref<162x128xi32, #tpu.memory_space<vmem>> -> memref<1x128xi32, #tpu.memory_space<vmem>>
        %dma_wait3A_240 = tpu.memref_squeeze %dma_wait3A_239 : memref<1x128xi32, #tpu.memory_space<vmem>> -> memref<128xi32, #tpu.memory_space<vmem>>
        %dma_wait3A_241 = arith.constant 0 : i32
        %dma_wait3A_242 = arith.constant 0 : i32
        %dma_wait3A_243 = tpu.memref_slice %arg14[%dma_wait3A_241, %dma_wait3A_242] : memref<10240x64xbf16, #tpu.memory_space<vmem_shared>> -> memref<10240x64xbf16, #tpu.memory_space<vmem_shared>>
        %dma_wait3A_244 = tpu.memref_slice %arg17[%sub3A_174] : memref<2x!tpu.dma_semaphore, #tpu.memory_space<semaphore_mem>> -> memref<1x!tpu.dma_semaphore, #tpu.memory_space<semaphore_mem>>
        %dma_wait3A_245 = tpu.memref_squeeze %dma_wait3A_244 : memref<1x!tpu.dma_semaphore, #tpu.memory_space<semaphore_mem>> -> memref<!tpu.dma_semaphore, #tpu.memory_space<semaphore_mem>>
        tpu.wait_indirect_dma semaphore(%dma_wait3A_245 : memref<!tpu.dma_semaphore, #tpu.memory_space<semaphore_mem>>) src(%dma_wait3A_237 : memref<128x64xbf16, #tpu.memory_space<vmem>>) dst(%dma_wait3A_243 : memref<10240x64xbf16, #tpu.memory_space<vmem_shared>>)
      } else {
      }
      %add3A_206 = arith.constant 1 : i32
      %add3A_207 = arith.addi %scan3A_170, %add3A_206 : i32
      %lt3A = arith.constant 81 : i32
      %lt3A_208 = arith.cmpi slt, %add3A_207, %lt3A : i32
      %convert_element_type3A_209 = arith.extui %lt3A_208 : i1 to i32
      %cond3A_210 = arith.constant 0 : i32
      %cond3A_211 = arith.cmpi ne, %convert_element_type3A_209, %cond3A_210 : i32
      scf.if %cond3A_211 {
        %add3A_230 = arith.constant 1 : i32
        %add3A_231 = arith.addi %scan3A_170, %add3A_230 : i32
        %dma_start3A_232 = arith.constant 0 : i32
        %dma_start3A_233 = arith.constant 0 : i32
        %dma_start3A_234 = tpu.memref_slice %arg12[%sub3A_174, %dma_start3A_232, %dma_start3A_233] : memref<2x128x64xbf16, #tpu.memory_space<vmem>> -> memref<1x128x64xbf16, #tpu.memory_space<vmem>>
        %dma_start3A_235 = tpu.memref_squeeze %dma_start3A_234 : memref<1x128x64xbf16, #tpu.memory_space<vmem>> -> memref<128x64xbf16, #tpu.memory_space<vmem>>
        %dma_start3A_236 = arith.constant 0 : i32
        %dma_start3A_237 = tpu.memref_slice %arg9[%add3A_231, %dma_start3A_236] : memref<162x128xi32, #tpu.memory_space<vmem>> -> memref<1x128xi32, #tpu.memory_space<vmem>>
        %dma_start3A_238 = tpu.memref_squeeze %dma_start3A_237 : memref<1x128xi32, #tpu.memory_space<vmem>> -> memref<128xi32, #tpu.memory_space<vmem>>
        %dma_start3A_239 = arith.constant 0 : i32
        %dma_start3A_240 = arith.constant 0 : i32
        %dma_start3A_241 = tpu.memref_slice %arg5[%dma_start3A_239, %dma_start3A_240] : memref<10000x64xbf16, #tpu.memory_space<hbm>> -> memref<10000x64xbf16, #tpu.memory_space<hbm>>
        %dma_start3A_242 = tpu.memref_slice %arg16[%sub3A_174] : memref<2x!tpu.dma_semaphore, #tpu.memory_space<semaphore_mem>> -> memref<1x!tpu.dma_semaphore, #tpu.memory_space<semaphore_mem>>
        %dma_start3A_243 = tpu.memref_squeeze %dma_start3A_242 : memref<1x!tpu.dma_semaphore, #tpu.memory_space<semaphore_mem>> -> memref<!tpu.dma_semaphore, #tpu.memory_space<semaphore_mem>>
        tpu.enqueue_indirect_dma source(%dma_start3A_241 : memref<10000x64xbf16, #tpu.memory_space<hbm>>) target(%dma_start3A_235 : memref<128x64xbf16, #tpu.memory_space<vmem>>) offsets(%dma_start3A_238 : memref<128xi32, #tpu.memory_space<vmem>>) semaphore(%dma_start3A_243 : memref<!tpu.dma_semaphore, #tpu.memory_space<semaphore_mem>>)
      } else {
      }
      %parallel_loop3A_212 = arith.constant 0 : i32
      %parallel_loop3A_213 = arith.constant 128 : i32
      %parallel_loop3A_214 = arith.constant 1 : i32
      scf.for %parallel_loop3A_230 = %parallel_loop3A_212 to %parallel_loop3A_213 step %parallel_loop3A_214  : i32 {
        %parallel_loop3A_231 = arith.constant -16 : i32
        %parallel_loop3A_232 = arith.andi %parallel_loop3A_230, %parallel_loop3A_231 : i32
        %parallel_loop3A_233 = arith.constant 15 : i32
        %parallel_loop3A_234 = arith.andi %parallel_loop3A_230, %parallel_loop3A_233 : i32
        %parallel_loop3A_235 = arith.index_cast %scan3A_170 : i32 to index
        %parallel_loop3A_236 = arith.index_cast %parallel_loop3A_232 : i32 to index
        %parallel_loop3A_237 = tpu.vector_load %arg11[%parallel_loop3A_235, %parallel_loop3A_236] {strides = array<i32>} : memref<81x128xf32, #tpu.memory_space<vmem>>, vector<16xf32>,
        %parallel_loop3A_238 = vector.broadcast %parallel_loop3A_234 : i32 to vector<16xi32>
        %parallel_loop3A_239 = arith.constant 0 : i32
        %parallel_loop3A_240 = vector.broadcast %parallel_loop3A_239 : i32 to vector<16xi32>
        %parallel_loop3A_241 = arith.cmpi slt, %parallel_loop3A_238, %parallel_loop3A_240 : vector<16xi32>
        %parallel_loop3A_242 = arith.constant 16 : i32
        %parallel_loop3A_243 = vector.broadcast %parallel_loop3A_242 : i32 to vector<16xi32>
        %parallel_loop3A_244 = arith.addi %parallel_loop3A_238, %parallel_loop3A_243 : vector<16xi32>
        %parallel_loop3A_245 = arith.select %parallel_loop3A_241, %parallel_loop3A_244, %parallel_loop3A_238 : vector<16xi1>, vector<16xi32>
        %parallel_loop3A_246 = vector.shape_cast %parallel_loop3A_245 : vector<16xi32> to vector<16x1xi32>
        %parallel_loop3A_247 = vector.shape_cast %parallel_loop3A_246 : vector<16x1xi32> to vector<16xi32>
        %parallel_loop3A_248 = tpu.dynamic_gather %parallel_loop3A_237[%parallel_loop3A_247] in [0] : vector<16xf32>, vector<16xi32> -> vector<16xf32>
        %parallel_loop3A_249 = tpu.pack_subelements %parallel_loop3A_248, %parallel_loop3A_248 {pack_format = #tpu.pack_format<interleaved>, positions = array<i32: 0, 1>} : vector<16xf32>, vector<16xf32> -> vector<32xbf16>
        %parallel_loop3A_250 = arith.constant 0 : i32
        %parallel_loop3A_251 = arith.constant 0 : i32
        %parallel_loop3A_252 = tpu.memref_slice %arg12[%rem3A_173, %parallel_loop3A_250, %parallel_loop3A_251] : memref<2x128x64xbf16, #tpu.memory_space<vmem>> -> memref<1x128x64xbf16, #tpu.memory_space<vmem>>
        %parallel_loop3A_253 = tpu.memref_squeeze %parallel_loop3A_252 : memref<1x128x64xbf16, #tpu.memory_space<vmem>> -> memref<128x64xbf16, #tpu.memory_space<vmem>>
        %parallel_loop3A_254 = arith.index_cast %parallel_loop3A_230 : i32 to index
        %parallel_loop3A_255 = arith.constant 0 : index
        %parallel_loop3A_256 = tpu.vector_load %parallel_loop3A_253[%parallel_loop3A_254, %parallel_loop3A_255] {strides = array<i32>} : memref<128x64xbf16, #tpu.memory_space<vmem>>, vector<32xbf16>,
        %parallel_loop3A_257 = arith.mulf %parallel_loop3A_256, %parallel_loop3A_249 : vector<32xbf16>
        %parallel_loop3A_258 = arith.constant 0 : i32
        %parallel_loop3A_259 = arith.constant 0 : i32
        %parallel_loop3A_260 = tpu.memref_slice %arg12[%rem3A_173, %parallel_loop3A_258, %parallel_loop3A_259] : memref<2x128x64xbf16, #tpu.memory_space<vmem>> -> memref<1x128x64xbf16, #tpu.memory_space<vmem>>
        %parallel_loop3A_261 = tpu.memref_squeeze %parallel_loop3A_260 : memref<1x128x64xbf16, #tpu.memory_space<vmem>> -> memref<128x64xbf16, #tpu.memory_space<vmem>>
        %parallel_loop3A_262 = arith.index_cast %parallel_loop3A_230 : i32 to index
        %parallel_loop3A_263 = arith.constant 0 : index
        %parallel_loop3A_264 = tpu.vector_load %parallel_loop3A_261[%parallel_loop3A_262, %parallel_loop3A_263] {strides = array<i32>} : memref<128x64xbf16, #tpu.memory_space<vmem>>, vector<32xbf16>,
        tpu.vector_store %parallel_loop3A_261[%parallel_loop3A_262, %parallel_loop3A_263], %parallel_loop3A_257 {strides = array<i32>} : memref<128x64xbf16, #tpu.memory_space<vmem>>, vector<32xbf16>,
        %parallel_loop3A_265 = arith.constant 0 : i32
        %parallel_loop3A_266 = arith.constant 0 : i32
        %parallel_loop3A_267 = tpu.memref_slice %arg12[%rem3A_173, %parallel_loop3A_265, %parallel_loop3A_266] : memref<2x128x64xbf16, #tpu.memory_space<vmem>> -> memref<1x128x64xbf16, #tpu.memory_space<vmem>>
        %parallel_loop3A_268 = tpu.memref_squeeze %parallel_loop3A_267 : memref<1x128x64xbf16, #tpu.memory_space<vmem>> -> memref<128x64xbf16, #tpu.memory_space<vmem>>
        %parallel_loop3A_269 = arith.index_cast %parallel_loop3A_230 : i32 to index
        %parallel_loop3A_270 = arith.constant 32 : index
        %parallel_loop3A_271 = tpu.vector_load %parallel_loop3A_268[%parallel_loop3A_269, %parallel_loop3A_270] {strides = array<i32>} : memref<128x64xbf16, #tpu.memory_space<vmem>>, vector<32xbf16>,
        %parallel_loop3A_272 = arith.mulf %parallel_loop3A_271, %parallel_loop3A_249 : vector<32xbf16>
        %parallel_loop3A_273 = arith.constant 0 : i32
        %parallel_loop3A_274 = arith.constant 0 : i32
        %parallel_loop3A_275 = tpu.memref_slice %arg12[%rem3A_173, %parallel_loop3A_273, %parallel_loop3A_274] : memref<2x128x64xbf16, #tpu.memory_space<vmem>> -> memref<1x128x64xbf16, #tpu.memory_space<vmem>>
        %parallel_loop3A_276 = tpu.memref_squeeze %parallel_loop3A_275 : memref<1x128x64xbf16, #tpu.memory_space<vmem>> -> memref<128x64xbf16, #tpu.memory_space<vmem>>
        %parallel_loop3A_277 = arith.index_cast %parallel_loop3A_230 : i32 to index
        %parallel_loop3A_278 = arith.constant 32 : index
        %parallel_loop3A_279 = tpu.vector_load %parallel_loop3A_276[%parallel_loop3A_277, %parallel_loop3A_278] {strides = array<i32>} : memref<128x64xbf16, #tpu.memory_space<vmem>>, vector<32xbf16>,
        tpu.vector_store %parallel_loop3A_276[%parallel_loop3A_277, %parallel_loop3A_278], %parallel_loop3A_272 {strides = array<i32>} : memref<128x64xbf16, #tpu.memory_space<vmem>>, vector<32xbf16>,
      } {sc.loop_unroll_factor = 8 : i64, sc.parallel_access}
      %add3A_215 = arith.constant 81 : i32
      %add3A_216 = arith.addi %add3A_215, %scan3A_170 : i32
      %dma_start3A_217 = arith.constant 0 : i32
      %dma_start3A_218 = arith.constant 0 : i32
      %dma_start3A_219 = tpu.memref_slice %arg12[%rem3A_173, %dma_start3A_217, %dma_start3A_218] : memref<2x128x64xbf16, #tpu.memory_space<vmem>> -> memref<1x128x64xbf16, #tpu.memory_space<vmem>>
      %dma_start3A_220 = tpu.memref_squeeze %dma_start3A_219 : memref<1x128x64xbf16, #tpu.memory_space<vmem>> -> memref<128x64xbf16, #tpu.memory_space<vmem>>
      %dma_start3A_221 = arith.constant 0 : i32
      %dma_start3A_222 = tpu.memref_slice %arg9[%add3A_216, %dma_start3A_221] : memref<162x128xi32, #tpu.memory_space<vmem>> -> memref<1x128xi32, #tpu.memory_space<vmem>>
      %dma_start3A_223 = tpu.memref_squeeze %dma_start3A_222 : memref<1x128xi32, #tpu.memory_space<vmem>> -> memref<128xi32, #tpu.memory_space<vmem>>
      %dma_start3A_224 = arith.constant 0 : i32
      %dma_start3A_225 = arith.constant 0 : i32
      %dma_start3A_226 = tpu.memref_slice %arg14[%dma_start3A_224, %dma_start3A_225] : memref<10240x64xbf16, #tpu.memory_space<vmem_shared>> -> memref<10240x64xbf16, #tpu.memory_space<vmem_shared>>
      %dma_start3A_227 = tpu.memref_slice %arg17[%rem3A_173] : memref<2x!tpu.dma_semaphore, #tpu.memory_space<semaphore_mem>> -> memref<1x!tpu.dma_semaphore, #tpu.memory_space<semaphore_mem>>
      %dma_start3A_228 = tpu.memref_squeeze %dma_start3A_227 : memref<1x!tpu.dma_semaphore, #tpu.memory_space<semaphore_mem>> -> memref<!tpu.dma_semaphore, #tpu.memory_space<semaphore_mem>>
      tpu.enqueue_indirect_dma source(%dma_start3A_220 : memref<128x64xbf16, #tpu.memory_space<vmem>>) target(%dma_start3A_226 : memref<10240x64xbf16, #tpu.memory_space<vmem_shared>>) offsets(%dma_start3A_223 : memref<128xi32, #tpu.memory_space<vmem>>) semaphore(%dma_start3A_228 : memref<!tpu.dma_semaphore, #tpu.memory_space<semaphore_mem>>) {add = true}
      %scan3A_229 = arith.constant 0 : i32
      scf.yield %scan3A_229 : i32
    }
    %scan3A_103 = arith.constant 81 : i32
    %rem3A = arith.constant 80 : i32
    %rem3A_104 = arith.constant 2 : i32
    %rem3A_105 = arith.remsi %rem3A, %rem3A_104 : i32
    %dma_wait3A = arith.constant 161 : i32
    %dma_wait3A_106 = arith.constant 0 : i32
    %dma_wait3A_107 = arith.constant 0 : i32
    %dma_wait3A_108 = tpu.memref_slice %arg12[%rem3A_105, %dma_wait3A_106, %dma_wait3A_107] : memref<2x128x64xbf16, #tpu.memory_space<vmem>> -> memref<1x128x64xbf16, #tpu.memory_space<vmem>>
    %dma_wait3A_109 = tpu.memref_squeeze %dma_wait3A_108 : memref<1x128x64xbf16, #tpu.memory_space<vmem>> -> memref<128x64xbf16, #tpu.memory_space<vmem>>
    %dma_wait3A_110 = arith.constant 0 : i32
    %dma_wait3A_111 = tpu.memref_slice %arg9[%dma_wait3A, %dma_wait3A_110] : memref<162x128xi32, #tpu.memory_space<vmem>> -> memref<1x128xi32, #tpu.memory_space<vmem>>
    %dma_wait3A_112 = tpu.memref_squeeze %dma_wait3A_111 : memref<1x128xi32, #tpu.memory_space<vmem>> -> memref<128xi32, #tpu.memory_space<vmem>>
    %dma_wait3A_113 = arith.constant 0 : i32
    %dma_wait3A_114 = arith.constant 0 : i32
    %dma_wait3A_115 = tpu.memref_slice %arg14[%dma_wait3A_113, %dma_wait3A_114] : memref<10240x64xbf16, #tpu.memory_space<vmem_shared>> -> memref<10240x64xbf16, #tpu.memory_space<vmem_shared>>
    %dma_wait3A_116 = tpu.memref_slice %arg17[%rem3A_105] : memref<2x!tpu.dma_semaphore, #tpu.memory_space<semaphore_mem>> -> memref<1x!tpu.dma_semaphore, #tpu.memory_space<semaphore_mem>>
    %dma_wait3A_117 = tpu.memref_squeeze %dma_wait3A_116 : memref<1x!tpu.dma_semaphore, #tpu.memory_space<semaphore_mem>> -> memref<!tpu.dma_semaphore, #tpu.memory_space<semaphore_mem>>
    tpu.wait_indirect_dma semaphore(%dma_wait3A_117 : memref<!tpu.dma_semaphore, #tpu.memory_space<semaphore_mem>>) src(%dma_wait3A_109 : memref<128x64xbf16, #tpu.memory_space<vmem>>) dst(%dma_wait3A_115 : memref<10240x64xbf16, #tpu.memory_space<vmem_shared>>)
    %scan3A_118 = arith.constant 0 : i32
    %scan3A_119 = arith.constant 77 : i32
    %scan3A_120 = arith.constant 4 : i32
    %scan3A_121 = arith.addi %scan3A_119, %scan3A_120 : i32
    %scan3A_122 = arith.constant 1 : i32
    %scan3A_123 = scf.for %scan3A_170 = %scan3A_119 to %scan3A_121 step %scan3A_122 iter_args(%scan3A_171 = %scan3A_118) -> (i32)  : i32 {
      %add3A_172 = arith.constant 81 : i32
      %add3A_173 = arith.addi %add3A_172, %scan3A_170 : i32
      %dma_wait3A_174 = arith.constant 0 : i32
      %dma_wait3A_175 = tpu.memref_slice %arg11[%scan3A_170, %dma_wait3A_174] : memref<81x128xf32, #tpu.memory_space<vmem>> -> memref<1x128xf32, #tpu.memory_space<vmem>>
      %dma_wait3A_176 = tpu.memref_squeeze %dma_wait3A_175 : memref<1x128xf32, #tpu.memory_space<vmem>> -> memref<128xf32, #tpu.memory_space<vmem>>
      %dma_wait3A_177 = arith.constant 0 : i32
      %dma_wait3A_178 = tpu.memref_slice %arg9[%add3A_173, %dma_wait3A_177] : memref<162x128xi32, #tpu.memory_space<vmem>> -> memref<1x128xi32, #tpu.memory_space<vmem>>
      %dma_wait3A_179 = tpu.memref_squeeze %dma_wait3A_178 : memref<1x128xi32, #tpu.memory_space<vmem>> -> memref<128xi32, #tpu.memory_space<vmem>>
      %dma_wait3A_180 = arith.constant 0 : i32
      %dma_wait3A_181 = tpu.memref_slice %arg15[%dma_wait3A_180] : memref<10240xf32, #tpu.memory_space<vmem_shared>> -> memref<10240xf32, #tpu.memory_space<vmem_shared>>
      tpu.wait_indirect_dma semaphore(%arg18 : memref<!tpu.dma_semaphore, #tpu.memory_space<semaphore_mem>>) src(%dma_wait3A_176 : memref<128xf32, #tpu.memory_space<vmem>>) dst(%dma_wait3A_181 : memref<10240xf32, #tpu.memory_space<vmem_shared>>)
      %scan3A_182 = arith.constant 0 : i32
      scf.yield %scan3A_182 : i32
    }
    %scan3A_124 = arith.constant 4 : i32
    "tpu.region"() ({
      %run_scoped3A_170 = tpu.sem_alloc : memref<!tpu.dma_semaphore, #tpu.memory_space<semaphore_mem>>
      %dma_start3A_171 = arith.constant 0 : i32
      %dma_start3A_172 = tpu.memref_slice %arg6[%mul3A_2, %dma_start3A_171] : memref<2592x128xf32, #tpu.memory_space<hbm>> -> memref<81x128xf32, #tpu.memory_space<hbm>>
      %dma_start3A_173 = arith.constant 0 : i32
      %dma_start3A_174 = tpu.memref_slice %arg6[%mul3A_2, %dma_start3A_173] : memref<2592x128xf32, #tpu.memory_space<hbm>> -> memref<81x128xf32, #tpu.memory_space<hbm>>
      tpu.enqueue_dma source(%arg11 : memref<81x128xf32, #tpu.memory_space<vmem>>) target(%dma_start3A_174 : memref<81x128xf32, #tpu.memory_space<hbm>>) target_semaphore(%run_scoped3A_170 : memref<!tpu.dma_semaphore, #tpu.memory_space<semaphore_mem>>)
      %dma_wait3A_175 = arith.constant 0 : i32
      %dma_wait3A_176 = tpu.memref_slice %arg6[%mul3A_2, %dma_wait3A_175] : memref<2592x128xf32, #tpu.memory_space<hbm>> -> memref<81x128xf32, #tpu.memory_space<hbm>>
      %dma_wait3A_177 = arith.constant 0 : i32
      %dma_wait3A_178 = tpu.memref_slice %arg6[%mul3A_2, %dma_wait3A_177] : memref<2592x128xf32, #tpu.memory_space<hbm>> -> memref<81x128xf32, #tpu.memory_space<hbm>>
      tpu.wait_dma2 semaphore(%run_scoped3A_170 : memref<!tpu.dma_semaphore, #tpu.memory_space<semaphore_mem>>) src(%arg11 : memref<81x128xf32, #tpu.memory_space<vmem>>) dst(%dma_wait3A_178 : memref<81x128xf32, #tpu.memory_space<hbm>>)
      tpu.yield
    }) : () -> ()
    %barrier3A_125 = arith.constant 0 : index
    tpu.barrier barrier_id(%barrier3A_125)
    %mul3A_126 = arith.constant 640 : i32
    %mul3A_127 = arith.muli %arg1, %mul3A_126 : i32
    %add3A_128 = arith.constant 0 : i32
    %add3A_129 = arith.addi %mul3A_127, %add3A_128 : i32
    %mul3A_130 = arith.constant 640 : i32
    %mul3A_131 = arith.muli %arg1, %mul3A_130 : i32
    %add3A_132 = arith.constant 0 : i32
    %add3A_133 = arith.addi %mul3A_131, %add3A_132 : i32
    "tpu.region"() ({
      %run_scoped3A_170 = tpu.sem_alloc : memref<!tpu.dma_semaphore, #tpu.memory_space<semaphore_mem>>
      %dma_start3A_171 = arith.constant 0 : i32
      %dma_start3A_172 = tpu.memref_slice %arg7[%arg0, %add3A_133, %dma_start3A_171] : memref<2x10240x64xbf16, #tpu.memory_space<hbm>> -> memref<1x128x64xbf16, #tpu.memory_space<hbm>>
      %dma_start3A_173 = tpu.memref_squeeze %dma_start3A_172 : memref<1x128x64xbf16, #tpu.memory_space<hbm>> -> memref<128x64xbf16, #tpu.memory_space<hbm>>
      %dma_start3A_174 = arith.constant 0 : i32
      %dma_start3A_175 = tpu.memref_slice %arg14[%add3A_129, %dma_start3A_174] : memref<10240x64xbf16, #tpu.memory_space<vmem_shared>> -> memref<128x64xbf16, #tpu.memory_space<vmem_shared>>
      tpu.enqueue_dma source(%dma_start3A_175 : memref<128x64xbf16, #tpu.memory_space<vmem_shared>>) target(%dma_start3A_173 : memref<128x64xbf16, #tpu.memory_space<hbm>>) target_semaphore(%run_scoped3A_170 : memref<!tpu.dma_semaphore, #tpu.memory_space<semaphore_mem>>)
      %dma_wait3A_176 = arith.constant 0 : i32
      %dma_wait3A_177 = tpu.memref_slice %arg7[%arg0, %add3A_133, %dma_wait3A_176] : memref<2x10240x64xbf16, #tpu.memory_space<hbm>> -> memref<1x128x64xbf16, #tpu.memory_space<hbm>>
      %dma_wait3A_178 = tpu.memref_squeeze %dma_wait3A_177 : memref<1x128x64xbf16, #tpu.memory_space<hbm>> -> memref<128x64xbf16, #tpu.memory_space<hbm>>
      %dma_wait3A_179 = arith.constant 0 : i32
      %dma_wait3A_180 = tpu.memref_slice %arg14[%add3A_129, %dma_wait3A_179] : memref<10240x64xbf16, #tpu.memory_space<vmem_shared>> -> memref<128x64xbf16, #tpu.memory_space<vmem_shared>>
      tpu.wait_dma2 semaphore(%run_scoped3A_170 : memref<!tpu.dma_semaphore, #tpu.memory_space<semaphore_mem>>) src(%dma_wait3A_180 : memref<128x64xbf16, #tpu.memory_space<vmem_shared>>) dst(%dma_wait3A_178 : memref<128x64xbf16, #tpu.memory_space<hbm>>)
      tpu.yield
    }) : () -> ()
    %mul3A_134 = arith.constant 640 : i32
    %mul3A_135 = arith.muli %arg1, %mul3A_134 : i32
    %add3A_136 = arith.constant 128 : i32
    %add3A_137 = arith.addi %mul3A_135, %add3A_136 : i32
    %mul3A_138 = arith.constant 640 : i32
    %mul3A_139 = arith.muli %arg1, %mul3A_138 : i32
    %add3A_140 = arith.constant 128 : i32
    %add3A_141 = arith.addi %mul3A_139, %add3A_140 : i32
    "tpu.region"() ({
      %run_scoped3A_170 = tpu.sem_alloc : memref<!tpu.dma_semaphore, #tpu.memory_space<semaphore_mem>>
      %dma_start3A_171 = arith.constant 0 : i32
      %dma_start3A_172 = tpu.memref_slice %arg7[%arg0, %add3A_141, %dma_start3A_171] : memref<2x10240x64xbf16, #tpu.memory_space<hbm>> -> memref<1x128x64xbf16, #tpu.memory_space<hbm>>
      %dma_start3A_173 = tpu.memref_squeeze %dma_start3A_172 : memref<1x128x64xbf16, #tpu.memory_space<hbm>> -> memref<128x64xbf16, #tpu.memory_space<hbm>>
      %dma_start3A_174 = arith.constant 0 : i32
      %dma_start3A_175 = tpu.memref_slice %arg14[%add3A_137, %dma_start3A_174] : memref<10240x64xbf16, #tpu.memory_space<vmem_shared>> -> memref<128x64xbf16, #tpu.memory_space<vmem_shared>>
      tpu.enqueue_dma source(%dma_start3A_175 : memref<128x64xbf16, #tpu.memory_space<vmem_shared>>) target(%dma_start3A_173 : memref<128x64xbf16, #tpu.memory_space<hbm>>) target_semaphore(%run_scoped3A_170 : memref<!tpu.dma_semaphore, #tpu.memory_space<semaphore_mem>>)
      %dma_wait3A_176 = arith.constant 0 : i32
      %dma_wait3A_177 = tpu.memref_slice %arg7[%arg0, %add3A_141, %dma_wait3A_176] : memref<2x10240x64xbf16, #tpu.memory_space<hbm>> -> memref<1x128x64xbf16, #tpu.memory_space<hbm>>
      %dma_wait3A_178 = tpu.memref_squeeze %dma_wait3A_177 : memref<1x128x64xbf16, #tpu.memory_space<hbm>> -> memref<128x64xbf16, #tpu.memory_space<hbm>>
      %dma_wait3A_179 = arith.constant 0 : i32
      %dma_wait3A_180 = tpu.memref_slice %arg14[%add3A_137, %dma_wait3A_179] : memref<10240x64xbf16, #tpu.memory_space<vmem_shared>> -> memref<128x64xbf16, #tpu.memory_space<vmem_shared>>
      tpu.wait_dma2 semaphore(%run_scoped3A_170 : memref<!tpu.dma_semaphore, #tpu.memory_space<semaphore_mem>>) src(%dma_wait3A_180 : memref<128x64xbf16, #tpu.memory_space<vmem_shared>>) dst(%dma_wait3A_178 : memref<128x64xbf16, #tpu.memory_space<hbm>>)
      tpu.yield
    }) : () -> ()
    %mul3A_142 = arith.constant 640 : i32
    %mul3A_143 = arith.muli %arg1, %mul3A_142 : i32
    %add3A_144 = arith.constant 256 : i32
    %add3A_145 = arith.addi %mul3A_143, %add3A_144 : i32
    %mul3A_146 = arith.constant 640 : i32
    %mul3A_147 = arith.muli %arg1, %mul3A_146 : i32
    %add3A_148 = arith.constant 256 : i32
    %add3A_149 = arith.addi %mul3A_147, %add3A_148 : i32
    "tpu.region"() ({
      %run_scoped3A_170 = tpu.sem_alloc : memref<!tpu.dma_semaphore, #tpu.memory_space<semaphore_mem>>
      %dma_start3A_171 = arith.constant 0 : i32
      %dma_start3A_172 = tpu.memref_slice %arg7[%arg0, %add3A_149, %dma_start3A_171] : memref<2x10240x64xbf16, #tpu.memory_space<hbm>> -> memref<1x128x64xbf16, #tpu.memory_space<hbm>>
      %dma_start3A_173 = tpu.memref_squeeze %dma_start3A_172 : memref<1x128x64xbf16, #tpu.memory_space<hbm>> -> memref<128x64xbf16, #tpu.memory_space<hbm>>
      %dma_start3A_174 = arith.constant 0 : i32
      %dma_start3A_175 = tpu.memref_slice %arg14[%add3A_145, %dma_start3A_174] : memref<10240x64xbf16, #tpu.memory_space<vmem_shared>> -> memref<128x64xbf16, #tpu.memory_space<vmem_shared>>
      tpu.enqueue_dma source(%dma_start3A_175 : memref<128x64xbf16, #tpu.memory_space<vmem_shared>>) target(%dma_start3A_173 : memref<128x64xbf16, #tpu.memory_space<hbm>>) target_semaphore(%run_scoped3A_170 : memref<!tpu.dma_semaphore, #tpu.memory_space<semaphore_mem>>)
      %dma_wait3A_176 = arith.constant 0 : i32
      %dma_wait3A_177 = tpu.memref_slice %arg7[%arg0, %add3A_149, %dma_wait3A_176] : memref<2x10240x64xbf16, #tpu.memory_space<hbm>> -> memref<1x128x64xbf16, #tpu.memory_space<hbm>>
      %dma_wait3A_178 = tpu.memref_squeeze %dma_wait3A_177 : memref<1x128x64xbf16, #tpu.memory_space<hbm>> -> memref<128x64xbf16, #tpu.memory_space<hbm>>
      %dma_wait3A_179 = arith.constant 0 : i32
      %dma_wait3A_180 = tpu.memref_slice %arg14[%add3A_145, %dma_wait3A_179] : memref<10240x64xbf16, #tpu.memory_space<vmem_shared>> -> memref<128x64xbf16, #tpu.memory_space<vmem_shared>>
      tpu.wait_dma2 semaphore(%run_scoped3A_170 : memref<!tpu.dma_semaphore, #tpu.memory_space<semaphore_mem>>) src(%dma_wait3A_180 : memref<128x64xbf16, #tpu.memory_space<vmem_shared>>) dst(%dma_wait3A_178 : memref<128x64xbf16, #tpu.memory_space<hbm>>)
      tpu.yield
    }) : () -> ()
    %mul3A_150 = arith.constant 640 : i32
    %mul3A_151 = arith.muli %arg1, %mul3A_150 : i32
    %add3A_152 = arith.constant 384 : i32
    %add3A_153 = arith.addi %mul3A_151, %add3A_152 : i32
    %mul3A_154 = arith.constant 640 : i32
    %mul3A_155 = arith.muli %arg1, %mul3A_154 : i32
    %add3A_156 = arith.constant 384 : i32
    %add3A_157 = arith.addi %mul3A_155, %add3A_156 : i32
    "tpu.region"() ({
      %run_scoped3A_170 = tpu.sem_alloc : memref<!tpu.dma_semaphore, #tpu.memory_space<semaphore_mem>>
      %dma_start3A_171 = arith.constant 0 : i32
      %dma_start3A_172 = tpu.memref_slice %arg7[%arg0, %add3A_157, %dma_start3A_171] : memref<2x10240x64xbf16, #tpu.memory_space<hbm>> -> memref<1x128x64xbf16, #tpu.memory_space<hbm>>
      %dma_start3A_173 = tpu.memref_squeeze %dma_start3A_172 : memref<1x128x64xbf16, #tpu.memory_space<hbm>> -> memref<128x64xbf16, #tpu.memory_space<hbm>>
      %dma_start3A_174 = arith.constant 0 : i32
      %dma_start3A_175 = tpu.memref_slice %arg14[%add3A_153, %dma_start3A_174] : memref<10240x64xbf16, #tpu.memory_space<vmem_shared>> -> memref<128x64xbf16, #tpu.memory_space<vmem_shared>>
      tpu.enqueue_dma source(%dma_start3A_175 : memref<128x64xbf16, #tpu.memory_space<vmem_shared>>) target(%dma_start3A_173 : memref<128x64xbf16, #tpu.memory_space<hbm>>) target_semaphore(%run_scoped3A_170 : memref<!tpu.dma_semaphore, #tpu.memory_space<semaphore_mem>>)
      %dma_wait3A_176 = arith.constant 0 : i32
      %dma_wait3A_177 = tpu.memref_slice %arg7[%arg0, %add3A_157, %dma_wait3A_176] : memref<2x10240x64xbf16, #tpu.memory_space<hbm>> -> memref<1x128x64xbf16, #tpu.memory_space<hbm>>
      %dma_wait3A_178 = tpu.memref_squeeze %dma_wait3A_177 : memref<1x128x64xbf16, #tpu.memory_space<hbm>> -> memref<128x64xbf16, #tpu.memory_space<hbm>>
      %dma_wait3A_179 = arith.constant 0 : i32
      %dma_wait3A_180 = tpu.memref_slice %arg14[%add3A_153, %dma_wait3A_179] : memref<10240x64xbf16, #tpu.memory_space<vmem_shared>> -> memref<128x64xbf16, #tpu.memory_space<vmem_shared>>
      tpu.wait_dma2 semaphore(%run_scoped3A_170 : memref<!tpu.dma_semaphore, #tpu.memory_space<semaphore_mem>>) src(%dma_wait3A_180 : memref<128x64xbf16, #tpu.memory_space<vmem_shared>>) dst(%dma_wait3A_178 : memref<128x64xbf16, #tpu.memory_space<hbm>>)
      tpu.yield
    }) : () -> ()
    %mul3A_158 = arith.constant 640 : i32
    %mul3A_159 = arith.muli %arg1, %mul3A_158 : i32
    %add3A_160 = arith.constant 512 : i32
    %add3A_161 = arith.addi %mul3A_159, %add3A_160 : i32
    %mul3A_162 = arith.constant 640 : i32
    %mul3A_163 = arith.muli %arg1, %mul3A_162 : i32
    %add3A_164 = arith.constant 512 : i32
    %add3A_165 = arith.addi %mul3A_163, %add3A_164 : i32
    "tpu.region"() ({
      %run_scoped3A_170 = tpu.sem_alloc : memref<!tpu.dma_semaphore, #tpu.memory_space<semaphore_mem>>
      %dma_start3A_171 = arith.constant 0 : i32
      %dma_start3A_172 = tpu.memref_slice %arg7[%arg0, %add3A_165, %dma_start3A_171] : memref<2x10240x64xbf16, #tpu.memory_space<hbm>> -> memref<1x128x64xbf16, #tpu.memory_space<hbm>>
      %dma_start3A_173 = tpu.memref_squeeze %dma_start3A_172 : memref<1x128x64xbf16, #tpu.memory_space<hbm>> -> memref<128x64xbf16, #tpu.memory_space<hbm>>
      %dma_start3A_174 = arith.constant 0 : i32
      %dma_start3A_175 = tpu.memref_slice %arg14[%add3A_161, %dma_start3A_174] : memref<10240x64xbf16, #tpu.memory_space<vmem_shared>> -> memref<128x64xbf16, #tpu.memory_space<vmem_shared>>
      tpu.enqueue_dma source(%dma_start3A_175 : memref<128x64xbf16, #tpu.memory_space<vmem_shared>>) target(%dma_start3A_173 : memref<128x64xbf16, #tpu.memory_space<hbm>>) target_semaphore(%run_scoped3A_170 : memref<!tpu.dma_semaphore, #tpu.memory_space<semaphore_mem>>)
      %dma_wait3A_176 = arith.constant 0 : i32
      %dma_wait3A_177 = tpu.memref_slice %arg7[%arg0, %add3A_165, %dma_wait3A_176] : memref<2x10240x64xbf16, #tpu.memory_space<hbm>> -> memref<1x128x64xbf16, #tpu.memory_space<hbm>>
      %dma_wait3A_178 = tpu.memref_squeeze %dma_wait3A_177 : memref<1x128x64xbf16, #tpu.memory_space<hbm>> -> memref<128x64xbf16, #tpu.memory_space<hbm>>
      %dma_wait3A_179 = arith.constant 0 : i32
      %dma_wait3A_180 = tpu.memref_slice %arg14[%add3A_161, %dma_wait3A_179] : memref<10240x64xbf16, #tpu.memory_space<vmem_shared>> -> memref<128x64xbf16, #tpu.memory_space<vmem_shared>>
      tpu.wait_dma2 semaphore(%run_scoped3A_170 : memref<!tpu.dma_semaphore, #tpu.memory_space<semaphore_mem>>) src(%dma_wait3A_180 : memref<128x64xbf16, #tpu.memory_space<vmem_shared>>) dst(%dma_wait3A_178 : memref<128x64xbf16, #tpu.memory_space<hbm>>)
      tpu.yield
    }) : () -> ()
    %mul3A_166 = arith.constant 640 : i32
    %mul3A_167 = arith.muli %arg1, %mul3A_166 : i32
    %mul3A_168 = arith.constant 640 : i32
    %mul3A_169 = arith.muli %arg1, %mul3A_168 : i32
    "tpu.region"() ({
      %run_scoped3A_170 = tpu.sem_alloc : memref<!tpu.dma_semaphore, #tpu.memory_space<semaphore_mem>>
      %dma_start3A_171 = tpu.memref_slice %arg8[%arg0, %mul3A_169] : memref<2x10240xf32, #tpu.memory_space<hbm>> -> memref<1x640xf32, #tpu.memory_space<hbm>>
      %dma_start3A_172 = tpu.memref_squeeze %dma_start3A_171 : memref<1x640xf32, #tpu.memory_space<hbm>> -> memref<640xf32, #tpu.memory_space<hbm>>
      %dma_start3A_173 = tpu.memref_slice %arg15[%mul3A_167] : memref<10240xf32, #tpu.memory_space<vmem_shared>> -> memref<640xf32, #tpu.memory_space<vmem_shared>>
      tpu.enqueue_dma source(%dma_start3A_173 : memref<640xf32, #tpu.memory_space<vmem_shared>>) target(%dma_start3A_172 : memref<640xf32, #tpu.memory_space<hbm>>) target_semaphore(%run_scoped3A_170 : memref<!tpu.dma_semaphore, #tpu.memory_space<semaphore_mem>>)
      %dma_wait3A_174 = tpu.memref_slice %arg8[%arg0, %mul3A_169] : memref<2x10240xf32, #tpu.memory_space<hbm>> -> memref<1x640xf32, #tpu.memory_space<hbm>>
      %dma_wait3A_175 = tpu.memref_squeeze %dma_wait3A_174 : memref<1x640xf32, #tpu.memory_space<hbm>> -> memref<640xf32, #tpu.memory_space<hbm>>
      %dma_wait3A_176 = tpu.memref_slice %arg15[%mul3A_167] : memref<10240xf32, #tpu.memory_space<vmem_shared>> -> memref<640xf32, #tpu.memory_space<vmem_shared>>
      tpu.wait_dma2 semaphore(%run_scoped3A_170 : memref<!tpu.dma_semaphore, #tpu.memory_space<semaphore_mem>>) src(%dma_wait3A_176 : memref<640xf32, #tpu.memory_space<vmem_shared>>) dst(%dma_wait3A_175 : memref<640xf32, #tpu.memory_space<hbm>>)
      tpu.yield
    }) : () -> ()
    return
  }
}

module attributes {stable_mosaic.version = 14 : i64} {
  func.func @_tc_pre_body(%arg0: i32, %arg1: memref<2000x128xf32, #tpu.memory_space<vmem>>, %arg2: memref<128x64xf32, #tpu.memory_space<vmem>>, %arg3: memref<64x2xf32, #tpu.memory_space<vmem>>, %arg4: memref<2000x64xbf16, #tpu.memory_space<vmem>>, %arg5: memref<2000x2xf32, #tpu.memory_space<vmem>>) attributes {dimension_semantics = [#tpu.dimension_semantics<arbitrary>], iteration_bounds = array<i64: 5>, scalar_prefetch = 0 : i64, scratch_operands = 0 : i64, tpu.core_type = #tpu.core_type<tc>, window_params = [{transform_indices = @transform_0, window_bounds = array<i64: 2000, 128>}, {pipeline_mode = #tpu.pipeline_mode<synchronous>, transform_indices = @transform_1, window_bounds = array<i64: 128, 64>}, {pipeline_mode = #tpu.pipeline_mode<synchronous>, transform_indices = @transform_2, window_bounds = array<i64: 64, 2>}, {transform_indices = @transform_3, window_bounds = array<i64: 2000, 64>}, {transform_indices = @transform_4, window_bounds = array<i64: 2000, 2>}]} {
    %get3A = arith.constant 0 : index
    %get3A_0 = arith.constant 0 : index
    %get3A_1 = vector.load %arg1[%get3A, %get3A_0] : memref<2000x128xf32, #tpu.memory_space<vmem>>, vector<2000x128xf32>
    %get3A_2 = arith.constant 0 : index
    %get3A_3 = arith.constant 0 : index
    %get3A_4 = vector.load %arg2[%get3A_2, %get3A_3] : memref<128x64xf32, #tpu.memory_space<vmem>>, vector<128x64xf32>
    %dot_general3A = arith.constant dense<0.000000e+00> : vector<2000x64xf32>
    %dot_general3A_5 = tpu.matmul %get3A_1, %get3A_4, %dot_general3A {dimension_numbers = #tpu.dot_dimension_numbers<[1], [0], [0], [1], [0, 0, 1, 1], [], []>, transpose_lhs_hint = false} : vector<2000x128xf32>, vector<128x64xf32>, vector<2000x64xf32> -> vector<2000x64xf32>
    %convert_element_type3A = arith.truncf %dot_general3A_5 : vector<2000x64xf32> to vector<2000x64xbf16>
    %swap3A = arith.constant 0 : index
    %swap3A_6 = arith.constant 0 : index
    %swap3A_7 = vector.load %arg4[%swap3A, %swap3A_6] : memref<2000x64xbf16, #tpu.memory_space<vmem>>, vector<2000x64xbf16>
    tpu.vector_store %arg4[%swap3A, %swap3A_6], %convert_element_type3A {strides = array<i32>} : memref<2000x64xbf16, #tpu.memory_space<vmem>>, vector<2000x64xbf16>,
    %get3A_8 = arith.constant 0 : index
    %get3A_9 = arith.constant 0 : index
    %get3A_10 = vector.load %arg3[%get3A_8, %get3A_9] : memref<64x2xf32, #tpu.memory_space<vmem>>, vector<64x2xf32>
    %dot_general3A_11 = arith.constant dense<0.000000e+00> : vector<2000x2xf32>
    %dot_general3A_12 = tpu.matmul %dot_general3A_5, %get3A_10, %dot_general3A_11 {dimension_numbers = #tpu.dot_dimension_numbers<[1], [0], [0], [1], [0, 0, 1, 1], [], []>, transpose_lhs_hint = false} : vector<2000x64xf32>, vector<64x2xf32>, vector<2000x2xf32> -> vector<2000x2xf32>
    %swap3A_13 = arith.constant 0 : index
    %swap3A_14 = arith.constant 0 : index
    %swap3A_15 = vector.load %arg5[%swap3A_13, %swap3A_14] : memref<2000x2xf32, #tpu.memory_space<vmem>>, vector<2000x2xf32>
    tpu.vector_store %arg5[%swap3A_13, %swap3A_14], %dot_general3A_12 {strides = array<i32>} : memref<2000x2xf32, #tpu.memory_space<vmem>>, vector<2000x2xf32>,
    return
  }
  func.func @transform_0(%arg0: i32) -> (i32, i32) {
    %c0_i32 = arith.constant 0 : i32
    %c0_i32_0 = arith.constant 0 : i32
    return %arg0, %c0_i32 : i32, i32
  }
  func.func @transform_1(%arg0: i32) -> (i32, i32) {
    %c0_i32 = arith.constant 0 : i32
    %c0_i32_0 = arith.constant 0 : i32
    %c0_i32_1 = arith.constant 0 : i32
    return %c0_i32, %c0_i32_0 : i32, i32
  }
  func.func @transform_2(%arg0: i32) -> (i32, i32) {
    %c0_i32 = arith.constant 0 : i32
    %c0_i32_0 = arith.constant 0 : i32
    %c0_i32_1 = arith.constant 0 : i32
    return %c0_i32, %c0_i32_0 : i32, i32
  }
  func.func @transform_3(%arg0: i32) -> (i32, i32) {
    %c0_i32 = arith.constant 0 : i32
    %c0_i32_0 = arith.constant 0 : i32
    return %arg0, %c0_i32 : i32, i32
  }
  func.func @transform_4(%arg0: i32) -> (i32, i32) {
    %c0_i32 = arith.constant 0 : i32
    %c0_i32_0 = arith.constant 0 : i32
    return %arg0, %c0_i32 : i32, i32
  }
}

module attributes {stable_mosaic.version = 14 : i64} {
  func.func @_tc_head_body(%arg0: memref<32x129x64xf32, #tpu.memory_space<vmem>>, %arg1: memref<1x64xf32, #tpu.memory_space<vmem>>, %arg2: memref<128x128xf32, #tpu.memory_space<vmem>>, %arg3: memref<128x64xf32, #tpu.memory_space<vmem>>, %arg4: memref<1x64xf32, #tpu.memory_space<vmem>>, %arg5: memref<128x64xf32, #tpu.memory_space<vmem>>, %arg6: memref<1x64xf32, #tpu.memory_space<vmem>>, %arg7: memref<64x2xf32, #tpu.memory_space<vmem>>, %arg8: memref<1x2xf32, #tpu.memory_space<vmem>>, %arg9: memref<128x2xf32, #tpu.memory_space<vmem>>) attributes {dimension_semantics = [], scalar_prefetch = 0 : i64, scratch_operands = 0 : i64, tpu.core_type = #tpu.core_type<tc>} {
    %get3A = arith.constant 0 : index
    %get3A_0 = arith.constant 0 : index
    %get3A_1 = arith.constant 0 : index
    %get3A_2 = vector.load %arg0[%get3A, %get3A_0, %get3A_1] : memref<32x129x64xf32, #tpu.memory_space<vmem>>, vector<32x129x64xf32>
    %reduce_max3A = arith.constant dense<0xFF800000> : vector<129x64xf32>
    %reduce_max3A_3 = vector.multi_reduction <maximumf>, %get3A_2, %reduce_max3A [0] : vector<32x129x64xf32> to vector<129x64xf32>
    %slice3A = vector.extract_strided_slice %reduce_max3A_3 {offsets = [0, 0], sizes = [128, 64], strides = [1, 1]} : vector<129x64xf32> to vector<128x64xf32>
    %get3A_4 = arith.constant 0 : index
    %get3A_5 = arith.constant 0 : index
    %get3A_6 = vector.load %arg1[%get3A_4, %get3A_5] : memref<1x64xf32, #tpu.memory_space<vmem>>, vector<1x64xf32>
    %add3A = vector.broadcast %get3A_6 : vector<1x64xf32> to vector<128x64xf32>
    %add3A_7 = arith.addf %slice3A, %add3A : vector<128x64xf32>
    %max3A = arith.constant 0.000000e+00 : f32
    %max3A_8 = vector.broadcast %max3A : f32 to vector<128x64xf32>
    %max3A_9 = arith.maximumf %add3A_7, %max3A_8 : vector<128x64xf32>
    %get3A_10 = arith.constant 0 : index
    %get3A_11 = arith.constant 0 : index
    %get3A_12 = vector.load %arg2[%get3A_10, %get3A_11] : memref<128x128xf32, #tpu.memory_space<vmem>>, vector<128x128xf32>
    %get3A_13 = arith.constant 0 : index
    %get3A_14 = arith.constant 0 : index
    %get3A_15 = vector.load %arg3[%get3A_13, %get3A_14] : memref<128x64xf32, #tpu.memory_space<vmem>>, vector<128x64xf32>
    %dot_general3A = arith.constant dense<0.000000e+00> : vector<128x64xf32>
    %dot_general3A_16 = tpu.matmul %get3A_12, %get3A_15, %dot_general3A {dimension_numbers = #tpu.dot_dimension_numbers<[1], [0], [0], [1], [0, 0, 1, 1], [], []>, transpose_lhs_hint = false} : vector<128x128xf32>, vector<128x64xf32>, vector<128x64xf32> -> vector<128x64xf32>
    %get3A_17 = arith.constant 0 : index
    %get3A_18 = arith.constant 0 : index
    %get3A_19 = vector.load %arg4[%get3A_17, %get3A_18] : memref<1x64xf32, #tpu.memory_space<vmem>>, vector<1x64xf32>
    %add3A_20 = vector.broadcast %get3A_19 : vector<1x64xf32> to vector<128x64xf32>
    %add3A_21 = arith.addf %dot_general3A_16, %add3A_20 : vector<128x64xf32>
    %max3A_22 = arith.constant 0.000000e+00 : f32
    %max3A_23 = vector.broadcast %max3A_22 : f32 to vector<128x64xf32>
    %max3A_24 = arith.maximumf %add3A_21, %max3A_23 : vector<128x64xf32>
    %concatenate3A = tpu.concatenate %max3A_9, %max3A_24 in 1 : vector<128x64xf32>, vector<128x64xf32> -> vector<128x128xf32>
    %get3A_25 = arith.constant 0 : index
    %get3A_26 = arith.constant 0 : index
    %get3A_27 = vector.load %arg5[%get3A_25, %get3A_26] : memref<128x64xf32, #tpu.memory_space<vmem>>, vector<128x64xf32>
    %dot_general3A_28 = arith.constant dense<0.000000e+00> : vector<128x64xf32>
    %dot_general3A_29 = tpu.matmul %concatenate3A, %get3A_27, %dot_general3A_28 {dimension_numbers = #tpu.dot_dimension_numbers<[1], [0], [0], [1], [0, 0, 1, 1], [], []>, transpose_lhs_hint = false} : vector<128x128xf32>, vector<128x64xf32>, vector<128x64xf32> -> vector<128x64xf32>
    %get3A_30 = arith.constant 0 : index
    %get3A_31 = arith.constant 0 : index
    %get3A_32 = vector.load %arg6[%get3A_30, %get3A_31] : memref<1x64xf32, #tpu.memory_space<vmem>>, vector<1x64xf32>
    %add3A_33 = vector.broadcast %get3A_32 : vector<1x64xf32> to vector<128x64xf32>
    %add3A_34 = arith.addf %dot_general3A_29, %add3A_33 : vector<128x64xf32>
    %max3A_35 = arith.constant 0.000000e+00 : f32
    %max3A_36 = vector.broadcast %max3A_35 : f32 to vector<128x64xf32>
    %max3A_37 = arith.maximumf %add3A_34, %max3A_36 : vector<128x64xf32>
    %get3A_38 = arith.constant 0 : index
    %get3A_39 = arith.constant 0 : index
    %get3A_40 = vector.load %arg7[%get3A_38, %get3A_39] : memref<64x2xf32, #tpu.memory_space<vmem>>, vector<64x2xf32>
    %dot_general3A_41 = arith.constant dense<0.000000e+00> : vector<128x2xf32>
    %dot_general3A_42 = tpu.matmul %max3A_37, %get3A_40, %dot_general3A_41 {dimension_numbers = #tpu.dot_dimension_numbers<[1], [0], [0], [1], [0, 0, 1, 1], [], []>, transpose_lhs_hint = false} : vector<128x64xf32>, vector<64x2xf32>, vector<128x2xf32> -> vector<128x2xf32>
    %get3A_43 = arith.constant 0 : index
    %get3A_44 = arith.constant 0 : index
    %get3A_45 = vector.load %arg8[%get3A_43, %get3A_44] : memref<1x2xf32, #tpu.memory_space<vmem>>, vector<1x2xf32>
    %add3A_46 = vector.broadcast %get3A_45 : vector<1x2xf32> to vector<128x2xf32>
    %add3A_47 = arith.addf %dot_general3A_42, %add3A_46 : vector<128x2xf32>
    %reduce_max3A_48 = arith.constant dense<0xFF800000> : vector<128xf32>
    %reduce_max3A_49 = vector.multi_reduction <maximumf>, %add3A_47, %reduce_max3A_48 [1] : vector<128x2xf32> to vector<128xf32>
    %broadcast_in_dim3A = vector.shape_cast %reduce_max3A_49 : vector<128xf32> to vector<128x1xf32>
    %sub3A = vector.broadcast %broadcast_in_dim3A : vector<128x1xf32> to vector<128x2xf32>
    %sub3A_50 = arith.subf %add3A_47, %sub3A : vector<128x2xf32>
    %exp3A = math.exp %sub3A_50 : vector<128x2xf32>
    %reduce_sum3A = arith.constant dense<0.000000e+00> : vector<128xf32>
    %reduce_sum3A_51 = vector.multi_reduction <add>, %exp3A, %reduce_sum3A [1] : vector<128x2xf32> to vector<128xf32>
    %broadcast_in_dim3A_52 = vector.shape_cast %reduce_sum3A_51 : vector<128xf32> to vector<128x1xf32>
    %log3A = math.log %broadcast_in_dim3A_52 : vector<128x1xf32>
    %add3A_53 = arith.addf %broadcast_in_dim3A, %log3A : vector<128x1xf32>
    %sub3A_54 = vector.broadcast %add3A_53 : vector<128x1xf32> to vector<128x2xf32>
    %sub3A_55 = arith.subf %add3A_47, %sub3A_54 : vector<128x2xf32>
    %swap3A = arith.constant 0 : index
    %swap3A_56 = arith.constant 0 : index
    %swap3A_57 = vector.load %arg9[%swap3A, %swap3A_56] : memref<128x2xf32, #tpu.memory_space<vmem>>, vector<128x2xf32>
    tpu.vector_store %arg9[%swap3A, %swap3A_56], %sub3A_55 {strides = array<i32>} : memref<128x2xf32, #tpu.memory_space<vmem>>, vector<128x2xf32>,
    return
  }
}

</mosaic_0001>

<sc_bundles>
// kernel: kernel.6.cloned.1.call-start
scs
__scs_entry_jumppad:
0x0: {  	(pc) =	sbr.rel $0x88, $3  }
0x1: {  	(tag) =	ssettag $0x0;
	lr =	simm.s32 $0x1  }
0x2: {  	[smem:$0x3F94] =	sst lr;
	_ =	strace $0xD0000000  }
0x3: {  	_ = 	snop  }
0x4: {  	_ = 	snop  }
0x5: {  	_ = 	snop  }
0x6: {  	_ = 	snop  }
0x7: {  	_ = 	snop  }
__scs_overlays_trampoline_lowered:
0x8: {  	[smem:$0x3FA3] =	sst s0  }
0x9: {  	[smem:$0x3FA4] =	sst s1  }
0xa: {  	[smem:$0x3FA5] =	sst s2  }
0xb: {  	[smem:$0x3FA6] =	sst s3  }
0xc: {  	[smem:$0x3FA7] =	sst s4  }
0xd: {  	[smem:$0x3FA8] =	sst s5  }
0xe: {  	[smem:$0x3FA9] =	sst s6  }
0xf: {  	[smem:$0x3FAA] =	sst s7  }
0x10: {  	[smem:$0x3FAB] =	sst s8  }
0x11: {  	[smem:$0x3FAC] =	sst s9;
	s0 =	simm.s32 @!p0 $0x0  }
0x12: {  	s1 =	sld [smem:$0x3F92];
	s0 =	simm.s32 @p0 $0x1  }
0x13: {  	[smem:$0x3FAD] =	sst s0;
	s0 =	simm.s32 @!p1 $0x0  }
0x14: {  	s2 =	sld [smem:$0x3F91];
	s0 =	simm.s32 @p1 $0x1  }
0x15: {  	[smem:$0x3FAE] =	sst s0;
	s0 =	simm.s32 @!p2 $0x0  }
0x16: {  	s3 =	sld [smem:$0x3FDB];
	s0 =	simm.s32 @p2 $0x1  }
0x17: {  	s4 =	simm.s32 $0x1BF5;
	[smem:$0x3FB0] =	sst s0  }
0x18: {  	s0 =	sld [smem:$0x3F93];
	_ =	swait.ge [sflag:s4], $0x0  }
0x19: {  	s7 =	sld [smem:$0x3F94]  }
0x1a: {  	s8 =	sadd.s32 $0xFFFFE003, lr  }
0x1b: {  	s9 =	sadd.s32 $0xFFFFFEF7, lr;
	s5 =	simm.s32 $0xFFFFFFFF;
	p2 =	slt.u32 s8, $0xFFFFF086  }
0x1c: {  	p1 =	slt.u32 s9, $0xF7A;
	s5 =	simm.s32 @!p2 $0x0  }
0x1d: {  	s5 =	simm.s32 @p1 $0x1;
	p0 =	seq.s32 s7, s2  }
0x1e: {  	s7 =	smul.u32 @!p0 $0xF7A, s2;
	p2 =	seq.s32 @!p0 s5, $0x0  }
0x1f: {  	s9 =	smul.u32 $0xF7A, s1;
	s8 =	simm.s32 @!p0 $0x1BF5;
	p2 =	por !p2, p0  }
0x20: {  	[sflag:s8] =	ssyncset.s32 @!p0 $0xFFFFF086;
	s6 =	sadd.s32 @!p0 s3, s7;
	s7 =	simm.s32 @!p0 $0x108  }
0x21: {  	s3 =	sadd.s32 s3, s9;
	s6 =	sadd.s32 @!p0 $0x88, s6;
	s7 =	simm.s32 @p2 $0x1082  }
0x22: {  	[simem:s7], [sflag:s8] =	dma.local @!p0 [hbm:s6], $0xF7A  }
0x23: {  	s9 =	sor.u32 $0xD0000000, s2;
	s6 =	simm.s32 $0x108;
	_ =	swait.ge @!p0 [sflag:s8], $0x0  }
0x24: {  	s3 =	sadd.s32 $0x88, s3;
	s6 =	simm.s32 @!p1 $0x1082;
	[sflag:s4] =	ssyncset.s32 $0xFFFFF086  }
0x25: {  	[simem:s6], [sflag:s4] =	dma.local [hbm:s3], $0xF7A  }
0x26: {  	[smem:$0x3F94] =	sst s1;
	(tag) =	ssettag s2;
	_ =	strace s9  }
0x27: {  	s1 =	sld [smem:$0x3FA4]  }
0x28: {  	s2 =	sld [smem:$0x3FA5]  }
0x29: {  	s4 =	sld [smem:$0x3FA7]  }
0x2a: {  	p0 =	seq.s32 s5, $0x0;
	s5 =	sld [smem:$0x3FA8]  }
0x2b: {  	s6 =	sld [smem:$0x3FA9]  }
0x2c: {  	s7 =	sld [smem:$0x3FAA]  }
0x2d: {  	s3 =	simm.s32 $0x108;
	s8 =	sld [smem:$0x3FAB]  }
0x2e: {  	s3 =	simm.s32 @!p0 $0x1082;
	s9 =	sld [smem:$0x3FAC]  }
0x2f: {  	lr =	sadd.s32 s0, s3;
	s0 =	sld [smem:$0x3FA3]  }
0x30: {  	s3 =	sld [smem:$0x3FA6]  }
0x31: {  	[smem:$0x3FAF] =	sst s10  }
0x32: {  	s10 =	sld [smem:$0x3FAD];
	_ =	sdelay $0x3  }
0x33: {  	p0 =	seq.s32 s10, $0x1;
	s10 =	sld [smem:$0x3FAF];
	_ =	sdelay $0x3  }
0x34: {  	[smem:$0x3FAF] =	sst s10  }
0x35: {  	s10 =	sld [smem:$0x3FAE];
	_ =	sdelay $0x3  }
0x36: {  	p1 =	seq.s32 s10, $0x1;
	s10 =	sld [smem:$0x3FAF];
	_ =	sdelay $0x3  }
0x37: {  	[smem:$0x3FAF] =	sst s10  }
0x38: {  	s10 =	sld [smem:$0x3FB0]  }
0x39: {  	_ = 	snop;
	(pc) =	sbr.ind lr, $3  }
0x3a: {  	_ = 	snop  }
0x3b: {  	_ = 	snop  }
0x3c: {  	p2 =	seq.s32 s10, $0x1;
	s10 =	sld [smem:$0x3FAF]  }
0x3d: {  	_ =	shalt  }
0x3e: {  	_ =	shalt  }
0x3f: {  	_ =	shalt  }
0x40: {  	_ =	shalt  }
0x41: {  	_ =	shalt  }
0x42: {  	_ =	shalt  }
0x43: {  	_ =	shalt  }
0x44: {  	_ =	shalt  }
0x45: {  	_ =	shalt  }
0x46: {  	_ =	shalt  }
0x47: {  	_ =	shalt  }
0x48: {  	_ =	shalt  }
0x49: {  	_ =	shalt  }
0x4a: {  	_ =	shalt  }
0x4b: {  	_ =	shalt  }
0x4c: {  	_ =	shalt  }
0x4d: {  	_ =	shalt  }
0x4e: {  	_ =	shalt  }
0x4f: {  	_ =	shalt  }
0x50: {  	_ =	shalt  }
0x51: {  	_ =	shalt  }
0x52: {  	_ =	shalt  }
0x53: {  	_ =	shalt  }
0x54: {  	_ =	shalt  }
0x55: {  	_ =	shalt  }
0x56: {  	_ =	shalt  }
0x57: {  	_ =	shalt  }
0x58: {  	_ =	shalt  }
0x59: {  	_ =	shalt  }
0x5a: {  	_ =	shalt  }
0x5b: {  	_ =	shalt  }
0x5c: {  	_ =	shalt  }
0x5d: {  	_ =	shalt  }
0x5e: {  	_ =	shalt  }
0x5f: {  	_ =	shalt  }
0x60: {  	_ =	shalt  }
0x61: {  	_ =	shalt  }
0x62: {  	_ =	shalt  }
0x63: {  	_ =	shalt  }
0x64: {  	_ =	shalt  }
0x65: {  	_ =	shalt  }
0x66: {  	_ =	shalt  }
0x67: {  	_ =	shalt  }
0x68: {  	_ =	shalt  }
0x69: {  	_ =	shalt  }
0x6a: {  	_ =	shalt  }
0x6b: {  	_ =	shalt  }
0x6c: {  	_ =	shalt  }
0x6d: {  	_ =	shalt  }
0x6e: {  	_ =	shalt  }
0x6f: {  	_ =	shalt  }
0x70: {  	_ =	shalt  }
0x71: {  	_ =	shalt  }
0x72: {  	_ =	shalt  }
0x73: {  	_ =	shalt  }
0x74: {  	_ =	shalt  }
0x75: {  	_ =	shalt  }
0x76: {  	_ =	shalt  }
0x77: {  	_ =	shalt  }
0x78: {  	_ =	shalt  }
0x79: {  	_ =	shalt  }
0x7a: {  	_ =	shalt  }
0x7b: {  	_ =	shalt  }
0x7c: {  	_ =	shalt  }
0x7d: {  	_ =	shalt  }
0x7e: {  	_ =	shalt  }
0x7f: {  	_ =	shalt  }
0x80: {  	_ =	shalt  }
0x81: {  	_ =	shalt  }
0x82: {  	_ =	shalt  }
0x83: {  	_ =	shalt  }
0x84: {  	_ =	shalt  }
0x85: {  	_ =	shalt  }
0x86: {  	_ =	shalt  }
0x87: {  	_ =	shalt  }
.Lfunc_end0:
.L_simem_size_0:
called_computation_lowered:
.L_overlay_start_0:
0x88: {  	s2 =	sld [smem:$0x3FD9]  }
0x89: {  	s3 =	sld [smem:$0x3FFE];
	_ =	sdelay $0x1  }
0x8a: {  	s1 =	srdreg.scid  }
0x8b: {  	s0 =	sand.u32 $0x1, s1  }
0x8c: {  	s14 =	sshll.u32 s0, $0xA;
	s2 =	sadd.s32 s3, s2  }
0x8d: {  	s2 =	sadd.s32 s2, s14  }
0x8e: {  	[smem:$0x3FBB] =	sst s2  }
0x8f: {  	_ = 	snop  }
0x90: {  	s2 =	sld [smem:$0x3FD0];
	_ =	sdelay $0x2  }
0x91: {  	s15 =	simm.s32 $0xA;
	s4 =	simm.s32 $0x10  }
0x92: {  	[smem:s4], [sflag:s15] =	dma.local [hbm:s2], $0x1  }
0x93: {  	_ =	swait.eq [sflag:s15], $0x1  }
0x94: {  	[sflag:s15] =	ssyncset.done $0x0  }
0x95: {  	[sflag:s15] =	ssyncadd.s32 $0xFFFFFFFF  }
0x96: {  	s16 =	sld [smem:$0x11];
	(tm) =	ssettm $0x1  }
0x97: {  	s17 =	sld [smem:$0x3FFB];
	_ =	sdelay $0x3  }
0x98: {  	_ =	strace s17  }
0x99: {  	s3 =	sld [smem:$0x3FFC];
	_ =	sdelay $0x3  }
0x9a: {  	_ =	strace s3  }
0x9b: {  	s3 =	sld [smem:$0x3FFD];
	_ =	sdelay $0x3  }
0x9c: {  	_ =	strace s3  }
0x9d: {  	_ =	strace $0x8FFFFFFF  }
0x9e: {  	s18 =	sld [smem:$0x3FDB];
	_ =	sdelay $0x1  }
0x9f: {  	s19 =	simm.s32 $_scs_section_size  }
0xa0: {  	s5 =	simm.s32 $_size__tile_overlayer_lowered;
	s6 =	simm.s32 $_tile_overlayer_lowered  }
0xa1: {  	s22 =	simm.s32 $0x1BFF;
	s21 =	sshll.u32 s6, $0x1;
	s3 =	sadd.s32 s19, s18  }
0xa2: {  	s7 =	simm.s32 $0x0;
	s20 =	sshll.u32 s5, $0x1;
	s5 =	sadd.s32 s21, s3  }
0xa3: {  	[timem:s7], [sflag:s22] =	dma.local [hbm:s5], s20  }
0xa4: {  	_ =	swait.ge [sflag:s22], s20  }
0xa5: {  	s4 =	ssub.s32 $0x0, s20;
	[sflag:s22] =	ssyncset.done $0x0  }
0xa6: {  	[sflag:s22] =	ssyncadd.s32 s4;
	_ =	sdelay $0x1  }
0xa7: {  	s23 =	simm.s32 $0x1B8B  }
0xa8: {  	_ =	swait.ge [sflag:s23], $0x1  }
0xa9: {  	[sflag:s23] =	ssyncset.done $0x0  }
0xaa: {  	s25 =	simm.s32 $0x1B8E;
	s24 =	sld [smem:$0x3FFE];
	[sflag:s23] =	ssyncadd.s32 $0xFFFFFFFF  }
0xab: {  	s26 =	simm.s32 $execute0_lowered;
	[smem:$0x3FD2] =	sst s25  }
0xac: {  	s5 =	sshll.u32 s26, $0x1;
	_ =	strace $0x80000046;
	[dreg:$0x1] =	wrdreg $0xFFFFFFFF  }
0xad: {  	s28 =	simm.s32 $_size_execute0_lowered;
	s3 =	sadd.s32 s3, s5;
	[dreg:$0x0] =	wrdreg $0x0  }
0xae: {  	s5 =	sshll.u32 s28, $0x1;
	[dreg:$0x2] =	wrdreg s3  }
0xaf: {  	[dreg:$0x3] =	wrdreg s5  }
0xb0: {  	[dreg:$0x4] =	wrdreg $0xC0  }
0xb1: {  	_ =	task [dreg:s7], $0x5FFFF  }
0xb2: {  	[dreg:$0x1] =	wrdreg $0xFFFFFFFF  }
0xb3: {  	[dreg:$0x0] =	wrdreg $0x60  }
0xb4: {  	[dreg:$0x2] =	wrdreg s24  }
0xb5: {  	[dreg:$0x3] =	wrdreg s16  }
0xb6: {  	[dreg:$0x4] =	wrdreg $0xE7E00  }
0xb7: {  	[dreg:$0x5] =	wrdreg $0x137E00  }
0xb8: {  	[dreg:$0x6] =	wrdreg $0x9  }
0xb9: {  	_ =	task.clear_ibuf [dreg:s7], $0x7FFFF;
	_ =	strace $0x90000046  }
0xba: {  	s29 =	simm.s32 $0x9;
	_ =	strace $0x80000048  }
0xbb: {  	_ =	swait.ge [sflag:s29], $0x1  }
0xbc: {  	[sflag:s29] =	ssyncadd.s32 $0xFFFFFFFF  }
0xbd: {  	_ =	strace $0x90000048  }
0xbe: {  	_ =	sfence  }
0xbf: {  	s30 =	sld [smem:$0x0];
	_ =	sdelay $0x2  }
0xc0: {  	s31 =	sshll.u32 s1, $0xD;
	s1 =	sshrl.u32 s1, $0x2  }
0xc1: {  	s3 =	sand.u32 $0x4000, s31;
	s1 =	sadd.s32 s1, s30  }
0xc2: {  	s0 =	sor.u32 s3, s0;
	s1 =	sshll.u32 s1, $0x11  }
0xc3: {  	s0 =	sor.u32 s1, s0  }
0xc4: {  	s0 =	sadd.s32 $0x8F2B, s0  }
0xc5: {  	[sflag:s0] =	ssyncadd.remote.s32 $0x1  }
0xc6: {  	_ =	sfence.sel $0xFFFF  }
0xc7: {  	[dreg:$0x0] =	wrdreg $0xFFFFFFFF;
	(pc) =	sbr.abs _section_cstart, $3  }
0xc8: {  	[dreg:$0x1] =	wrdreg $0xFFFFFFFF  }
0xc9: {  	_ =	task.clear_ibuf [dreg:s7], $0x2FFFF;
	_ =	strace $0x9FFFFFFF  }
0xca: {  	(tm) =	ssettm $0x7FFFFFFF  }
0xcb: {  	_ =	shalt  }
tec
execute0_lowered:
.L_overlay_start_1:
0x0: {  	(tag) =	ssettag $0x1  }
0x1: {  	s0 =	rddreg [dreg:$0x0]  }
0x2: {  	s1 =	rddreg [dreg:$0x1]  }
0x3: {  	s5 =	simm.s32 $0x0;
	s3 =	srdreg.scid;
	s11 =	stileid.u32  }
0x4: {  	[smem:$0x7FF] =	sst s5;
	s5 =	smul.u32 $0x280, s11  }
0x5: {  	s2 =	rddreg [dreg:$0x2];
	s3 =	sand.u32 $0x1, s3;
	s31 =	smul.u32 $0xA000, s11  }
0x6: {  	s4 =	rddreg [dreg:$0x3];
	s9 =	sadd.s32 $0x21800, s0;
	s7 =	smul.u32 $0x2800, s3  }
0x7: {  	s6 =	sshll.u32 s3, $0x4;
	s8 =	ssub.s32 $0x2, s3;
	s3 =	smul.u32 $0xA0000, s3  }
0x8: {  	s6 =	sor.u32 s11, s6;
	s10 =	sshrl.u32 s8, $0x1;
	s11 =	sadd.s32 $0x80, s5  }
0x9: {  	s19 =	sadd.s32 $0x100, s5;
	s20 =	sadd.s32 $0x180, s5;
	s21 =	sadd.s32 $0x200, s5  }
0xa: {  	s30 =	sshrl.u32 s31, $0x1;
	s7 =	sadd.s32 s5, s7;
	s8 =	ssub.s32 s8, s10  }
0xb: {  	s13 =	sshll.u32 s11, $0x6;
	s15 =	sshll.u32 s19, $0x6;
	s16 =	sshll.u32 s20, $0x6  }
0xc: {  	s12 =	sadd.s32 s31, s3;
	s17 =	sshll.u32 s21, $0x6;
	s26 =	smul.u32 $0x510, s6  }
0xd: {  	s11 =	sadd.s32 s11, s4;
	s12 =	sshrl.u32 s12, $0x4;
	s14 =	sadd.s32 s3, s13  }
0xe: {  	s22 =	sadd.s32 s3, s15;
	s24 =	sadd.s32 s3, s16;
	s3 =	sadd.s32 s3, s17  }
0xf: {  	s28 =	sshrl.u32 s7, $0x3;
	s12 =	sadd.s32 s9, s12;
	s18 =	sshrl.u32 s14, $0x4  }
0x10: {  	s3 =	sshrl.u32 s3, $0x4;
	[dreg:$0x5] =	wrdreg s12;
	s12 =	sadd.s32 s9, s18  }
0x11: {  	s23 =	sshrl.u32 s22, $0x4;
	s3 =	sadd.s32 s9, s3;
	[dreg:$0x6] =	wrdreg s12  }
0x12: {  	s25 =	sshrl.u32 s24, $0x4;
	s12 =	sadd.s32 s9, s23;
	[dreg:$0x9] =	wrdreg s3  }
0x13: {  	s29 =	sadd.s32 s26, s0;
	[dreg:$0x7] =	wrdreg s12;
	s12 =	sadd.s32 s9, s25  }
0x14: {  	s3 =	sadd.s32 s28, s0;
	s0 =	sadd.s32 $0x16C00, s0;
	[dreg:$0x8] =	wrdreg s12  }
0x15: {  	s31 =	sshrl.u32 s13, $0x1;
	_ =	strace $0x80000047;
	[dreg:$0xa] =	wrdreg s0  }
0x16: {  	s14 =	sadd.s32 s19, s4;
	s12 =	smul.u32 $0x51, s6;
	[dreg:$0xc] =	wrdreg s11  }
0x17: {  	s6 =	sshrl.u32 s15, $0x1;
	s15 =	sadd.s32 s20, s4;
	[dreg:$0xd] =	wrdreg s14  }
0x18: {  	s9 =	sshrl.u32 s16, $0x1;
	s16 =	sadd.s32 s21, s4;
	[dreg:$0xe] =	wrdreg s15  }
0x19: {  	s10 =	sshrl.u32 s17, $0x1;
	s17 =	sadd.s32 $0xCA00, s29;
	[dreg:$0xf] =	wrdreg s16  }
0x1a: {  	s13 =	sadd.s32 s30, s2;
	s18 =	sadd.s32 $0x2800, s29;
	[dreg:$0x10] =	wrdreg s17  }
0x1b: {  	s7 =	simm.s32 $0xE7A0;
	s19 =	sadd.s32 $0x17600, s29;
	[dreg:$0x11] =	wrdreg s18  }
0x1c: {  	s26 =	sadd.s32 s10, s2;
	s20 =	sadd.s32 $0x35800, s3;
	[dreg:$0x12] =	wrdreg s19  }
0x1d: {  	s10 =	sadd.s32 s5, s4;
	s21 =	smax.u32 s8, $0x1;
	[dreg:$0x13] =	wrdreg s20  }
0x1e: {  	s22 =	sadd.s32 $0x40, s10;
	s29 =	sadd.s32 $0x140, s10;
	[dreg:$0x14] =	wrdreg s21  }
0x1f: {  	s30 =	sadd.s32 $0x1C0, s10;
	s28 =	sadd.s32 $0xC0, s10;
	[dreg:$0x15] =	wrdreg s22  }
0x20: {  	s23 =	sadd.s32 s31, s2;
	s31 =	sadd.s32 $0x240, s10;
	[dreg:$0x16] =	wrdreg s28  }
0x21: {  	s8 =	simm.s32 $0x5100;
	s25 =	sadd.s32 s9, s2;
	[dreg:$0x17] =	wrdreg s29  }
0x22: {  	s3 =	simm.s32 $0xC7A0;
	s9 =	simm.s32 $0x80;
	[dreg:$0x18] =	wrdreg s30  }
0x23: {  	s24 =	sadd.s32 s6, s2;
	[dreg:$0x19] =	wrdreg s31;
	s6 =	simm.s32 $0x6  }
0x24: {  	v0 =	vimm.bf16 $0.0e+00;
	v1 =	vimm.f32 $0.0e+00;
	s11 =	simm.s32 $0x5;
	s19 =	simm.s32 $0x0;
	[dreg:$0xb] =	wrdreg s10  }
.LBB2_1:
0x25: {  	s20 =	simm.s32 $0x80;
	s21 =	simm.s32 $0x0  }
.LBB2_2:
0x26: {  	p0 =	sne.s32 s20, $0x3F80;
	[tilespmem:s21+$0xC7A0] =	vst v0;
	s22 =	smov.u32 s20;
	s20 =	sadd.s32 $0x80, s20  }
.Ltmp0:
0x27: {  	[tilespmem:s21+$0xC7B0] =	vst v0;
	(pc) =	sbr.rel @p0 .LBB2_2-.Ltmp0, $2  }
0x28: {  	_ =	sdelay $0x2  }
0x29: {  	s21 =	sshra.s32 s22, $0x2  }
0x2a: {  	[tilespmem:s21+$0xC7A0] =	vst v0  }
0x2b: {  	[tilespmem:s21+$0xC7B0] =	vst v0  }
0x2c: {  	[tilespmem:$0xE7A0] =	vst v1  }
0x2d: {  	[tilespmem:$0xE7B0] =	vst v1  }
0x2e: {  	[tilespmem:$0xE7C0] =	vst v1  }
0x2f: {  	[tilespmem:$0xE7D0] =	vst v1  }
0x30: {  	[spmem:s13] =	stream.linear.scatter [tilespmem:s3], [sflag:$0x6], $0x1000, $0x38;
	[tilespmem:$0x13A60] =	vst v63  }
0x31: {  	_ =	swait.ge [sflag:s6], $0x1000  }
0x32: {  	[sflag:s6] =	ssyncset.done $0x0  }
0x33: {  	[sflag:s6] =	ssyncadd.s32 $0xFFFFF000  }
0x34: {  	[spmem:s23] =	stream.linear.scatter [tilespmem:s3], [sflag:$0x6], $0x1000, $0x38;
	[tilespmem:$0x13A60] =	vst v63  }
0x35: {  	_ =	swait.ge [sflag:s6], $0x1000  }
0x36: {  	[sflag:s6] =	ssyncset.done $0x0  }
0x37: {  	[sflag:s6] =	ssyncadd.s32 $0xFFFFF000  }
0x38: {  	[spmem:s24] =	stream.linear.scatter [tilespmem:s3], [sflag:$0x6], $0x1000, $0x38;
	[tilespmem:$0x13A60] =	vst v63  }
0x39: {  	_ =	swait.ge [sflag:s6], $0x1000  }
0x3a: {  	[sflag:s6] =	ssyncset.done $0x0  }
0x3b: {  	[sflag:s6] =	ssyncadd.s32 $0xFFFFF000  }
0x3c: {  	[spmem:s25] =	stream.linear.scatter [tilespmem:s3], [sflag:$0x6], $0x1000, $0x38;
	[tilespmem:$0x13A60] =	vst v63  }
0x3d: {  	_ =	swait.ge [sflag:s6], $0x1000  }
0x3e: {  	[sflag:s6] =	ssyncset.done $0x0  }
0x3f: {  	[sflag:s6] =	ssyncadd.s32 $0xFFFFF000  }
0x40: {  	[spmem:s26] =	stream.linear.scatter [tilespmem:s3], [sflag:$0x6], $0x1000, $0x38;
	[tilespmem:$0x13A60] =	vst v63  }
0x41: {  	_ =	swait.ge [sflag:s6], $0x1000  }
0x42: {  	[sflag:s6] =	ssyncset.done $0x0  }
0x43: {  	[sflag:s6] =	ssyncadd.s32 $0xFFFFF000  }
0x44: {  	[spmem:s10] =	stream.linear.scatter [tilespmem:s7], [sflag:$0x6], $0x40, $0x38;
	[tilespmem:$0x13A60] =	vst v63  }
0x45: {  	_ =	swait.ge [sflag:s6], $0x40  }
0x46: {  	[sflag:s6] =	ssyncset.done $0x0  }
0x47: {  	s0 =	rddreg [dreg:$0x15];
	[sflag:s6] =	ssyncadd.s32 $0xFFFFFFC0  }
0x48: {  	[spmem:s0] =	stream.linear.scatter [tilespmem:s7], [sflag:$0x6], $0x40, $0x38;
	[tilespmem:$0x13A60] =	vst v63  }
0x49: {  	_ =	swait.ge [sflag:s6], $0x40  }
0x4a: {  	[sflag:s6] =	ssyncset.done $0x0  }
0x4b: {  	s20 =	rddreg [dreg:$0xc];
	[sflag:s6] =	ssyncadd.s32 $0xFFFFFFC0  }
0x4c: {  	[spmem:s20] =	stream.linear.scatter [tilespmem:s7], [sflag:$0x6], $0x40, $0x38;
	[tilespmem:$0x13A60] =	vst v63  }
0x4d: {  	_ =	swait.ge [sflag:s6], $0x40  }
0x4e: {  	[sflag:s6] =	ssyncset.done $0x0  }
0x4f: {  	s21 =	rddreg [dreg:$0x16];
	[sflag:s6] =	ssyncadd.s32 $0xFFFFFFC0  }
0x50: {  	[spmem:s21] =	stream.linear.scatter [tilespmem:s7], [sflag:$0x6], $0x40, $0x38;
	[tilespmem:$0x13A60] =	vst v63  }
0x51: {  	_ =	swait.ge [sflag:s6], $0x40  }
0x52: {  	[sflag:s6] =	ssyncset.done $0x0  }
0x53: {  	s22 =	rddreg [dreg:$0xd];
	[sflag:s6] =	ssyncadd.s32 $0xFFFFFFC0  }
0x54: {  	[spmem:s22] =	stream.linear.scatter [tilespmem:s7], [sflag:$0x6], $0x40, $0x38;
	[tilespmem:$0x13A60] =	vst v63  }
0x55: {  	_ =	swait.ge [sflag:s6], $0x40  }
0x56: {  	[sflag:s6] =	ssyncset.done $0x0  }
0x57: {  	s15 =	smov.u32 s23;
	s23 =	rddreg [dreg:$0x17];
	[sflag:s6] =	ssyncadd.s32 $0xFFFFFFC0  }
0x58: {  	[spmem:s23] =	stream.linear.scatter [tilespmem:s7], [sflag:$0x6], $0x40, $0x38;
	[tilespmem:$0x13A60] =	vst v63  }
0x59: {  	_ =	swait.ge [sflag:s6], $0x40  }
0x5a: {  	[sflag:s6] =	ssyncset.done $0x0  }
0x5b: {  	s16 =	smov.u32 s24;
	s24 =	rddreg [dreg:$0xe];
	[sflag:s6] =	ssyncadd.s32 $0xFFFFFFC0  }
0x5c: {  	[spmem:s24] =	stream.linear.scatter [tilespmem:s7], [sflag:$0x6], $0x40, $0x38;
	[tilespmem:$0x13A60] =	vst v63  }
0x5d: {  	_ =	swait.ge [sflag:s6], $0x40  }
0x5e: {  	[sflag:s6] =	ssyncset.done $0x0  }
0x5f: {  	s17 =	smov.u32 s25;
	s25 =	rddreg [dreg:$0x18];
	[sflag:s6] =	ssyncadd.s32 $0xFFFFFFC0  }
0x60: {  	[spmem:s25] =	stream.linear.scatter [tilespmem:s7], [sflag:$0x6], $0x40, $0x38;
	[tilespmem:$0x13A60] =	vst v63  }
0x61: {  	_ =	swait.ge [sflag:s6], $0x40  }
0x62: {  	[sflag:s6] =	ssyncset.done $0x0  }
0x63: {  	s18 =	smov.u32 s26;
	s26 =	rddreg [dreg:$0xf];
	[sflag:s6] =	ssyncadd.s32 $0xFFFFFFC0  }
0x64: {  	[spmem:s26] =	stream.linear.scatter [tilespmem:s7], [sflag:$0x6], $0x40, $0x38;
	[tilespmem:$0x13A60] =	vst v63  }
0x65: {  	_ =	swait.ge [sflag:s6], $0x40  }
0x66: {  	[sflag:s6] =	ssyncset.done $0x0  }
0x67: {  	s28 =	rddreg [dreg:$0x19];
	[sflag:s6] =	ssyncadd.s32 $0xFFFFFFC0  }
0x68: {  	[spmem:s28] =	stream.linear.scatter [tilespmem:s7], [sflag:$0x6], $0x40, $0x38;
	[tilespmem:$0x13A60] =	vst v63  }
0x69: {  	_ =	swait.ge [sflag:s6], $0x40  }
0x6a: {  	[sflag:s6] =	ssyncset.done $0x0  }
0x6b: {  	s23 =	simm.s32 $0x0;
	s29 =	rddreg [dreg:$0xa];
	[sflag:s6] =	ssyncadd.s32 $0xFFFFFFC0  }
0x6c: {  	[tilespmem:s8], [sflag:$0x6] =	stream.linear.gather [hbm4b:s29+s23], $0x4E20, $0x38;
	[tilespmem:$0x13A60] =	vst v63  }
0x6d: {  	_ =	swait.ge [sflag:s6], $0x4E20  }
0x6e: {  	[sflag:s6] =	ssyncset.done $0x0  }
0x6f: {  	s30 =	rddreg [dreg:$0x10];
	[sflag:s6] =	ssyncadd.s32 $0xFFFFB1E0  }
0x70: {  	[tilespmem:s23], [sflag:$0x6] =	stream.linear.gather [hbm4b:s30+s23], $0x2880, $0x38;
	[tilespmem:$0x13A60] =	vst v63  }
0x71: {  	_ =	swait.ge [sflag:s6], $0x2880  }
0x72: {  	[sflag:s6] =	ssyncset.done $0x0  }
0x73: {  	s5 =	simm.s32 $0x2880;
	s31 =	rddreg [dreg:$0x11];
	[sflag:s6] =	ssyncadd.s32 $0xFFFFD780  }
0x74: {  	[tilespmem:s5], [sflag:$0x6] =	stream.linear.gather [hbm4b:s31+s23], $0x2880, $0x38;
	[tilespmem:$0x13A60] =	vst v63  }
0x75: {  	_ =	swait.ge [sflag:s6], $0x2880  }
0x76: {  	[sflag:s6] =	ssyncset.done $0x0  }
0x77: {  	[sflag:s6] =	ssyncadd.s32 $0xFFFFD780  }
0x78: {  	s14 =	smov.u32 s13;
	[bflag:$0x0] =	sbarrier.arrive $0xFFFF  }
0x79: {  	[tilespmem:s3], [sflag:$0x1] =	stream.indirect.gather [hbm4b:s1+s9], $0x20, s23, s9, $0xb8;
	[tilespmem:$0x13A60] =	vst v63  }
.LBB2_4:
0x7a: {  	s20 =	sshll.u32 s23, $0x7  }
0x7b: {  	s22 =	sadd.s32 $0x2880, s20  }
0x7c: {  	v2 =	vmov s22;
	_ =	sdelay $0x2  }
0x7d: {  	s21 =	sadd.s32 s12, s23  }
0x7e: {  	p0 =	por $0x1, $0x1;
	s28 =	simm.s32 $0x0;
	s21 =	sshll.u32 s21, $0x7  }
.LBB2_5:
0x7f: {  	s25 =	sor.u32 s20, s28;
	v4 =	vld.idx.msk [tilespmem:v2+s28+$0x0 ss:$0x1], $0xffff  }
0x80: {  	s29 =	sor.u32 $0x10, s28;
	v3 =	vld [tilespmem:s25+$0x0]  }
0x81: {  	s24 =	sor.u32 s20, s29;
	v6 =	vld.idx.msk [tilespmem:v2+s29+$0x0 ss:$0x1], $0xffff  }
0x82: {  	s30 =	sor.u32 $0x20, s28;
	v5 =	vld [tilespmem:s24+$0x0]  }
0x83: {  	s22 =	sor.u32 s20, s30;
	v8 =	vld.idx.msk [tilespmem:v2+s30+$0x0 ss:$0x1], $0xffff  }
0x84: {  	s31 =	sor.u32 $0x30, s28;
	v7 =	vld [tilespmem:s22+$0x0]  }
0x85: {  	s26 =	sor.u32 s20, s31;
	v10 =	vld.idx.msk [tilespmem:v2+s31+$0x0 ss:$0x1], $0xffff;
	v4 =	vshll.u32 v4, $0x1;
	v3 =	vshll.u32 v3, $0x1  }
0x86: {  	v9 =	vld [tilespmem:s26+$0x0];
	v4 =	vor.u32 $0x1, v4  }
0x87: {  	v6 =	vshll.u32 v6, $0x1;
	v5 =	vshll.u32 v5, $0x1  }
0x88: {  	v6 =	vor.u32 $0x1, v6  }
0x89: {  	v8 =	vshll.u32 v8, $0x1;
	v7 =	vshll.u32 v7, $0x1  }
0x8a: {  	v8 =	vor.u32 $0x1, v8;
	v3 =	vld.idx.msk [tilespmem:v3+s8+$0x0], $0xffff  }
0x8b: {  	v10 =	vshll.u32 v10, $0x1;
	v9 =	vshll.u32 v9, $0x1;
	v4 =	vld.idx.msk [tilespmem:v4+s8+$0x0], $0xffff  }
0x8c: {  	v10 =	vor.u32 $0x1, v10;
	v5 =	vld.idx.msk [tilespmem:v5+s8+$0x0], $0xffff  }
0x8d: {  	v6 =	vld.idx.msk [tilespmem:v6+s8+$0x0], $0xffff  }
0x8e: {  	v7 =	vld.idx.msk [tilespmem:v7+s8+$0x0], $0xffff  }
0x8f: {  	v8 =	vld.idx.msk [tilespmem:v8+s8+$0x0], $0xffff  }
0x90: {  	v9 =	vld.idx.msk [tilespmem:v9+s8+$0x0], $0xffff  }
0x91: {  	v10 =	vld.idx.msk [tilespmem:v10+s8+$0x0], $0xffff;
	v3 =	vadd.f32 v4, v3  }
0x92: {  	v55 =	vadd.f32 v6, v5  }
0x93: {  	v56 =	vmul.f32 $2.000000030e-01, v3  }
0x94: {  	vm0 =	vge.f32 v3, $0.0e+00;
	v58 =	vmul.f32 $2.000000030e-01, v55  }
0x95: {  	v57 =	vadd.f32 v8, v7;
	vm13 =	vge.f32 v55, $0.0e+00;
	v3 =	vsel vm0, v3, v56  }
0x96: {  	v59 =	vadd.f32 v10, v9;
	v3 =	vmul.f32 $1.442695020e+00, v3;
	v4 =	vsel vm13, v55, v58  }
0x97: {  	v8 =	vmul.f32 $2.000000030e-01, v57;
	v4 =	vmul.f32 $1.442695020e+00, v4  }
0x98: {  	vm14 =	vge.f32 v57, $0.0e+00;
	v60 =	vmul.f32 $2.000000030e-01, v59;
	(erf) = vpow2.f32 v3  }
0x99: {  	vm15 =	vge.f32 v59, $0.0e+00;
	v6 =	vsel vm14, v57, v8;
	(erf) = vpow2.f32 v4  }
0x9a: {  	v61 =	vmul.f32 $1.442695020e+00, v6;
	v3 =	vsel vm15, v59, v60  }
0x9b: {  	v3 =	vmul.f32 $1.442695020e+00, v3  }
0x9c: {  	(erf) = vpow2.f32 v61  }
0x9d: {  	(erf) = vpow2.f32 v3;
	_ =	sdelay $0x2  }
0x9e: {  	s28 =	sor.u32 s21, s28  }
0x9f: {  	p1 =	slt.u32 s28, $0x50910;
	s28 =	sor.u32 s21, s29;
	v3 =	vpop (erf)  }
0xa0: {  	p2 =	slt.u32 s28, $0x50910;
	v4 =	vpop (erf);
	v3 =	vpsel !p1, $0x0, v3  }
0xa1: {  	[tilespmem:s25+$0x9F20] =	vst v3;
	v3 =	vpsel !p2, $0x0, v4;
	p2 =	por p0, p0  }
.Ltmp1:
0xa2: {  	s28 =	sor.u32 s21, s30;
	(pc) =	sbr.rel @p2 .LBB2_5-.Ltmp1, $4  }
0xa3: {  	s31 =	sor.u32 s21, s31;
	p5 =	slt.u32 s28, $0x50910;
	v62 =	vpop (erf)  }
0xa4: {  	p6 =	slt.u32 s31, $0x50910;
	[tilespmem:s24+$0x9F20] =	vst v3;
	v3 =	vpsel !p5, $0x0, v62;
	v63 =	vpop (erf)  }
0xa5: {  	[tilespmem:s22+$0x9F20] =	vst v3;
	v3 =	vpsel !p6, $0x0, v63  }
0xa6: {  	s28 =	simm.s32 $0x40;
	p0 =	por $0x0, $0x0;
	[tilespmem:s26+$0x9F20] =	vst v3  }
0xa7: {  	s20 =	sand.u32 $0x3FFFFF80, s20;
	p0 =	slt.u32 s23, $0x4  }
0xa8: {  	s24 =	sadd.s32 $0x9F20, s20;
	s20 =	sadd.s32 $0x2880, s20;
	s22 =	simm.s32 @!p0 $0x5  }
0xa9: {  	[spmem:s4] =	stream.indirect.scatter.add.f32 [tilespmem:s24], [sflag:$0x5], $0x1, s20, s9, $0xb8;
	[tilespmem:$0x13A60] =	vst v63  }
0xaa: {  	_ =	swait.ge @!p0 [sflag:s22], $0x80  }
0xab: {  	[sflag:s22] =	ssyncset.done @!p0 $0x0  }
0xac: {  	s21 =	sand.u32 $0x1, s23;
	[sflag:s22] =	ssyncadd.s32 @!p0 $0xFFFFFF80;
	p0 =	seq.s32 s23, $0x0  }
0xad: {  	s31 =	sadd.s32 $0x1, s21;
	p1 =	seq.s32 @!p0 s23, $0x50  }
0xae: {  	_ =	swait.ge [sflag:s31], $0x1000;
	p1 =	por p0, !p1  }
.Ltmp2:
0xaf: {  	s25 =	sxor.u32 $0x1, s21;
	[sflag:s31] =	ssyncset.done $0x0;
	(pc) =	sbr.rel @!p1 .LBB2_8-.Ltmp2, $4  }
0xb0: {  	s22 =	sadd.s32 @!p0 $0x3, s25;
	[sflag:s31] =	ssyncadd.s32 $0xFFFFF000  }
0xb1: {  	_ =	swait.ge @!p0 [sflag:s22], $0x1000  }
0xb2: {  	[sflag:s22] =	ssyncset.done @!p0 $0x0  }
0xb3: {  	[sflag:s22] =	ssyncadd.s32 @!p0 $0xFFFFF000;
	s22 =	simm.s32 @!p0 $0x51  }
0xb4: {  	s22 =	sadd.s32 @!p0 $0x1, s23  }
0xb5: {  	s22 =	simm.s32 @p0 $0x1  }
0xb6: {  	s30 =	sshll.u32 s25, $0xC;
	s26 =	sshll.u32 s22, $0x7  }
0xb7: {  	s31 =	sadd.s32 $0x1, s25;
	s23 =	sor.u32 $0xC7A0, s30;
	s26 =	sand.u32 $0x3FFFFF80, s26  }
0xb8: {  	[tilespmem:s23], [sflag:s31] =	stream.indirect.gather [hbm4b:s1+s9], $0x20, s26, s9, $0xb8;
	[tilespmem:$0x13A60] =	vst v63  }
.LBB2_8:
0xb9: {  	v2 =	vmov s24;
	s25 =	sshll.u32 s21, $0xC  }
0xba: {  	s23 =	sor.u32 $0xC820, s25  }
0xbb: {  	v3 =	vld [tilespmem:s23+$0x30]  }
0xbc: {  	s24 =	simm.s32 $0x0;
	v8 =	vld [tilespmem:s23+$0xFFFFFFE0]  }
0xbd: {  	s26 =	sand.u32 $0x70, s24;
	v4 =	vld [tilespmem:s23+$0x60]  }
0xbe: {  	v12 =	vld.idx.msk [tilespmem:v2+s26+$0x0 ss:$0x1], $0xffff  }
0xbf: {  	v19 =	vld [tilespmem:s23+$0x50]  }
0xc0: {  	s28 =	simm.s32 $0x2;
	s29 =	simm.s32 $0x3;
	v5 =	vld [tilespmem:s23+$0x40]  }
0xc1: {  	s30 =	simm.s32 $0x4;
	s31 =	simm.s32 $0x7;
	s28 =	sand.u32 $0xA, s28;
	v6 =	vld [tilespmem:s23+$0xFFFFFFD0]  }
0xc2: {  	s0 =	simm.s32 $0x1;
	s5 =	sand.u32 $0x8, s24;
	s10 =	sand.u32 $0xC, s30;
	v11 =	vmov s31;
	v7 =	vmov s28;
	v9 =	vld [tilespmem:s23+$0xFFFFFFC0]  }
0xc3: {  	s0 =	sand.u32 $0x9, s0;
	s29 =	sand.u32 $0xB, s29;
	v10 =	vmov s5;
	v13 =	vld [tilespmem:s23+$0xFFFFFFA0];
	v14 =	vmov s10;
	v7 =	vperm.xlane v12, v7  }
0xc4: {  	s13 =	simm.s32 $0x6;
	v17 =	vld [tilespmem:s23+$0xFFFFFFB0];
	v16 =	vmov s29;
	v15 =	vperm.xlane v12, v11;
	v11 =	vmov s0  }
0xc5: {  	s30 =	sand.u32 $0xE, s13;
	v20 =	vld [tilespmem:s23+$0xFFFFFFF0];
	v16 =	vperm.xlane v12, v16;
	v25 =	vperm.xlane v12, v10;
	v7 =	vpack.i.f32.bf16 v7, v7  }
0xc6: {  	s31 =	simm.s32 $0x5;
	v18 =	vmov s30;
	v10 =	vld [tilespmem:s23+$0xFFFFFF90];
	v21 =	vperm.xlane v12, v11;
	v22 =	vmul.bf16 v6, v7  }
0xc7: {  	s0 =	sand.u32 $0xD, s31;
	v18 =	vperm.xlane v12, v18;
	v24 =	vpack.i.f32.bf16 v16, v16;
	v23 =	vmul.bf16 v9, v7;
	v9 =	vld [tilespmem:s23+$0x70]  }
0xc8: {  	v11 =	vmov s0;
	v7 =	vld [tilespmem:s23+$0xFFFFFF80];
	v21 =	vpack.i.f32.bf16 v21, v21;
	v63 =	vmul.bf16 v8, v24;
	[tilespmem:s23+$0xFFFFFFD0] =	vst v22  }
0xc9: {  	v11 =	vperm.xlane v12, v11;
	v16 =	vpack.i.f32.bf16 v18, v18;
	v6 =	vld [tilespmem:s23+$0x20];
	v26 =	vmul.bf16 v17, v21;
	[tilespmem:s23+$0xFFFFFFC0] =	vst v23  }
0xca: {  	v15 =	vpack.i.f32.bf16 v15, v15;
	v8 =	vld [tilespmem:s23+$0x10];
	v18 =	vmul.bf16 v20, v24;
	v17 =	vperm.xlane v12, v14;
	[tilespmem:s23+$0xFFFFFFE0] =	vst v63  }
0xcb: {  	s25 =	sor.u32 $0xC7A0, s25;
	s26 =	sadd.s32 $0x100, s23;
	v19 =	vmul.bf16 v19, v16;
	v12 =	vpack.i.f32.bf16 v25, v25;
	v13 =	vmul.bf16 v13, v21;
	v14 =	vld [tilespmem:s23+$0x0];
	[tilespmem:s23+$0xFFFFFFB0] =	vst v26  }
.LBB2_9:
0xcc: {  	v20 =	vld [tilespmem:s26+$0x30];
	[tilespmem:s23+$0xFFFFFFF0] =	vst v18;
	v17 =	vpack.i.f32.bf16 v17, v17;
	v5 =	vmul.bf16 v5, v16;
	v16 =	vmul.bf16 v4, v15;
	s0 =	smov.u32 s24;
	s24 =	sadd.s32 $0x8, s24  }
0xcd: {  	v4 =	vpack.i.f32.bf16 v11, v11;
	v9 =	vmul.bf16 v9, v15;
	s28 =	sand.u32 $0x8, s24;
	s29 =	sand.u32 $0x70, s24;
	v18 =	vld [tilespmem:s26+$0xFFFFFFE0];
	p0 =	slt.u32 s24, $0x78;
	v7 =	vmul.bf16 v7, v12;
	[tilespmem:s23+$0x50] =	vst v19  }
0xce: {  	v6 =	vmul.bf16 v6, v4;
	v11 =	vmul.bf16 v3, v4;
	v15 =	vld.idx.msk [tilespmem:v2+s29+$0x0 ss:$0x1], $0xffff;
	[tilespmem:s23+$0x40] =	vst v5  }
0xcf: {  	v4 =	vld [tilespmem:s26+$0x60];
	v10 =	vmul.bf16 v10, v12;
	[tilespmem:s23+$0x70] =	vst v9  }
0xd0: {  	s30 =	sadd.s32 $0xA, s0;
	s13 =	sadd.s32 $0xE, s0;
	s29 =	sadd.s32 $0xB, s0;
	v19 =	vld [tilespmem:s26+$0x50];
	[tilespmem:s23+$0xFFFFFFA0] =	vst v13;
	v9 =	vmul.bf16 v14, v17  }
0xd1: {  	s31 =	sadd.s32 $0xC, s0;
	s5 =	sadd.s32 $0xF, s0;
	v8 =	vmul.bf16 v8, v17;
	s13 =	sand.u32 $0xE, s13;
	v5 =	vld [tilespmem:s26+$0x40];
	[tilespmem:s23+$0x20] =	vst v6;
	v3 =	vmov v20  }
0xd2: {  	s10 =	sadd.s32 $0x9, s0;
	s30 =	sand.u32 $0xA, s30;
	v12 =	vmov s28;
	v22 =	vmov s13;
	v6 =	vld [tilespmem:s26+$0xFFFFFFD0];
	[tilespmem:s23+$0x0] =	vst v9  }
0xd3: {  	s10 =	sand.u32 $0x9, s10;
	s28 =	sand.u32 $0xC, s31;
	v14 =	vmov s5;
	v9 =	vmov s30;
	v13 =	vld [tilespmem:s26+$0xFFFFFFC0];
	[tilespmem:s23+$0x10] =	vst v8  }
0xd4: {  	s5 =	sand.u32 $0xB, s29;
	v17 =	vmov s28;
	v8 =	vperm.xlane v15, v9;
	v14 =	vperm.xlane v15, v14;
	v20 =	vld [tilespmem:s26+$0xFFFFFFA0];
	[tilespmem:s23+$0x60] =	vst v16  }
0xd5: {  	s0 =	sadd.s32 $0xD, s0;
	v9 =	vmov s10;
	v16 =	vmov s5;
	v21 =	vld [tilespmem:s26+$0xFFFFFFB0];
	[tilespmem:s23+$0x30] =	vst v11  }
0xd6: {  	s0 =	sand.u32 $0xD, s0;
	v23 =	vperm.xlane v15, v9;
	v8 =	vpack.i.f32.bf16 v8, v8;
	v9 =	vperm.xlane v15, v16;
	v24 =	vld [tilespmem:s26+$0xFFFFFFF0];
	[tilespmem:s23+$0xFFFFFF80] =	vst v7  }
0xd7: {  	v22 =	vperm.xlane v15, v22;
	v7 =	vmov s0;
	v16 =	vmul.bf16 v6, v8;
	v6 =	vld [tilespmem:s26+$0x20];
	[tilespmem:s23+$0xFFFFFF90] =	vst v10;
	s23 =	smov.u32 s26  }
.Ltmp3:
0xd8: {  	v11 =	vperm.xlane v15, v7;
	v8 =	vmul.bf16 v13, v8;
	v13 =	vpack.i.f32.bf16 v9, v9;
	v9 =	vld [tilespmem:s26+$0x70];
	(pc) =	sbr.rel @p0 .LBB2_9-.Ltmp3, $4  }
0xd9: {  	v23 =	vpack.i.f32.bf16 v23, v23;
	v7 =	vld [tilespmem:s26+$0xFFFFFF80];
	[tilespmem:s26+$0xFFFFFFD0] =	vst v16;
	v18 =	vmul.bf16 v18, v13;
	v16 =	vpack.i.f32.bf16 v22, v22  }
0xda: {  	v12 =	vperm.xlane v15, v12;
	v21 =	vmul.bf16 v21, v23;
	[tilespmem:s26+$0xFFFFFFC0] =	vst v8;
	v8 =	vld [tilespmem:s26+$0x10]  }
0xdb: {  	v17 =	vperm.xlane v15, v17;
	v15 =	vpack.i.f32.bf16 v14, v14;
	v10 =	vld [tilespmem:s26+$0xFFFFFF90];
	[tilespmem:s26+$0xFFFFFFE0] =	vst v18;
	v18 =	vmul.bf16 v24, v13  }
0xdc: {  	v12 =	vpack.i.f32.bf16 v12, v12;
	v19 =	vmul.bf16 v19, v16;
	v13 =	vmul.bf16 v20, v23;
	s26 =	sadd.s32 $0x100, s26;
	[tilespmem:s23+$0xFFFFFFB0] =	vst v21;
	v14 =	vld [tilespmem:s23+$0x0]  }
0xdd: {  	[tilespmem:s23+$0xFFFFFFF0] =	vst v18  }
0xde: {  	v2 =	vmul.bf16 v5, v16;
	[tilespmem:s23+$0x50] =	vst v19  }
0xdf: {  	v60 =	vmul.bf16 v9, v15;
	[tilespmem:s23+$0xFFFFFFA0] =	vst v13  }
0xe0: {  	v61 =	vpack.i.f32.bf16 v11, v11;
	v4 =	vmul.bf16 v4, v15;
	[tilespmem:s23+$0x40] =	vst v2  }
0xe1: {  	v6 =	vmul.bf16 v6, v61;
	[tilespmem:s23+$0x70] =	vst v60  }
0xe2: {  	v3 =	vmul.bf16 v3, v61;
	[tilespmem:s23+$0x60] =	vst v4  }
0xe3: {  	v2 =	vpack.i.f32.bf16 v17, v17;
	[tilespmem:s23+$0x20] =	vst v6;
	v63 =	vmul.bf16 v10, v12  }
0xe4: {  	p0 =	slt.u32 s22, $0x51;
	[tilespmem:s23+$0x30] =	vst v3;
	v62 =	vmul.bf16 v14, v2;
	v2 =	vmul.bf16 v8, v2  }
.Ltmp4:
0xe5: {  	[tilespmem:s23+$0xFFFFFF90] =	vst v63;
	(pc) =	sbr.rel @p0 .LBB2_4-.Ltmp4, $4  }
0xe6: {  	[tilespmem:s23+$0x10] =	vst v2;
	v2 =	vmul.bf16 v7, v12  }
0xe7: {  	[tilespmem:s23+$0x0] =	vst v62  }
0xe8: {  	s0 =	sadd.s32 $0x3, s21;
	[tilespmem:s23+$0xFFFFFF80] =	vst v2;
	s23 =	smov.u32 s22  }
0xe9: {  	[spmem:s2] =	stream.indirect.scatter.add.bf16 [tilespmem:s25], [sflag:s0], $0x20, s20, s9, $0xb8;
	[tilespmem:$0x13A60] =	vst v63  }
0xea: {  	s0 =	simm.s32 $0x3  }
0xeb: {  	_ =	swait.ge [sflag:s0], $0x1000  }
0xec: {  	[sflag:s0] =	ssyncset.done $0x0  }
0xed: {  	[sflag:s0] =	ssyncadd.s32 $0xFFFFF000  }
0xee: {  	_ =	swait.ge [sflag:s11], $0x80  }
0xef: {  	[sflag:s11] =	ssyncset.done $0x0  }
0xf0: {  	[sflag:s11] =	ssyncadd.s32 $0xFFFFFF80  }
0xf1: {  	_ =	swait.ge [sflag:s11], $0x80  }
0xf2: {  	[sflag:s11] =	ssyncset.done $0x0  }
0xf3: {  	[sflag:s11] =	ssyncadd.s32 $0xFFFFFF80  }
0xf4: {  	_ =	swait.ge [sflag:s11], $0x80  }
0xf5: {  	[sflag:s11] =	ssyncset.done $0x0  }
0xf6: {  	[sflag:s11] =	ssyncadd.s32 $0xFFFFFF80  }
0xf7: {  	_ =	swait.ge [sflag:s11], $0x80  }
0xf8: {  	s28 =	simm.s32 $0x0;
	[sflag:s11] =	ssyncset.done $0x0  }
0xf9: {  	s10 =	simm.s32 $0x9F20;
	s5 =	rddreg [dreg:$0x12];
	[sflag:s11] =	ssyncadd.s32 $0xFFFFFF80  }
0xfa: {  	[hbm4b:s5+s28] =	stream.linear.scatter [tilespmem:s10], [sflag:$0x6], $0x2880, $0x38;
	[tilespmem:$0x13A60] =	vst v63  }
0xfb: {  	_ =	swait.ge [sflag:s6], $0x2880  }
0xfc: {  	[sflag:s6] =	ssyncset.done $0x0  }
0xfd: {  	s29 =	stileid.u32;
	[sflag:s6] =	ssyncadd.s32 $0xFFFFD780  }
0xfe: {  	s0 =	sshll.u32 s29, $0x6;
	[bflag:$0x0] =	sbarrier.arrive $0xFFFF  }
0xff: {  	s30 =	sshrl.u32 s14, $0x3;
	s0 =	sor.u32 $0x1C06, s0;
	s31 =	rddreg [dreg:$0x5]  }
0x100: {  	[hbm:s31], [sflag:s0] =	dma.local [spmem:s30], $0x200  }
0x101: {  	_ =	swait.ge [sflag:s6], $0x200  }
0x102: {  	s13 =	smov.u32 s14;
	[sflag:s6] =	ssyncset.done $0x0  }
0x103: {  	s10 =	sshrl.u32 s15, $0x3;
	s14 =	rddreg [dreg:$0x6];
	[sflag:s6] =	ssyncadd.s32 $0xFFFFFE00  }
0x104: {  	[hbm:s14], [sflag:s0] =	dma.local [spmem:s10], $0x200  }
0x105: {  	_ =	swait.ge [sflag:s6], $0x200  }
0x106: {  	s23 =	smov.u32 s15;
	s24 =	smov.u32 s16;
	[sflag:s6] =	ssyncset.done $0x0  }
0x107: {  	s15 =	sshrl.u32 s16, $0x3;
	s16 =	rddreg [dreg:$0x7];
	[sflag:s6] =	ssyncadd.s32 $0xFFFFFE00  }
0x108: {  	[hbm:s16], [sflag:s0] =	dma.local [spmem:s15], $0x200  }
0x109: {  	_ =	swait.ge [sflag:s6], $0x200  }
0x10a: {  	[sflag:s6] =	ssyncset.done $0x0  }
0x10b: {  	s20 =	sshrl.u32 s17, $0x3;
	s21 =	rddreg [dreg:$0x8];
	[sflag:s6] =	ssyncadd.s32 $0xFFFFFE00  }
0x10c: {  	[hbm:s21], [sflag:s0] =	dma.local [spmem:s20], $0x200  }
0x10d: {  	_ =	swait.ge [sflag:s6], $0x200  }
0x10e: {  	[sflag:s6] =	ssyncset.done $0x0  }
0x10f: {  	s22 =	sshrl.u32 s18, $0x3;
	s28 =	rddreg [dreg:$0x9];
	[sflag:s6] =	ssyncadd.s32 $0xFFFFFE00  }
0x110: {  	[hbm:s28], [sflag:s0] =	dma.local [spmem:s22], $0x200  }
0x111: {  	_ =	swait.ge [sflag:s6], $0x200  }
0x112: {  	[sflag:s6] =	ssyncset.done $0x0;
	s10 =	rddreg [dreg:$0xb]  }
0x113: {  	s30 =	rddreg [dreg:$0x13];
	[sflag:s6] =	ssyncadd.s32 $0xFFFFFE00;
	s29 =	sshrl.u32 s10, $0x3  }
0x114: {  	[hbm:s30], [sflag:s0] =	dma.local [spmem:s29], $0x50  }
0x115: {  	_ =	swait.ge [sflag:s6], $0x50  }
0x116: {  	s19 =	sadd.s32 $0x1, s19;
	s31 =	rddreg [dreg:$0x14]  }
0x117: {  	p0 =	sne.s32 s19, s31  }
.Ltmp5:
0x118: {  	_ = 	snop;
	(pc) =	sbr.rel @p0 .LBB2_1-.Ltmp5, $3  }
0x119: {  	_ =	sdelay $0x1  }
0x11a: {  	[sflag:s6] =	ssyncset.done $0x0  }
0x11b: {  	s25 =	smov.u32 s17;
	s26 =	smov.u32 s18;
	[sflag:s6] =	ssyncadd.s32 $0xFFFFFFB0  }
0x11c: {  	_ =	sfence.sel $0x180000  }
0x11d: {  	[bflag:$0x0] =	sbarrier.arrive $0xFFFF  }
0x11e: {  	_ =	strace $0x90000047  }
0x11f: {  	s0 =	stileid.u32;
	[bflag:$0x2] =	sbarrier.arrive $0xFFFF  }
0x120: {  	p0 =	sne.s32 s0, $0x0;
	s0 =	rddreg [dreg:$0x4]  }
0x121: {  	s0 =	sadd.s32 @!p0 $0x100000, s0  }
0x122: {  	[sflag:s0] =	ssyncadd.tile.s32 @!p0 $0x1;
	_ =	shalt  }
.Lfunc_end2:
_tile_overlayer_lowered:
.L_overlay_start_2:
0x123: {  	(tag) =	ssettag $0x2  }
0x124: {  	s0 =	rddreg [dreg:$0x0];
	s2 =	stileid.u32  }
0x125: {  	s1 =	rddreg [dreg:$0x1];
	p0 =	sne.s32 s2, $0x0  }
0x126: {  	s3 =	rddreg [dreg:$0x2];
	[bflag:$0x3] =	sbarrier.arrive $0xFFFF;
	s2 =	simm.s32 @!p0 $0x1C06  }
0x127: {  	[timem:s3], [sflag:s2] =	dma.local @!p0 [hbm:s0], s1  }
0x128: {  	s0 =	simm.s32 @!p0 $0x6  }
0x129: {  	_ =	swait.ge @!p0 [sflag:s0], s1  }
0x12a: {  	s1 =	ssub.s32 @!p0 $0x0, s1;
	[sflag:s0] =	ssyncset.done @!p0 $0x0  }
0x12b: {  	[sflag:s0] =	ssyncadd.s32 @!p0 s1  }
0x12c: {  	[bflag:$0x3] =	sbarrier.arrive $0xFFFF  }
0x12d: {  	_ =	shalt  }

// kernel: kernel.9.cloned.1.call-start
scs
__scs_entry_jumppad:
0x0: {  	(pc) =	sbr.rel $0x88, $3  }
0x1: {  	(tag) =	ssettag $0x0;
	lr =	simm.s32 $0x1  }
0x2: {  	[smem:$0x3F94] =	sst lr;
	_ =	strace $0xD0000000  }
0x3: {  	_ = 	snop  }
0x4: {  	_ = 	snop  }
0x5: {  	_ = 	snop  }
0x6: {  	_ = 	snop  }
0x7: {  	_ = 	snop  }
__scs_overlays_trampoline_lowered:
0x8: {  	[smem:$0x3FA3] =	sst s0  }
0x9: {  	[smem:$0x3FA4] =	sst s1  }
0xa: {  	[smem:$0x3FA5] =	sst s2  }
0xb: {  	[smem:$0x3FA6] =	sst s3  }
0xc: {  	[smem:$0x3FA7] =	sst s4  }
0xd: {  	[smem:$0x3FA8] =	sst s5  }
0xe: {  	[smem:$0x3FA9] =	sst s6  }
0xf: {  	[smem:$0x3FAA] =	sst s7  }
0x10: {  	[smem:$0x3FAB] =	sst s8  }
0x11: {  	[smem:$0x3FAC] =	sst s9;
	s0 =	simm.s32 @!p0 $0x0  }
0x12: {  	s1 =	sld [smem:$0x3F92];
	s0 =	simm.s32 @p0 $0x1  }
0x13: {  	[smem:$0x3FAD] =	sst s0;
	s0 =	simm.s32 @!p1 $0x0  }
0x14: {  	s2 =	sld [smem:$0x3F91];
	s0 =	simm.s32 @p1 $0x1  }
0x15: {  	[smem:$0x3FAE] =	sst s0;
	s0 =	simm.s32 @!p2 $0x0  }
0x16: {  	s3 =	sld [smem:$0x3FDB];
	s0 =	simm.s32 @p2 $0x1  }
0x17: {  	s4 =	simm.s32 $0x1BF5;
	[smem:$0x3FB0] =	sst s0  }
0x18: {  	s0 =	sld [smem:$0x3F93];
	_ =	swait.ge [sflag:s4], $0x0  }
0x19: {  	s7 =	sld [smem:$0x3F94]  }
0x1a: {  	s8 =	sadd.s32 $0xFFFFE003, lr  }
0x1b: {  	s9 =	sadd.s32 $0xFFFFFEF7, lr;
	s5 =	simm.s32 $0xFFFFFFFF;
	p2 =	slt.u32 s8, $0xFFFFF086  }
0x1c: {  	p1 =	slt.u32 s9, $0xF7A;
	s5 =	simm.s32 @!p2 $0x0  }
0x1d: {  	s5 =	simm.s32 @p1 $0x1;
	p0 =	seq.s32 s7, s2  }
0x1e: {  	s7 =	smul.u32 @!p0 $0xF7A, s2;
	p2 =	seq.s32 @!p0 s5, $0x0  }
0x1f: {  	s9 =	smul.u32 $0xF7A, s1;
	s8 =	simm.s32 @!p0 $0x1BF5;
	p2 =	por !p2, p0  }
0x20: {  	[sflag:s8] =	ssyncset.s32 @!p0 $0xFFFFF086;
	s6 =	sadd.s32 @!p0 s3, s7;
	s7 =	simm.s32 @!p0 $0x108  }
0x21: {  	s3 =	sadd.s32 s3, s9;
	s6 =	sadd.s32 @!p0 $0x88, s6;
	s7 =	simm.s32 @p2 $0x1082  }
0x22: {  	[simem:s7], [sflag:s8] =	dma.local @!p0 [hbm:s6], $0xF7A  }
0x23: {  	s9 =	sor.u32 $0xD0000000, s2;
	s6 =	simm.s32 $0x108;
	_ =	swait.ge @!p0 [sflag:s8], $0x0  }
0x24: {  	s3 =	sadd.s32 $0x88, s3;
	s6 =	simm.s32 @!p1 $0x1082;
	[sflag:s4] =	ssyncset.s32 $0xFFFFF086  }
0x25: {  	[simem:s6], [sflag:s4] =	dma.local [hbm:s3], $0xF7A  }
0x26: {  	[smem:$0x3F94] =	sst s1;
	(tag) =	ssettag s2;
	_ =	strace s9  }
0x27: {  	s1 =	sld [smem:$0x3FA4]  }
0x28: {  	s2 =	sld [smem:$0x3FA5]  }
0x29: {  	s4 =	sld [smem:$0x3FA7]  }
0x2a: {  	p0 =	seq.s32 s5, $0x0;
	s5 =	sld [smem:$0x3FA8]  }
0x2b: {  	s6 =	sld [smem:$0x3FA9]  }
0x2c: {  	s7 =	sld [smem:$0x3FAA]  }
0x2d: {  	s3 =	simm.s32 $0x108;
	s8 =	sld [smem:$0x3FAB]  }
0x2e: {  	s3 =	simm.s32 @!p0 $0x1082;
	s9 =	sld [smem:$0x3FAC]  }
0x2f: {  	lr =	sadd.s32 s0, s3;
	s0 =	sld [smem:$0x3FA3]  }
0x30: {  	s3 =	sld [smem:$0x3FA6]  }
0x31: {  	[smem:$0x3FAF] =	sst s10  }
0x32: {  	s10 =	sld [smem:$0x3FAD];
	_ =	sdelay $0x3  }
0x33: {  	p0 =	seq.s32 s10, $0x1;
	s10 =	sld [smem:$0x3FAF];
	_ =	sdelay $0x3  }
0x34: {  	[smem:$0x3FAF] =	sst s10  }
0x35: {  	s10 =	sld [smem:$0x3FAE];
	_ =	sdelay $0x3  }
0x36: {  	p1 =	seq.s32 s10, $0x1;
	s10 =	sld [smem:$0x3FAF];
	_ =	sdelay $0x3  }
0x37: {  	[smem:$0x3FAF] =	sst s10  }
0x38: {  	s10 =	sld [smem:$0x3FB0]  }
0x39: {  	_ = 	snop;
	(pc) =	sbr.ind lr, $3  }
0x3a: {  	_ = 	snop  }
0x3b: {  	_ = 	snop  }
0x3c: {  	p2 =	seq.s32 s10, $0x1;
	s10 =	sld [smem:$0x3FAF]  }
0x3d: {  	_ =	shalt  }
0x3e: {  	_ =	shalt  }
0x3f: {  	_ =	shalt  }
0x40: {  	_ =	shalt  }
0x41: {  	_ =	shalt  }
0x42: {  	_ =	shalt  }
0x43: {  	_ =	shalt  }
0x44: {  	_ =	shalt  }
0x45: {  	_ =	shalt  }
0x46: {  	_ =	shalt  }
0x47: {  	_ =	shalt  }
0x48: {  	_ =	shalt  }
0x49: {  	_ =	shalt  }
0x4a: {  	_ =	shalt  }
0x4b: {  	_ =	shalt  }
0x4c: {  	_ =	shalt  }
0x4d: {  	_ =	shalt  }
0x4e: {  	_ =	shalt  }
0x4f: {  	_ =	shalt  }
0x50: {  	_ =	shalt  }
0x51: {  	_ =	shalt  }
0x52: {  	_ =	shalt  }
0x53: {  	_ =	shalt  }
0x54: {  	_ =	shalt  }
0x55: {  	_ =	shalt  }
0x56: {  	_ =	shalt  }
0x57: {  	_ =	shalt  }
0x58: {  	_ =	shalt  }
0x59: {  	_ =	shalt  }
0x5a: {  	_ =	shalt  }
0x5b: {  	_ =	shalt  }
0x5c: {  	_ =	shalt  }
0x5d: {  	_ =	shalt  }
0x5e: {  	_ =	shalt  }
0x5f: {  	_ =	shalt  }
0x60: {  	_ =	shalt  }
0x61: {  	_ =	shalt  }
0x62: {  	_ =	shalt  }
0x63: {  	_ =	shalt  }
0x64: {  	_ =	shalt  }
0x65: {  	_ =	shalt  }
0x66: {  	_ =	shalt  }
0x67: {  	_ =	shalt  }
0x68: {  	_ =	shalt  }
0x69: {  	_ =	shalt  }
0x6a: {  	_ =	shalt  }
0x6b: {  	_ =	shalt  }
0x6c: {  	_ =	shalt  }
0x6d: {  	_ =	shalt  }
0x6e: {  	_ =	shalt  }
0x6f: {  	_ =	shalt  }
0x70: {  	_ =	shalt  }
0x71: {  	_ =	shalt  }
0x72: {  	_ =	shalt  }
0x73: {  	_ =	shalt  }
0x74: {  	_ =	shalt  }
0x75: {  	_ =	shalt  }
0x76: {  	_ =	shalt  }
0x77: {  	_ =	shalt  }
0x78: {  	_ =	shalt  }
0x79: {  	_ =	shalt  }
0x7a: {  	_ =	shalt  }
0x7b: {  	_ =	shalt  }
0x7c: {  	_ =	shalt  }
0x7d: {  	_ =	shalt  }
0x7e: {  	_ =	shalt  }
0x7f: {  	_ =	shalt  }
0x80: {  	_ =	shalt  }
0x81: {  	_ =	shalt  }
0x82: {  	_ =	shalt  }
0x83: {  	_ =	shalt  }
0x84: {  	_ =	shalt  }
0x85: {  	_ =	shalt  }
0x86: {  	_ =	shalt  }
0x87: {  	_ =	shalt  }
.Lfunc_end0:
.L_simem_size_0:
called_computation.1_lowered:
.L_overlay_start_0:
0x88: {  	s2 =	sld [smem:$0x3FD9]  }
0x89: {  	s3 =	sld [smem:$0x3FFE];
	_ =	sdelay $0x1  }
0x8a: {  	s1 =	srdreg.scid  }
0x8b: {  	s0 =	sand.u32 $0x1, s1  }
0x8c: {  	s14 =	sshll.u32 s0, $0xA;
	s2 =	sadd.s32 s3, s2  }
0x8d: {  	s2 =	sadd.s32 s2, s14  }
0x8e: {  	[smem:$0x3FBB] =	sst s2  }
0x8f: {  	_ = 	snop  }
0x90: {  	s2 =	sld [smem:$0x3FD0];
	_ =	sdelay $0x2  }
0x91: {  	s15 =	simm.s32 $0xA;
	s4 =	simm.s32 $0x10  }
0x92: {  	[smem:s4], [sflag:s15] =	dma.local [hbm:s2], $0x1  }
0x93: {  	_ =	swait.eq [sflag:s15], $0x1  }
0x94: {  	[sflag:s15] =	ssyncset.done $0x0  }
0x95: {  	[sflag:s15] =	ssyncadd.s32 $0xFFFFFFFF  }
0x96: {  	s16 =	sld [smem:$0x11];
	(tm) =	ssettm $0x1  }
0x97: {  	s17 =	sld [smem:$0x3FFB];
	_ =	sdelay $0x3  }
0x98: {  	_ =	strace s17  }
0x99: {  	s3 =	sld [smem:$0x3FFC];
	_ =	sdelay $0x3  }
0x9a: {  	_ =	strace s3  }
0x9b: {  	s3 =	sld [smem:$0x3FFD];
	_ =	sdelay $0x3  }
0x9c: {  	_ =	strace s3  }
0x9d: {  	_ =	strace $0x8FFFFFFF  }
0x9e: {  	s18 =	sld [smem:$0x3FDB];
	_ =	sdelay $0x1  }
0x9f: {  	s19 =	simm.s32 $_scs_section_size  }
0xa0: {  	s5 =	simm.s32 $_size__tile_overlayer_lowered;
	s6 =	simm.s32 $_tile_overlayer_lowered  }
0xa1: {  	s22 =	simm.s32 $0x1BFF;
	s21 =	sshll.u32 s6, $0x1;
	s3 =	sadd.s32 s19, s18  }
0xa2: {  	s7 =	simm.s32 $0x0;
	s20 =	sshll.u32 s5, $0x1;
	s5 =	sadd.s32 s21, s3  }
0xa3: {  	[timem:s7], [sflag:s22] =	dma.local [hbm:s5], s20  }
0xa4: {  	_ =	swait.ge [sflag:s22], s20  }
0xa5: {  	s4 =	ssub.s32 $0x0, s20;
	[sflag:s22] =	ssyncset.done $0x0  }
0xa6: {  	[sflag:s22] =	ssyncadd.s32 s4;
	_ =	sdelay $0x1  }
0xa7: {  	s23 =	simm.s32 $0x1B8B  }
0xa8: {  	_ =	swait.ge [sflag:s23], $0x1  }
0xa9: {  	[sflag:s23] =	ssyncset.done $0x0  }
0xaa: {  	s25 =	simm.s32 $0x1B8E;
	s24 =	sld [smem:$0x3FFE];
	[sflag:s23] =	ssyncadd.s32 $0xFFFFFFFF  }
0xab: {  	s26 =	simm.s32 $execute0_lowered;
	[smem:$0x3FD2] =	sst s25  }
0xac: {  	s5 =	sshll.u32 s26, $0x1;
	_ =	strace $0x80000049;
	[dreg:$0x1] =	wrdreg $0xFFFFFFFF  }
0xad: {  	s28 =	simm.s32 $_size_execute0_lowered;
	s3 =	sadd.s32 s3, s5;
	[dreg:$0x0] =	wrdreg $0x0  }
0xae: {  	s5 =	sshll.u32 s28, $0x1;
	[dreg:$0x2] =	wrdreg s3  }
0xaf: {  	[dreg:$0x3] =	wrdreg s5  }
0xb0: {  	[dreg:$0x4] =	wrdreg $0xC0  }
0xb1: {  	_ =	task [dreg:s7], $0x5FFFF  }
0xb2: {  	[dreg:$0x1] =	wrdreg $0xFFFFFFFF  }
0xb3: {  	[dreg:$0x0] =	wrdreg $0x60  }
0xb4: {  	[dreg:$0x2] =	wrdreg s24  }
0xb5: {  	[dreg:$0x3] =	wrdreg s16  }
0xb6: {  	[dreg:$0x4] =	wrdreg $0x9  }
0xb7: {  	_ =	task.clear_ibuf [dreg:s7], $0x5FFFF;
	_ =	strace $0x90000049  }
0xb8: {  	s29 =	simm.s32 $0x9;
	_ =	strace $0x8000004B  }
0xb9: {  	_ =	swait.ge [sflag:s29], $0x1  }
0xba: {  	[sflag:s29] =	ssyncadd.s32 $0xFFFFFFFF  }
0xbb: {  	_ =	strace $0x9000004B  }
0xbc: {  	_ =	sfence  }
0xbd: {  	s30 =	sld [smem:$0x0];
	_ =	sdelay $0x2  }
0xbe: {  	s31 =	sshll.u32 s1, $0xD;
	s1 =	sshrl.u32 s1, $0x2  }
0xbf: {  	s3 =	sand.u32 $0x4000, s31;
	s1 =	sadd.s32 s1, s30  }
0xc0: {  	s0 =	sor.u32 s3, s0;
	s1 =	sshll.u32 s1, $0x11  }
0xc1: {  	s0 =	sor.u32 s1, s0  }
0xc2: {  	s0 =	sadd.s32 $0x8F2B, s0  }
0xc3: {  	[sflag:s0] =	ssyncadd.remote.s32 $0x1  }
0xc4: {  	_ =	sfence.sel $0xFFFF  }
0xc5: {  	[dreg:$0x0] =	wrdreg $0xFFFFFFFF;
	(pc) =	sbr.abs _section_cstart, $3  }
0xc6: {  	[dreg:$0x1] =	wrdreg $0xFFFFFFFF  }
0xc7: {  	_ =	task.clear_ibuf [dreg:s7], $0x2FFFF;
	_ =	strace $0x9FFFFFFF  }
0xc8: {  	(tm) =	ssettm $0x7FFFFFFF  }
0xc9: {  	_ =	shalt  }
tec
execute0_lowered:
.L_overlay_start_1:
0x0: {  	(tag) =	ssettag $0x1  }
0x1: {  	s0 =	srdreg.scid;
	s4 =	rddreg [dreg:$0x0]  }
0x2: {  	s11 =	rddreg [dreg:$0x1];
	s1 =	stileid.u32;
	s5 =	sand.u32 $0x1, s0  }
0x3: {  	s2 =	simm.s32 $0x0;
	s17 =	simm.s32 $0xC900;
	s3 =	sshll.u32 s5, $0x4  }
0x4: {  	s18 =	simm.s32 $0xF100;
	s19 =	simm.s32 $0x1;
	s9 =	sor.u32 s1, s3  }
0x5: {  	s20 =	simm.s32 $0x2;
	s0 =	rddreg [dreg:$0x2];
	s6 =	smul.u32 $0x5000, s9  }
0x6: {  	s21 =	simm.s32 $0xF240;
	[smem:$0x7FF] =	sst s2;
	s12 =	smul.u32 $0x140, s9  }
0x7: {  	_ =	strace $0x8000004A;
	s5 =	ssub.s32 $0x2, s5;
	s7 =	smul.u32 $0x510, s9  }
0x8: {  	s3 =	sadd.s32 $0x35800, s4;
	s10 =	sshrl.u32 s5, $0x1;
	s16 =	smul.u32 $0x408, s9  }
0x9: {  	s15 =	ssub.s32 s5, s10;
	s6 =	sshrl.u32 s6, $0x4;
	s31 =	sshrl.u32 s12, $0x3  }
0xa: {  	s14 =	sadd.s32 s7, s4;
	s22 =	sadd.s32 $0x5100, s12;
	s11 =	sadd.s32 s11, s16  }
0xb: {  	s12 =	smax.u32 s15, $0x1;
	s15 =	simm.s32 $0x2880;
	s16 =	simm.s32 $0xA100  }
0xc: {  	v0 =	vlaneseq.u32;
	s8 =	sadd.s32 s6, s4;
	s13 =	sadd.s32 s31, s4;
	s4 =	sadd.s32 $0x35D00, s4  }
0xd: {  	v0 =	vmul.u32 $0x2, v0;
	s5 =	sadd.s32 $0x2800, s14;
	s6 =	sadd.s32 $0x17600, s14;
	s10 =	sadd.s32 $0xCA00, s14  }
0xe: {  	v1 =	vimm.f32 $-1.000000020e+30;
	s14 =	simm.s32 $0x7900;
	v5 =	vmov s22;
	s22 =	simm.s32 $0x0;
	s7 =	sadd.s32 $0x21800, s8  }
0xf: {  	v2 =	vor.u32 $0x1, v0;
	v3 =	vor.u32 $0x20, v0;
	v4 =	vor.u32 $0x21, v0;
	s8 =	sadd.s32 $0x2B800, s8;
	s9 =	sadd.s32 $0x36200, s13;
	s13 =	simm.s32 $0x5100  }
.LBB2_1:
0x10: {  	[tilespmem:s13], [sflag:$0x1] =	stream.linear.gather [hbm4b:s3+s2], $0x2800, $0x38;
	[tilespmem:$0x11280] =	vst v63  }
0x11: {  	_ = 	snop  }
0x12: {  	[tilespmem:s14], [sflag:$0x1] =	stream.linear.gather [hbm4b:s4+s2], $0x2800, $0x38;
	[tilespmem:$0x11280] =	vst v63  }
0x13: {  	_ = 	snop  }
0x14: {  	[tilespmem:s2], [sflag:$0x1] =	stream.linear.gather [hbm4b:s5+s2], $0x2880, $0x38;
	[tilespmem:$0x11280] =	vst v63  }
0x15: {  	_ = 	snop  }
0x16: {  	[tilespmem:s15], [sflag:$0x1] =	stream.linear.gather [hbm4b:s6+s2], $0x2880, $0x38;
	[tilespmem:$0x11280] =	vst v63  }
0x17: {  	_ = 	snop  }
0x18: {  	[tilespmem:s16], [sflag:$0x1] =	stream.linear.gather [hbm4b:s7+s2], $0x2800, $0x38;
	[tilespmem:$0x11280] =	vst v63  }
0x19: {  	_ = 	snop  }
0x1a: {  	[tilespmem:s17], [sflag:$0x1] =	stream.linear.gather [hbm4b:s8+s2], $0x2800, $0x38;
	[tilespmem:$0x11280] =	vst v63  }
0x1b: {  	_ = 	snop  }
0x1c: {  	[tilespmem:s18], [sflag:$0x1] =	stream.linear.gather [hbm4b:s9+s2], $0x140, $0x38;
	[tilespmem:$0x11280] =	vst v63  }
0x1d: {  	_ =	swait.ge [sflag:s19], $0x2800  }
0x1e: {  	[sflag:s19] =	ssyncset.done $0x0  }
0x1f: {  	[sflag:s19] =	ssyncadd.s32 $0xFFFFD800  }
0x20: {  	_ =	swait.ge [sflag:s19], $0x2800  }
0x21: {  	[sflag:s19] =	ssyncset.done $0x0  }
0x22: {  	[sflag:s19] =	ssyncadd.s32 $0xFFFFD800  }
0x23: {  	_ =	swait.ge [sflag:s19], $0x2880  }
0x24: {  	[sflag:s19] =	ssyncset.done $0x0  }
0x25: {  	[sflag:s19] =	ssyncadd.s32 $0xFFFFD780  }
0x26: {  	_ =	swait.ge [sflag:s19], $0x2880  }
0x27: {  	[sflag:s19] =	ssyncset.done $0x0  }
0x28: {  	[sflag:s19] =	ssyncadd.s32 $0xFFFFD780  }
0x29: {  	_ =	swait.ge [sflag:s19], $0x2800  }
0x2a: {  	[sflag:s19] =	ssyncset.done $0x0  }
0x2b: {  	[sflag:s19] =	ssyncadd.s32 $0xFFFFD800  }
0x2c: {  	_ =	swait.ge [sflag:s19], $0x2800  }
0x2d: {  	[sflag:s19] =	ssyncset.done $0x0  }
0x2e: {  	[sflag:s19] =	ssyncadd.s32 $0xFFFFD800  }
0x2f: {  	_ =	swait.ge [sflag:s19], $0x140  }
0x30: {  	[sflag:s19] =	ssyncset.done $0x0  }
0x31: {  	s23 =	simm.s32 $0x0;
	[sflag:s19] =	ssyncadd.s32 $0xFFFFFEC0  }
0x32: {  	s24 =	simm.s32 $0x40;
	v6 =	vld [tilespmem:s23+$0x7900]  }
.LBB2_2:
0x33: {  	p0 =	sne.s32 s24, $0x9FC0;
	v7 =	vld [tilespmem:s23+$0x5100];
	_ =	sdelay $0x4  }
0x34: {  	v6 =	vadd.f32 v6, v7;
	_ =	sdelay $0x1  }
0x35: {  	v6 =	vadd.f32 $1.000000020e-16, v6;
	_ =	sdelay $0x1  }
0x36: {  	(erf) = vrcp.f32 v6;
	_ =	sdelay $0x5  }
.Ltmp0:
0x37: {  	(pc) =	sbr.rel @p0 .LBB2_2-.Ltmp0, $3  }
0x38: {  	_ =	sdelay $0x1  }
0x39: {  	s25 =	sshra.s32 s24, $0x2;
	v7 =	vpop (erf)  }
0x3a: {  	s24 =	sadd.s32 $0x40, s24;
	v6 =	vld [tilespmem:s25+$0x7900];
	[tilespmem:s23+$0x5100] =	vst v7;
	s23 =	smov.u32 s25  }
0x3b: {  	v7 =	vld [tilespmem:s23+$0x5100];
	_ =	sdelay $0x4  }
0x3c: {  	v6 =	vadd.f32 v6, v7;
	_ =	sdelay $0x1  }
0x3d: {  	v6 =	vadd.f32 $1.000000020e-16, v6;
	_ =	sdelay $0x1  }
0x3e: {  	(erf) = vrcp.f32 v6;
	_ =	sdelay $0x8  }
0x3f: {  	v6 =	vpop (erf)  }
0x40: {  	s31 =	simm.s32 $0x20;
	[tilespmem:s23+$0x5100] =	vst v6  }
0x41: {  	v6 =	vld [tilespmem:s31+$0x10]  }
0x42: {  	v7 =	vld [tilespmem:s31+$0xFFFFFFF0]  }
0x43: {  	v8 =	vld [tilespmem:s31+$0xFFFFFFE0]  }
0x44: {  	s23 =	simm.s32 $0x28A0;
	v9 =	vld [tilespmem:s31+$0x0]  }
0x45: {  	s24 =	simm.s32 $0x60;
	v12 =	vld [tilespmem:s23+$0x10]  }
0x46: {  	v10 =	vld [tilespmem:s24+$0x10]  }
0x47: {  	v15 =	vld [tilespmem:s24+$0xFFFFFFF0]  }
0x48: {  	v16 =	vld [tilespmem:s24+$0xFFFFFFE0]  }
0x49: {  	v17 =	vld [tilespmem:s23+$0xFFFFFFE0]  }
0x4a: {  	v18 =	vld [tilespmem:s23+$0xFFFFFFF0]  }
0x4b: {  	v11 =	vld [tilespmem:s23+$0x0]  }
0x4c: {  	v6 =	vld.idx.msk [tilespmem:v6+s13+$0x0], $0xffff  }
0x4d: {  	v14 =	vld.idx.msk [tilespmem:v7+s13+$0x0], $0xffff  }
0x4e: {  	v13 =	vld.idx.msk [tilespmem:v8+s13+$0x0], $0xffff  }
0x4f: {  	v7 =	vld [tilespmem:s24+$0x0]  }
0x50: {  	v8 =	vld.idx.msk [tilespmem:v9+s13+$0x0], $0xffff  }
0x51: {  	v10 =	vld.idx.msk [tilespmem:v10+s13+$0x0], $0xffff;
	s24 =	simm.s32 $0x28E0  }
0x52: {  	v6 =	vmul.f32 v12, v6;
	v12 =	vld [tilespmem:s24+$0x10]  }
0x53: {  	v9 =	vld.idx.msk [tilespmem:v15+s13+$0x0], $0xffff;
	v13 =	vmul.f32 v17, v13  }
0x54: {  	s25 =	simm.s32 $0x40;
	s26 =	simm.s32 $0xA0;
	v14 =	vmul.f32 v18, v14;
	[tilespmem:s23+$0x10] =	vst v6;
	v6 =	vld.idx.msk [tilespmem:v16+s13+$0x0], $0xffff  }
.LBB2_4:
0x55: {  	v15 =	vld [tilespmem:s26+$0x10];
	s25 =	sadd.s32 $0x40, s25;
	[tilespmem:s23+$0xFFFFFFE0] =	vst v13;
	v8 =	vmul.f32 v11, v8  }
0x56: {  	v13 =	vld [tilespmem:s26+$0xFFFFFFF0];
	p0 =	slt.u32 s25, $0x2840;
	[tilespmem:s23+$0xFFFFFFF0] =	vst v14  }
0x57: {  	v14 =	vld [tilespmem:s26+$0x0];
	v10 =	vmul.f32 v12, v10;
	[tilespmem:s23+$0x0] =	vst v8;
	s23 =	smov.u32 s24  }
0x58: {  	v16 =	vld [tilespmem:s26+$0xFFFFFFE0]  }
0x59: {  	v17 =	vmov v9;
	v8 =	vld.idx.msk [tilespmem:v7+s13+$0x0], $0xffff;
	[tilespmem:s24+$0x10] =	vst v10  }
0x5a: {  	v18 =	vld [tilespmem:s24+$0xFFFFFFE0]  }
0x5b: {  	v19 =	vld [tilespmem:s24+$0xFFFFFFF0]  }
.Ltmp1:
0x5c: {  	v11 =	vld [tilespmem:s24+$0x0];
	v7 =	vmov v14;
	(pc) =	sbr.rel @p0 .LBB2_4-.Ltmp1, $4  }
0x5d: {  	s24 =	sadd.s32 $0x40, s24;
	v10 =	vld.idx.msk [tilespmem:v15+s13+$0x0], $0xffff  }
0x5e: {  	v12 =	vld [tilespmem:s24+$0x10]  }
0x5f: {  	v9 =	vld.idx.msk [tilespmem:v13+s13+$0x0], $0xffff;
	v13 =	vmul.f32 v18, v6  }
0x60: {  	s26 =	sadd.s32 $0x40, s26;
	v6 =	vld.idx.msk [tilespmem:v16+s13+$0x0], $0xffff;
	v14 =	vmul.f32 v19, v17  }
0x61: {  	_ =	sdelay $0x3  }
0x62: {  	v7 =	vld.idx.msk [tilespmem:v7+s13+$0x0], $0xffff  }
0x63: {  	v15 =	vld [tilespmem:s24+$0xFFFFFFE0]  }
0x64: {  	v16 =	vld [tilespmem:s24+$0xFFFFFFF0]  }
0x65: {  	v17 =	vld [tilespmem:s24+$0x0]  }
0x66: {  	[tilespmem:s23+$0xFFFFFFE0] =	vst v13;
	v8 =	vmul.f32 v11, v8  }
0x67: {  	[tilespmem:s23+$0xFFFFFFF0] =	vst v14;
	v10 =	vmul.f32 v12, v10  }
0x68: {  	[tilespmem:s23+$0x0] =	vst v8;
	v6 =	vmul.f32 v15, v6  }
0x69: {  	[tilespmem:s24+$0x10] =	vst v10;
	v63 =	vmul.f32 v16, v9  }
0x6a: {  	[tilespmem:s24+$0xFFFFFFE0] =	vst v6;
	v6 =	vmul.f32 v17, v7  }
0x6b: {  	[tilespmem:s24+$0xFFFFFFF0] =	vst v63  }
0x6c: {  	s23 =	simm.s32 $0x0;
	[tilespmem:s24+$0x0] =	vst v6  }
0x6d: {  	[hbm4b:s10+s23] =	stream.linear.scatter [tilespmem:s15], [sflag:$0x2], $0x2880, $0x38;
	[tilespmem:$0x11280] =	vst v63  }
0x6e: {  	_ =	swait.ge [sflag:s20], $0x2880  }
0x6f: {  	[sflag:s20] =	ssyncset.done $0x0  }
0x70: {  	s24 =	simm.s32 $0x0;
	[sflag:s20] =	ssyncadd.s32 $0xFFFFD780  }
.LBB2_6:
0x71: {  	p0 =	sne.s32 s24, $0x8000  }
.Ltmp2:
0x72: {  	s25 =	sshra.s32 s24, $0x2;
	(pc) =	sbr.rel @p0 .LBB2_6-.Ltmp2, $4  }
0x73: {  	[tilespmem:s25+$0xF240] =	vst v1  }
0x74: {  	[tilespmem:s25+$0xF250] =	vst v1  }
0x75: {  	[tilespmem:s25+$0xF260] =	vst v1  }
0x76: {  	s24 =	sadd.s32 $0x100, s24;
	[tilespmem:s25+$0xF270] =	vst v1  }
0x77: {  	s24 =	simm.s32 $0xA110;
	s25 =	simm.s32 $0xC910  }
.LBB2_8:
0x78: {  	s26 =	sshll.u32 s23, $0x4  }
0x79: {  	v7 =	vld [tilespmem:s26+$0xF100];
	_ =	sdelay $0x2  }
0x7a: {  	s28 =	simm.s32 $0x0  }
0x7b: {  	v8 =	vmov s28  }
0x7c: {  	v6 =	vperm.xlane v7, v8;
	_ =	sdelay $0x1  }
0x7d: {  	v10 =	vld [tilespmem:s25+$0xFFFFFFF0];
	v9 =	vshll.u32 v6, $0x6  }
0x7e: {  	v12 =	vld [tilespmem:s24+$0xFFFFFFF0];
	v11 =	vor.u32 v0, v9  }
0x7f: {  	v6 =	vld.idx.msk [tilespmem:v5+s26+$0x0 ss:$0x1], $0xffff;
	_ =	sdelay $0x3  }
0x80: {  	v14 =	vunpack.i.l.bf16.f32 v12;
	v15 =	vunpack.i.l.bf16.f32 v10;
	v13 =	vld.idx.msk [tilespmem:v11+s21+$0x0], $0xffff  }
0x81: {  	v16 =	vperm.xlane v6, v8;
	v8 =	vadd.f32 v15, v14  }
0x82: {  	v14 =	vor.u32 v2, v9  }
0x83: {  	v8 =	vmul.f32 v8, v16;
	_ =	sdelay $0x1  }
0x84: {  	v8 =	vmax.f32 v13, v8  }
0x85: {  	[tilespmem:v11+s21+$0x0] =	vst.idx.msk $0xffff, v8  }
0x86: {  	v8 =	vunpack.i.u.bf16.f32 v10;
	v10 =	vunpack.i.u.bf16.f32 v12;
	v11 =	vld.idx.msk [tilespmem:v14+s21+$0x0], $0xffff  }
0x87: {  	v8 =	vadd.f32 v8, v10;
	_ =	sdelay $0x1  }
0x88: {  	v8 =	vmul.f32 v8, v16;
	_ =	sdelay $0x1  }
0x89: {  	v8 =	vmax.f32 v11, v8  }
0x8a: {  	[tilespmem:v14+s21+$0x0] =	vst.idx.msk $0xffff, v8  }
0x8b: {  	v8 =	vld [tilespmem:s24+$0x0]  }
0x8c: {  	v10 =	vor.u32 v3, v9;
	v11 =	vld [tilespmem:s25+$0x0];
	_ =	sdelay $0x4  }
0x8d: {  	v12 =	vld.idx.msk [tilespmem:v10+s21+$0x0], $0xffff;
	v13 =	vunpack.i.l.bf16.f32 v8;
	v14 =	vunpack.i.l.bf16.f32 v11  }
0x8e: {  	v13 =	vadd.f32 v14, v13  }
0x8f: {  	v9 =	vor.u32 v4, v9  }
0x90: {  	v13 =	vmul.f32 v13, v16  }
0x91: {  	v8 =	vunpack.i.u.bf16.f32 v8;
	v11 =	vunpack.i.u.bf16.f32 v11  }
0x92: {  	v14 =	vadd.f32 v11, v8;
	v8 =	vmax.f32 v12, v13  }
0x93: {  	[tilespmem:v10+s21+$0x0] =	vst.idx.msk $0xffff, v8  }
0x94: {  	v11 =	vld.idx.msk [tilespmem:v9+s21+$0x0], $0xffff  }
0x95: {  	s30 =	simm.s32 $0x1  }
0x96: {  	v8 =	vmov s30  }
0x97: {  	s31 =	simm.s32 $0x2;
	s28 =	smov.u32 s25;
	s26 =	smov.u32 s24;
	v12 =	vmul.f32 v14, v16;
	v10 =	vperm.xlane v7, v8  }
.LBB2_9:
0x98: {  	s26 =	sadd.s32 $0x20, s26  }
0x99: {  	v11 =	vmax.f32 v11, v12;
	s28 =	sadd.s32 $0x20, s28;
	s30 =	smov.u32 s31;
	s29 =	sadd.s32 $0x1, s31  }
0x9a: {  	p0 =	sne.s32 s31, $0xF;
	v10 =	vshll.u32 v10, $0x6;
	[tilespmem:v9+s21+$0x0] =	vst.idx.msk $0xffff, v11  }
0x9b: {  	v9 =	vld [tilespmem:s28+$0xFFFFFFF0];
	v11 =	vor.u32 v0, v10  }
0x9c: {  	v12 =	vld [tilespmem:s26+$0xFFFFFFF0];
	_ =	sdelay $0x3  }
0x9d: {  	v13 =	vunpack.i.u.bf16.f32 v9;
	v14 =	vld.idx.msk [tilespmem:v11+s21+$0x0], $0xffff  }
0x9e: {  	v9 =	vunpack.i.l.bf16.f32 v9;
	v15 =	vunpack.i.u.bf16.f32 v12;
	v12 =	vunpack.i.l.bf16.f32 v12  }
0x9f: {  	v8 =	vperm.xlane v6, v8;
	v9 =	vadd.f32 v9, v12;
	v12 =	vadd.f32 v13, v15  }
0xa0: {  	v13 =	vor.u32 v2, v10  }
0xa1: {  	v9 =	vmul.f32 v9, v8;
	_ =	sdelay $0x1  }
0xa2: {  	v9 =	vmax.f32 v14, v9  }
0xa3: {  	[tilespmem:v11+s21+$0x0] =	vst.idx.msk $0xffff, v9  }
0xa4: {  	v9 =	vld.idx.msk [tilespmem:v13+s21+$0x0], $0xffff;
	_ =	sdelay $0x3  }
0xa5: {  	v11 =	vmul.f32 v12, v8;
	_ =	sdelay $0x1  }
0xa6: {  	v9 =	vmax.f32 v9, v11  }
0xa7: {  	v11 =	vor.u32 v3, v10;
	[tilespmem:v13+s21+$0x0] =	vst.idx.msk $0xffff, v9  }
0xa8: {  	v9 =	vld [tilespmem:s26+$0x0]  }
0xa9: {  	v12 =	vld [tilespmem:s28+$0x0];
	_ =	sdelay $0x2  }
0xaa: {  	v13 =	vld.idx.msk [tilespmem:v11+s21+$0x0], $0xffff  }
0xab: {  	v14 =	vunpack.i.l.bf16.f32 v9  }
0xac: {  	v9 =	vunpack.i.u.bf16.f32 v9;
	v15 =	vunpack.i.u.bf16.f32 v12;
	v12 =	vunpack.i.l.bf16.f32 v12  }
0xad: {  	v12 =	vadd.f32 v12, v14;
	v14 =	vadd.f32 v15, v9;
	v9 =	vor.u32 v4, v10;
	_ =	sdelay $0x1  }
0xae: {  	v10 =	vmul.f32 v12, v8;
	_ =	sdelay $0x1  }
0xaf: {  	v10 =	vmax.f32 v13, v10  }
0xb0: {  	[tilespmem:v11+s21+$0x0] =	vst.idx.msk $0xffff, v10  }
0xb1: {  	v11 =	vld.idx.msk [tilespmem:v9+s21+$0x0], $0xffff  }
.Ltmp3:
0xb2: {  	(pc) =	sbr.rel @p0 .LBB2_9-.Ltmp3, $4  }
0xb3: {  	_ = 	snop  }
0xb4: {  	v12 =	vmul.f32 v14, v8  }
0xb5: {  	v8 =	vmov s30  }
0xb6: {  	s31 =	smov.u32 s29;
	v10 =	vperm.xlane v7, v8  }
0xb7: {  	_ =	sdelay $0x2  }
0xb8: {  	v7 =	vmax.f32 v11, v12  }
0xb9: {  	s28 =	sadd.s32 $0x20, s28;
	[tilespmem:v9+s21+$0x0] =	vst.idx.msk $0xffff, v7  }
0xba: {  	s26 =	sadd.s32 $0x20, s26;
	v7 =	vshll.u32 v10, $0x6;
	v9 =	vld [tilespmem:s28+$0xFFFFFFF0]  }
0xbb: {  	v10 =	vor.u32 v0, v7;
	v51 =	vld [tilespmem:s26+$0xFFFFFFF0];
	_ =	sdelay $0x4  }
0xbc: {  	v52 =	vld.idx.msk [tilespmem:v10+s21+$0x0], $0xffff;
	v13 =	vunpack.i.l.bf16.f32 v51;
	v14 =	vunpack.i.l.bf16.f32 v9  }
0xbd: {  	v6 =	vperm.xlane v6, v8;
	v53 =	vadd.f32 v14, v13  }
0xbe: {  	v54 =	vor.u32 v2, v7  }
0xbf: {  	v8 =	vmul.f32 v53, v6;
	_ =	sdelay $0x1  }
0xc0: {  	v8 =	vmax.f32 v52, v8  }
0xc1: {  	[tilespmem:v10+s21+$0x0] =	vst.idx.msk $0xffff, v8  }
0xc2: {  	v55 =	vunpack.i.u.bf16.f32 v9;
	v56 =	vunpack.i.u.bf16.f32 v51;
	v10 =	vld.idx.msk [tilespmem:v54+s21+$0x0], $0xffff  }
0xc3: {  	v8 =	vadd.f32 v55, v56;
	_ =	sdelay $0x1  }
0xc4: {  	v8 =	vmul.f32 v8, v6;
	_ =	sdelay $0x1  }
0xc5: {  	v8 =	vmax.f32 v10, v8  }
0xc6: {  	[tilespmem:v54+s21+$0x0] =	vst.idx.msk $0xffff, v8  }
0xc7: {  	v8 =	vld [tilespmem:s26+$0x0]  }
0xc8: {  	v57 =	vor.u32 v3, v7;
	v58 =	vld [tilespmem:s28+$0x0];
	_ =	sdelay $0x4  }
0xc9: {  	v59 =	vld.idx.msk [tilespmem:v57+s21+$0x0], $0xffff;
	v60 =	vunpack.i.l.bf16.f32 v8;
	v61 =	vunpack.i.l.bf16.f32 v58  }
0xca: {  	v12 =	vadd.f32 v61, v60  }
0xcb: {  	v7 =	vor.u32 v4, v7  }
0xcc: {  	v12 =	vmul.f32 v12, v6;
	_ =	sdelay $0x1  }
0xcd: {  	v11 =	vmax.f32 v59, v12  }
0xce: {  	[tilespmem:v57+s21+$0x0] =	vst.idx.msk $0xffff, v11  }
0xcf: {  	s23 =	sadd.s32 $0x1, s23;
	v8 =	vunpack.i.u.bf16.f32 v8;
	v62 =	vunpack.i.u.bf16.f32 v58;
	v63 =	vld.idx.msk [tilespmem:v7+s21+$0x0], $0xffff  }
0xd0: {  	p0 =	sne.s32 s23, $0x14;
	v8 =	vadd.f32 v62, v8  }
.Ltmp4:
0xd1: {  	_ = 	snop;
	(pc) =	sbr.rel @p0 .LBB2_8-.Ltmp4, $3  }
0xd2: {  	v6 =	vmul.f32 v8, v6;
	_ =	sdelay $0x1  }
0xd3: {  	v6 =	vmax.f32 v63, v6  }
0xd4: {  	s24 =	sadd.s32 $0x200, s24;
	s25 =	sadd.s32 $0x200, s25;
	[tilespmem:v7+s21+$0x0] =	vst.idx.msk $0xffff, v6  }
0xd5: {  	s22 =	sadd.s32 $0x1, s22  }
0xd6: {  	p0 =	sne.s32 s22, s12  }
.Ltmp5:
0xd7: {  	_ = 	snop;
	(pc) =	sbr.rel @p0 .LBB2_1-.Ltmp5, $4  }
0xd8: {  	[hbm4b:s11+s2] =	stream.linear.scatter [tilespmem:s21], [sflag:$0x2], $0x2040, $0x38;
	[tilespmem:$0x11280] =	vst v63  }
0xd9: {  	_ =	swait.ge [sflag:s20], $0x2040  }
0xda: {  	[sflag:s20] =	ssyncset.done $0x0  }
0xdb: {  	[sflag:s20] =	ssyncadd.s32 $0xFFFFDFC0  }
0xdc: {  	_ =	sfence.sel $0x180000  }
0xdd: {  	[bflag:$0x0] =	sbarrier.arrive $0xFFFF  }
0xde: {  	p0 =	sne.s32 s1, $0x0;
	_ =	strace $0x9000004A  }
0xdf: {  	s0 =	sadd.s32 @!p0 $0x100000, s0;
	[bflag:$0x2] =	sbarrier.arrive $0xFFFF  }
0xe0: {  	[sflag:s0] =	ssyncadd.tile.s32 @!p0 $0x1;
	_ =	shalt  }
.Lfunc_end2:
_tile_overlayer_lowered:
.L_overlay_start_2:
0xe1: {  	(tag) =	ssettag $0x2  }
0xe2: {  	s0 =	rddreg [dreg:$0x0];
	s2 =	stileid.u32  }
0xe3: {  	s1 =	rddreg [dreg:$0x1];
	p0 =	sne.s32 s2, $0x0  }
0xe4: {  	s3 =	rddreg [dreg:$0x2];
	[bflag:$0x3] =	sbarrier.arrive $0xFFFF;
	s2 =	simm.s32 @!p0 $0x1C02  }
0xe5: {  	[timem:s3], [sflag:s2] =	dma.local @!p0 [hbm:s0], s1  }
0xe6: {  	s0 =	simm.s32 @!p0 $0x2  }
0xe7: {  	_ =	swait.ge @!p0 [sflag:s0], s1  }
0xe8: {  	s1 =	ssub.s32 @!p0 $0x0, s1;
	[sflag:s0] =	ssyncset.done @!p0 $0x0  }
0xe9: {  	[sflag:s0] =	ssyncadd.s32 @!p0 s1  }
0xea: {  	[bflag:$0x3] =	sbarrier.arrive $0xFFFF  }
0xeb: {  	_ =	shalt  }

</sc_bundles>
